<compile_context>
chip_gen: v7x
topology: tpu7x:2x2x1
jax: 0.10.2.dev20260603
libtpu: 0.0.44.dev20260713+nightly
codegen_flags: <defaults>
</compile_context>

<pallas_src>
import functools

import jax
import jax.numpy as jnp
from jax import lax
from jax.experimental import pallas as pl
from jax.experimental.pallas import tpu as pltpu
from jax.experimental.pallas import tpu_sc as plsc

NC = 2
NS = 16
CK = 64



def _wx_body(x_ref, w_ref, f_ref, i_ref, u_ref, o_ref):
    d = f_ref.shape[1]
    wx = jnp.dot(x_ref[...], w_ref[...], preferred_element_type=jnp.float32)
    f_ref[...] = wx[:, :d]
    i_ref[...] = wx[:, d:2 * d]
    u_ref[...] = wx[:, 2 * d:3 * d]
    o_ref[...] = wx[:, 3 * d:]


def _wx_split(x, W):
    n, d = x.shape
    bn = 512
    grid = (n + bn - 1) // bn
    out = jax.ShapeDtypeStruct((n, d), jnp.float32)
    return pl.pallas_call(
        _wx_body,
        grid=(grid,),
        in_specs=[
            pl.BlockSpec((bn, d), lambda i: (i, 0)),
            pl.BlockSpec((d, 4 * d), lambda i: (0, 0)),
        ],
        out_specs=[pl.BlockSpec((bn, d), lambda i: (i, 0))] * 4,
        out_shape=[out] * 4,
    )(x, W)


def _ufh_body(h_ref, uf_ref, out_ref):
    out_ref[...] = jnp.dot(h_ref[...], uf_ref[...],
                           preferred_element_type=jnp.float32)


def _ufh(child_h, U_f):
    e, d = child_h.shape
    be = 2048
    grid = (e + be - 1) // be
    return pl.pallas_call(
        _ufh_body,
        grid=(grid,),
        in_specs=[
            pl.BlockSpec((be, d), lambda i: (i, 0)),
            pl.BlockSpec((d, d), lambda i: (0, 0)),
        ],
        out_specs=pl.BlockSpec((be, d), lambda i: (i, 0)),
        out_shape=jax.ShapeDtypeStruct((e, d), jnp.float32),
    )(child_h, U_f)


def _gates_body(ph_ref, pf_ref, wi_ref, wu_ref, wo_ref, uiuo_ref,
                h_ref, c_ref):
    d = wi_ref.shape[1]
    h_sum = ph_ref[0] + ph_ref[1]
    branch_f = pf_ref[0] + pf_ref[1]
    iuo = jnp.dot(h_sum, uiuo_ref[...], preferred_element_type=jnp.float32)
    gi = jax.nn.sigmoid(iuo[:, :d] + wi_ref[...])
    gu = jnp.tanh(iuo[:, d:2 * d] + wu_ref[...])
    go = jax.nn.sigmoid(iuo[:, 2 * d:] + wo_ref[...])
    new_c = gi * gu + branch_f
    c_ref[...] = new_c
    h_ref[...] = go * jnp.tanh(new_c)


def _gates(ph, pf, wix, wux, wox, U_iuo):
    n, d = wix.shape
    bn = 512
    grid = (n + bn - 1) // bn
    out = jax.ShapeDtypeStruct((n, d), jnp.float32)
    return pl.pallas_call(
        _gates_body,
        grid=(grid,),
        in_specs=[
            pl.BlockSpec((2, bn, d), lambda i: (0, i, 0)),
            pl.BlockSpec((2, bn, d), lambda i: (0, i, 0)),
            pl.BlockSpec((bn, d), lambda i: (i, 0)),
            pl.BlockSpec((bn, d), lambda i: (i, 0)),
            pl.BlockSpec((bn, d), lambda i: (i, 0)),
            pl.BlockSpec((d, 3 * d), lambda i: (0, 0)),
        ],
        out_specs=[pl.BlockSpec((bn, d), lambda i: (i, 0))] * 2,
        out_shape=[out] * 2,
    )(ph, pf, wix, wux, wox, U_iuo)



def _zero_vmem_rows(buf, nrows, d):
    zero = jnp.zeros((16,), jnp.float32)

    def body(r, _):
        for c8 in range(d // 16):
            buf[r, pl.ds(c8 * 16, 16)] = zero
        return 0

    lax.fori_loop(0, nrows, body, 0)


def _zero_stripe(acc, buf, sid, n_pad, d):
    stripe = n_pad // NS
    base = sid * stripe
    full, rem = divmod(stripe, CK)
    for k in range(full):
        pltpu.sync_copy(buf, acc.at[pl.ds(base + k * CK, CK)])
    if rem:
        pltpu.sync_copy(buf.at[pl.ds(0, rem)],
                        acc.at[pl.ds(base + full * CK, rem)])


def _write_stripe(acc, out, cid, sid, n_pad):
    stripe = n_pad // NS
    base = sid * stripe
    full, rem = divmod(stripe, CK)
    for k in range(full):
        pltpu.sync_copy(acc.at[pl.ds(base + k * CK, CK)],
                        out.at[cid, pl.ds(base + k * CK, CK)])
    if rem:
        pltpu.sync_copy(acc.at[pl.ds(base + full * CK, rem)],
                        out.at[cid, pl.ds(base + full * CK, rem)])


def _hsum_sc(n_pad, e, d, n_chunks, j_per_w):

    def body(ch_hbm, idx_hbm, out_hbm, idx_blk, rows, acc):
        cid = lax.axis_index("c")
        sid = lax.axis_index("s")
        w = cid * NS + sid

        _zero_vmem_rows(rows, CK, d)
        _zero_stripe(acc, rows, sid, n_pad, d)
        plsc.subcore_barrier()

        pltpu.sync_copy(idx_hbm.at[pl.ds(w * j_per_w, j_per_w)], idx_blk)

        def chunk(j, _):
            chunk_id = w * j_per_w + j

            @pl.when(chunk_id < n_chunks)
            def _():
                pltpu.sync_copy(ch_hbm.at[pl.ds(chunk_id * CK, CK)], rows)
                pltpu.sync_copy(rows, acc.at[idx_blk.at[j]], add=True)

            return 0

        lax.fori_loop(0, j_per_w, chunk, 0)
        plsc.subcore_barrier()
        _write_stripe(acc, out_hbm, cid, sid, n_pad)

    mesh = plsc.VectorSubcoreMesh(core_axis_name="c", subcore_axis_name="s")
    return pl.kernel(
        body,
        out_type=jax.ShapeDtypeStruct((NC, n_pad, d), jnp.float32),
        mesh=mesh,
        scratch_types=[
            pltpu.VMEM((j_per_w, CK), jnp.int32),
            pltpu.VMEM((CK, d), jnp.float32),
            pltpu.VMEM_SHARED((n_pad, d), jnp.float32),
        ],
    )


def _branchf_sc(n_pad, e, d, n_chunks, j_per_w):

    def body(wfx_hbm, ufh_hbm, cc_hbm, idx_hbm, out_hbm,
             idx_blk, g, u, c, acc, sem):
        cid = lax.axis_index("c")
        sid = lax.axis_index("s")
        w = cid * NS + sid

        _zero_vmem_rows(g, CK, d)
        _zero_stripe(acc, g, sid, n_pad, d)
        plsc.subcore_barrier()

        pltpu.sync_copy(idx_hbm.at[pl.ds(w * j_per_w, j_per_w)], idx_blk)

        def chunk(j, _):
            chunk_id = w * j_per_w + j

            @pl.when(chunk_id < n_chunks)
            def _():
                idxj = idx_blk.at[j]
                gather = pltpu.async_copy(wfx_hbm.at[idxj], g, sem)
                pltpu.sync_copy(ufh_hbm.at[pl.ds(chunk_id * CK, CK)], u)
                pltpu.sync_copy(cc_hbm.at[pl.ds(chunk_id * CK, CK)], c)
                gather.wait()

                def row(r, _):
                    for c8 in range(d // 16):
                        s = pl.ds(c8 * 16, 16)
                        xv = g[r, s] + u[r, s]
                        f = 1.0 / (1.0 + jnp.exp(-xv))
                        g[r, s] = f * c[r, s]
                    return 0

                lax.fori_loop(0, CK, row, 0)
                pltpu.sync_copy(g, acc.at[idxj], add=True)

            return 0

        lax.fori_loop(0, j_per_w, chunk, 0)
        plsc.subcore_barrier()
        _write_stripe(acc, out_hbm, cid, sid, n_pad)

    mesh = plsc.VectorSubcoreMesh(core_axis_name="c", subcore_axis_name="s")
    return pl.kernel(
        body,
        out_type=jax.ShapeDtypeStruct((NC, n_pad, d), jnp.float32),
        mesh=mesh,
        scratch_types=[
            pltpu.VMEM((j_per_w, CK), jnp.int32),
            pltpu.VMEM((CK, d), jnp.float32),
            pltpu.VMEM((CK, d), jnp.float32),
            pltpu.VMEM((CK, d), jnp.float32),
            pltpu.VMEM_SHARED((n_pad, d), jnp.float32),
            pltpu.SemaphoreType.DMA,
        ],
    )



@jax.jit
def kernel(x, child_h, child_c, parent_idx, W, U_f, U_iuo):
    n, d = x.shape
    e = child_h.shape[0]
    n_chunks = e // CK
    n_workers = NC * NS
    j_per_w = -(-n_chunks // n_workers)
    j_per_w = (j_per_w + 7) // 8 * 8
    n_pad = NS * ((-(-n // NS) + 7) // 8 * 8)

    pidx2d = parent_idx.reshape(n_chunks, CK)
    pad = n_workers * j_per_w - n_chunks
    if pad:
        pidx2d = jnp.pad(pidx2d, ((0, pad), (0, 0)))

    wfx, wix, wux, wox = _wx_split(x, W)
    ufh = _ufh(child_h, U_f)

    ph = _hsum_sc(n_pad, e, d, n_chunks, j_per_w)(child_h, pidx2d)
    pf = _branchf_sc(n_pad, e, d, n_chunks, j_per_w)(wfx, ufh, child_c, pidx2d)

    new_h, new_c = _gates(ph, pf, wix, wux, wox, U_iuo)
    return new_h, new_c

# --- scband reference (transcript-rebuilt; emitter-appended) ---
"""Pipeline reference for scband-child-sum-lstmlayer2-57045755625483 (READ-ONLY COPY).

The authoritative reference and input builder live on the scoring server;
editing this copy changes nothing except your own understanding.
"""

import jax, jax.numpy as jnp
import numpy as np

N = 10000
E = 320000
D = 128


def setup_inputs(seed: int = 0) -> dict:
    key = jax.random.key(seed)
    ks = jax.random.split(key, 7)
    x = jax.random.normal(ks[0], (N, D), dtype=jnp.float32)
    child_h = jax.random.normal(ks[1], (E, D), dtype=jnp.float32)
    child_c = jax.random.normal(ks[2], (E, D), dtype=jnp.float32)
    parent_idx = jnp.sort(jax.random.randint(ks[3], (E,), 0, N, dtype=jnp.int32)).astype(jnp.int32)
    scale = 1.0 / np.sqrt(D)
    W = jax.random.normal(ks[4], (D, 4 * D), dtype=jnp.float32) * scale
    U_f = jax.random.normal(ks[5], (D, D), dtype=jnp.float32) * scale
    U_iuo = jax.random.normal(ks[6], (D, 3 * D), dtype=jnp.float32) * scale
    return {"x": x, "child_h": child_h, "child_c": child_c,
            "parent_idx": parent_idx, "W": W, "U_f": U_f, "U_iuo": U_iuo}


def reference(x, child_h, child_c, parent_idx, W, U_f, U_iuo):
    # Flat (batched) reformulation of ChildSumLSTMLayer2.apply over one tree level:
    # nodes' inputs x [N, D]; per-edge child hidden/cell states [E, D];
    # parent_idx [E] maps each child edge to its parent node (segment id).
    d = W.shape[1] // 4
    n = x.shape[0]
    W_x = x @ W  # [N, 4D]
    W_f_x = W_x[:, :d]
    W_i_x = W_x[:, d:2 * d]
    W_u_x = W_x[:, 2 * d:3 * d]
    W_o_x = W_x[:, 3 * d:]
    # per-child forget gates: sigmoid(W_f x_parent + U_f h_child)  (gather by parent_idx)
    f_k = jax.nn.sigmoid(jnp.take(W_f_x, parent_idx, axis=0) + child_h @ U_f)  # [E, D]
    # branch_f = sum_k f_k * c_k per parent (scatter-add / segment_sum)
    branch_f = jax.ops.segment_sum(f_k * child_c, parent_idx, num_segments=n)  # [N, D]
    # child-sum hidden state per parent
    h_sum = jax.ops.segment_sum(child_h, parent_idx, num_segments=n)  # [N, D]
    iuo = h_sum @ U_iuo  # [N, 3D]
    i = jax.nn.sigmoid(iuo[:, :d] + W_i_x)
    u = jnp.tanh(iuo[:, d:2 * d] + W_u_x)
    o = jax.nn.sigmoid(iuo[:, 2 * d:] + W_o_x)
    new_c = i * u + branch_f
    new_h = o * jnp.tanh(new_c)
    return new_h, new_c

if __name__ == "__main__":
    import jax
    _d = setup_inputs()
    print(jax.jit(kernel)(*tuple(_d.values())))

</pallas_src>

<mosaic_0001>
#map = affine_map<(d0, d1) -> (0, 0)>
#map1 = affine_map<(d0, d1) -> (0, 0, 0)>
module attributes {stable_mosaic.version = 14 : i64} {
  func.func @body(%arg0: i32, %arg1: i32, %arg2: memref<10000x128xf32, #tpu.memory_space<hbm>>, %arg3: memref<320000x128xf32, #tpu.memory_space<hbm>>, %arg4: memref<320000x128xf32, #tpu.memory_space<hbm>>, %arg5: memref<5120x64xi32, #tpu.memory_space<hbm>>, %arg6: memref<2x10112x128xf32, #tpu.memory_space<hbm>>, %arg7: memref<160x64xi32, #tpu.memory_space<vmem>>, %arg8: memref<64x128xf32, #tpu.memory_space<vmem>>, %arg9: memref<64x128xf32, #tpu.memory_space<vmem>>, %arg10: memref<64x128xf32, #tpu.memory_space<vmem>>, %arg11: memref<10112x128xf32, #tpu.memory_space<vmem_shared>>, %arg12: memref<!tpu.dma_semaphore, #tpu.memory_space<semaphore_mem>>) attributes {dimension_semantics = [#tpu.dimension_semantics<core_parallel>, #tpu.dimension_semantics<subcore_parallel>], iteration_bounds = array<i64: 2, 16>, scalar_prefetch = 0 : i64, scratch_operands = 6 : i64, tpu.core_type = #tpu.core_type<sc_vector_subcore>, window_params = [{transform_indices = #map}, {transform_indices = #map}, {transform_indices = #map}, {transform_indices = #map}, {transform_indices = #map1}]} {
    %mul3A = arith.constant 16 : i32
    %mul3A_0 = arith.muli %arg0, %mul3A : i32
    %add3A = arith.addi %mul3A_0, %arg1 : i32
    %broadcast_in_dim3A = arith.constant 0.000000e+00 : f32
    %broadcast_in_dim3A_1 = vector.broadcast %broadcast_in_dim3A : f32 to vector<16xf32>
    %scan3A = arith.constant 0 : i32
    %scan3A_2 = arith.constant 0 : i32
    %scan3A_3 = arith.constant 64 : i32
    %scan3A_4 = arith.addi %scan3A_2, %scan3A_3 : i32
    %scan3A_5 = arith.constant 1 : i32
    %scan3A_6 = scf.for %scan3A_82 = %scan3A_2 to %scan3A_4 step %scan3A_5 iter_args(%scan3A_83 = %scan3A) -> (i32)  : i32 {
      %swap3A = arith.index_cast %scan3A_82 : i32 to index
      %swap3A_84 = arith.constant 0 : index
      %swap3A_85 = tpu.vector_load %arg8[%swap3A, %swap3A_84] {strides = array<i32>} : memref<64x128xf32, #tpu.memory_space<vmem>>, vector<1x16xf32>,
      %swap3A_86 = vector.shape_cast %swap3A_85 : vector<1x16xf32> to vector<16xf32>
      %swap3A_87 = vector.shape_cast %broadcast_in_dim3A_1 : vector<16xf32> to vector<1x16xf32>
      tpu.vector_store %arg8[%swap3A, %swap3A_84], %swap3A_87 {strides = array<i32>} : memref<64x128xf32, #tpu.memory_space<vmem>>, vector<1x16xf32>,
      %swap3A_88 = arith.index_cast %scan3A_82 : i32 to index
      %swap3A_89 = arith.constant 16 : index
      %swap3A_90 = tpu.vector_load %arg8[%swap3A_88, %swap3A_89] {strides = array<i32>} : memref<64x128xf32, #tpu.memory_space<vmem>>, vector<1x16xf32>,
      %swap3A_91 = vector.shape_cast %swap3A_90 : vector<1x16xf32> to vector<16xf32>
      %swap3A_92 = vector.shape_cast %broadcast_in_dim3A_1 : vector<16xf32> to vector<1x16xf32>
      tpu.vector_store %arg8[%swap3A_88, %swap3A_89], %swap3A_92 {strides = array<i32>} : memref<64x128xf32, #tpu.memory_space<vmem>>, vector<1x16xf32>,
      %swap3A_93 = arith.index_cast %scan3A_82 : i32 to index
      %swap3A_94 = arith.constant 32 : index
      %swap3A_95 = tpu.vector_load %arg8[%swap3A_93, %swap3A_94] {strides = array<i32>} : memref<64x128xf32, #tpu.memory_space<vmem>>, vector<1x16xf32>,
      %swap3A_96 = vector.shape_cast %swap3A_95 : vector<1x16xf32> to vector<16xf32>
      %swap3A_97 = vector.shape_cast %broadcast_in_dim3A_1 : vector<16xf32> to vector<1x16xf32>
      tpu.vector_store %arg8[%swap3A_93, %swap3A_94], %swap3A_97 {strides = array<i32>} : memref<64x128xf32, #tpu.memory_space<vmem>>, vector<1x16xf32>,
      %swap3A_98 = arith.index_cast %scan3A_82 : i32 to index
      %swap3A_99 = arith.constant 48 : index
      %swap3A_100 = tpu.vector_load %arg8[%swap3A_98, %swap3A_99] {strides = array<i32>} : memref<64x128xf32, #tpu.memory_space<vmem>>, vector<1x16xf32>,
      %swap3A_101 = vector.shape_cast %swap3A_100 : vector<1x16xf32> to vector<16xf32>
      %swap3A_102 = vector.shape_cast %broadcast_in_dim3A_1 : vector<16xf32> to vector<1x16xf32>
      tpu.vector_store %arg8[%swap3A_98, %swap3A_99], %swap3A_102 {strides = array<i32>} : memref<64x128xf32, #tpu.memory_space<vmem>>, vector<1x16xf32>,
      %swap3A_103 = arith.index_cast %scan3A_82 : i32 to index
      %swap3A_104 = arith.constant 64 : index
      %swap3A_105 = tpu.vector_load %arg8[%swap3A_103, %swap3A_104] {strides = array<i32>} : memref<64x128xf32, #tpu.memory_space<vmem>>, vector<1x16xf32>,
      %swap3A_106 = vector.shape_cast %swap3A_105 : vector<1x16xf32> to vector<16xf32>
      %swap3A_107 = vector.shape_cast %broadcast_in_dim3A_1 : vector<16xf32> to vector<1x16xf32>
      tpu.vector_store %arg8[%swap3A_103, %swap3A_104], %swap3A_107 {strides = array<i32>} : memref<64x128xf32, #tpu.memory_space<vmem>>, vector<1x16xf32>,
      %swap3A_108 = arith.index_cast %scan3A_82 : i32 to index
      %swap3A_109 = arith.constant 80 : index
      %swap3A_110 = tpu.vector_load %arg8[%swap3A_108, %swap3A_109] {strides = array<i32>} : memref<64x128xf32, #tpu.memory_space<vmem>>, vector<1x16xf32>,
      %swap3A_111 = vector.shape_cast %swap3A_110 : vector<1x16xf32> to vector<16xf32>
      %swap3A_112 = vector.shape_cast %broadcast_in_dim3A_1 : vector<16xf32> to vector<1x16xf32>
      tpu.vector_store %arg8[%swap3A_108, %swap3A_109], %swap3A_112 {strides = array<i32>} : memref<64x128xf32, #tpu.memory_space<vmem>>, vector<1x16xf32>,
      %swap3A_113 = arith.index_cast %scan3A_82 : i32 to index
      %swap3A_114 = arith.constant 96 : index
      %swap3A_115 = tpu.vector_load %arg8[%swap3A_113, %swap3A_114] {strides = array<i32>} : memref<64x128xf32, #tpu.memory_space<vmem>>, vector<1x16xf32>,
      %swap3A_116 = vector.shape_cast %swap3A_115 : vector<1x16xf32> to vector<16xf32>
      %swap3A_117 = vector.shape_cast %broadcast_in_dim3A_1 : vector<16xf32> to vector<1x16xf32>
      tpu.vector_store %arg8[%swap3A_113, %swap3A_114], %swap3A_117 {strides = array<i32>} : memref<64x128xf32, #tpu.memory_space<vmem>>, vector<1x16xf32>,
      %swap3A_118 = arith.index_cast %scan3A_82 : i32 to index
      %swap3A_119 = arith.constant 112 : index
      %swap3A_120 = tpu.vector_load %arg8[%swap3A_118, %swap3A_119] {strides = array<i32>} : memref<64x128xf32, #tpu.memory_space<vmem>>, vector<1x16xf32>,
      %swap3A_121 = vector.shape_cast %swap3A_120 : vector<1x16xf32> to vector<16xf32>
      %swap3A_122 = vector.shape_cast %broadcast_in_dim3A_1 : vector<16xf32> to vector<1x16xf32>
      tpu.vector_store %arg8[%swap3A_118, %swap3A_119], %swap3A_122 {strides = array<i32>} : memref<64x128xf32, #tpu.memory_space<vmem>>, vector<1x16xf32>,
      %scan3A_123 = arith.constant 0 : i32
      scf.yield %scan3A_123 : i32
    }
    %scan3A_7 = arith.constant 64 : i32
    %mul3A_8 = arith.constant 632 : i32
    %mul3A_9 = arith.muli %arg1, %mul3A_8 : i32
    %add3A_10 = arith.constant 0 : i32
    %add3A_11 = arith.addi %mul3A_9, %add3A_10 : i32
    "tpu.region"() ({
      %run_scoped3A = tpu.sem_alloc : memref<!tpu.dma_semaphore, #tpu.memory_space<semaphore_mem>>
      %dma_start3A = arith.constant 0 : i32
      %dma_start3A_82 = tpu.memref_slice %arg11[%add3A_11, %dma_start3A] : memref<10112x128xf32, #tpu.memory_space<vmem_shared>> -> memref<64x128xf32, #tpu.memory_space<vmem_shared>>
      %dma_start3A_83 = arith.constant 0 : i32
      %dma_start3A_84 = tpu.memref_slice %arg11[%add3A_11, %dma_start3A_83] : memref<10112x128xf32, #tpu.memory_space<vmem_shared>> -> memref<64x128xf32, #tpu.memory_space<vmem_shared>>
      tpu.enqueue_dma source(%arg8 : memref<64x128xf32, #tpu.memory_space<vmem>>) target(%dma_start3A_84 : memref<64x128xf32, #tpu.memory_space<vmem_shared>>) target_semaphore(%run_scoped3A : memref<!tpu.dma_semaphore, #tpu.memory_space<semaphore_mem>>)
      %dma_wait3A = arith.constant 0 : i32
      %dma_wait3A_85 = tpu.memref_slice %arg11[%add3A_11, %dma_wait3A] : memref<10112x128xf32, #tpu.memory_space<vmem_shared>> -> memref<64x128xf32, #tpu.memory_space<vmem_shared>>
      %dma_wait3A_86 = arith.constant 0 : i32
      %dma_wait3A_87 = tpu.memref_slice %arg11[%add3A_11, %dma_wait3A_86] : memref<10112x128xf32, #tpu.memory_space<vmem_shared>> -> memref<64x128xf32, #tpu.memory_space<vmem_shared>>
      tpu.wait_dma2 semaphore(%run_scoped3A : memref<!tpu.dma_semaphore, #tpu.memory_space<semaphore_mem>>) src(%arg8 : memref<64x128xf32, #tpu.memory_space<vmem>>) dst(%dma_wait3A_87 : memref<64x128xf32, #tpu.memory_space<vmem_shared>>)
      tpu.yield
    }) : () -> ()
    %add3A_12 = arith.constant 64 : i32
    %add3A_13 = arith.addi %mul3A_9, %add3A_12 : i32
    "tpu.region"() ({
      %run_scoped3A = tpu.sem_alloc : memref<!tpu.dma_semaphore, #tpu.memory_space<semaphore_mem>>
      %dma_start3A = arith.constant 0 : i32
      %dma_start3A_82 = tpu.memref_slice %arg11[%add3A_13, %dma_start3A] : memref<10112x128xf32, #tpu.memory_space<vmem_shared>> -> memref<64x128xf32, #tpu.memory_space<vmem_shared>>
      %dma_start3A_83 = arith.constant 0 : i32
      %dma_start3A_84 = tpu.memref_slice %arg11[%add3A_13, %dma_start3A_83] : memref<10112x128xf32, #tpu.memory_space<vmem_shared>> -> memref<64x128xf32, #tpu.memory_space<vmem_shared>>
      tpu.enqueue_dma source(%arg8 : memref<64x128xf32, #tpu.memory_space<vmem>>) target(%dma_start3A_84 : memref<64x128xf32, #tpu.memory_space<vmem_shared>>) target_semaphore(%run_scoped3A : memref<!tpu.dma_semaphore, #tpu.memory_space<semaphore_mem>>)
      %dma_wait3A = arith.constant 0 : i32
      %dma_wait3A_85 = tpu.memref_slice %arg11[%add3A_13, %dma_wait3A] : memref<10112x128xf32, #tpu.memory_space<vmem_shared>> -> memref<64x128xf32, #tpu.memory_space<vmem_shared>>
      %dma_wait3A_86 = arith.constant 0 : i32
      %dma_wait3A_87 = tpu.memref_slice %arg11[%add3A_13, %dma_wait3A_86] : memref<10112x128xf32, #tpu.memory_space<vmem_shared>> -> memref<64x128xf32, #tpu.memory_space<vmem_shared>>
      tpu.wait_dma2 semaphore(%run_scoped3A : memref<!tpu.dma_semaphore, #tpu.memory_space<semaphore_mem>>) src(%arg8 : memref<64x128xf32, #tpu.memory_space<vmem>>) dst(%dma_wait3A_87 : memref<64x128xf32, #tpu.memory_space<vmem_shared>>)
      tpu.yield
    }) : () -> ()
    %add3A_14 = arith.constant 128 : i32
    %add3A_15 = arith.addi %mul3A_9, %add3A_14 : i32
    "tpu.region"() ({
      %run_scoped3A = tpu.sem_alloc : memref<!tpu.dma_semaphore, #tpu.memory_space<semaphore_mem>>
      %dma_start3A = arith.constant 0 : i32
      %dma_start3A_82 = tpu.memref_slice %arg11[%add3A_15, %dma_start3A] : memref<10112x128xf32, #tpu.memory_space<vmem_shared>> -> memref<64x128xf32, #tpu.memory_space<vmem_shared>>
      %dma_start3A_83 = arith.constant 0 : i32
      %dma_start3A_84 = tpu.memref_slice %arg11[%add3A_15, %dma_start3A_83] : memref<10112x128xf32, #tpu.memory_space<vmem_shared>> -> memref<64x128xf32, #tpu.memory_space<vmem_shared>>
      tpu.enqueue_dma source(%arg8 : memref<64x128xf32, #tpu.memory_space<vmem>>) target(%dma_start3A_84 : memref<64x128xf32, #tpu.memory_space<vmem_shared>>) target_semaphore(%run_scoped3A : memref<!tpu.dma_semaphore, #tpu.memory_space<semaphore_mem>>)
      %dma_wait3A = arith.constant 0 : i32
      %dma_wait3A_85 = tpu.memref_slice %arg11[%add3A_15, %dma_wait3A] : memref<10112x128xf32, #tpu.memory_space<vmem_shared>> -> memref<64x128xf32, #tpu.memory_space<vmem_shared>>
      %dma_wait3A_86 = arith.constant 0 : i32
      %dma_wait3A_87 = tpu.memref_slice %arg11[%add3A_15, %dma_wait3A_86] : memref<10112x128xf32, #tpu.memory_space<vmem_shared>> -> memref<64x128xf32, #tpu.memory_space<vmem_shared>>
      tpu.wait_dma2 semaphore(%run_scoped3A : memref<!tpu.dma_semaphore, #tpu.memory_space<semaphore_mem>>) src(%arg8 : memref<64x128xf32, #tpu.memory_space<vmem>>) dst(%dma_wait3A_87 : memref<64x128xf32, #tpu.memory_space<vmem_shared>>)
      tpu.yield
    }) : () -> ()
    %add3A_16 = arith.constant 192 : i32
    %add3A_17 = arith.addi %mul3A_9, %add3A_16 : i32
    "tpu.region"() ({
      %run_scoped3A = tpu.sem_alloc : memref<!tpu.dma_semaphore, #tpu.memory_space<semaphore_mem>>
      %dma_start3A = arith.constant 0 : i32
      %dma_start3A_82 = tpu.memref_slice %arg11[%add3A_17, %dma_start3A] : memref<10112x128xf32, #tpu.memory_space<vmem_shared>> -> memref<64x128xf32, #tpu.memory_space<vmem_shared>>
      %dma_start3A_83 = arith.constant 0 : i32
      %dma_start3A_84 = tpu.memref_slice %arg11[%add3A_17, %dma_start3A_83] : memref<10112x128xf32, #tpu.memory_space<vmem_shared>> -> memref<64x128xf32, #tpu.memory_space<vmem_shared>>
      tpu.enqueue_dma source(%arg8 : memref<64x128xf32, #tpu.memory_space<vmem>>) target(%dma_start3A_84 : memref<64x128xf32, #tpu.memory_space<vmem_shared>>) target_semaphore(%run_scoped3A : memref<!tpu.dma_semaphore, #tpu.memory_space<semaphore_mem>>)
      %dma_wait3A = arith.constant 0 : i32
      %dma_wait3A_85 = tpu.memref_slice %arg11[%add3A_17, %dma_wait3A] : memref<10112x128xf32, #tpu.memory_space<vmem_shared>> -> memref<64x128xf32, #tpu.memory_space<vmem_shared>>
      %dma_wait3A_86 = arith.constant 0 : i32
      %dma_wait3A_87 = tpu.memref_slice %arg11[%add3A_17, %dma_wait3A_86] : memref<10112x128xf32, #tpu.memory_space<vmem_shared>> -> memref<64x128xf32, #tpu.memory_space<vmem_shared>>
      tpu.wait_dma2 semaphore(%run_scoped3A : memref<!tpu.dma_semaphore, #tpu.memory_space<semaphore_mem>>) src(%arg8 : memref<64x128xf32, #tpu.memory_space<vmem>>) dst(%dma_wait3A_87 : memref<64x128xf32, #tpu.memory_space<vmem_shared>>)
      tpu.yield
    }) : () -> ()
    %add3A_18 = arith.constant 256 : i32
    %add3A_19 = arith.addi %mul3A_9, %add3A_18 : i32
    "tpu.region"() ({
      %run_scoped3A = tpu.sem_alloc : memref<!tpu.dma_semaphore, #tpu.memory_space<semaphore_mem>>
      %dma_start3A = arith.constant 0 : i32
      %dma_start3A_82 = tpu.memref_slice %arg11[%add3A_19, %dma_start3A] : memref<10112x128xf32, #tpu.memory_space<vmem_shared>> -> memref<64x128xf32, #tpu.memory_space<vmem_shared>>
      %dma_start3A_83 = arith.constant 0 : i32
      %dma_start3A_84 = tpu.memref_slice %arg11[%add3A_19, %dma_start3A_83] : memref<10112x128xf32, #tpu.memory_space<vmem_shared>> -> memref<64x128xf32, #tpu.memory_space<vmem_shared>>
      tpu.enqueue_dma source(%arg8 : memref<64x128xf32, #tpu.memory_space<vmem>>) target(%dma_start3A_84 : memref<64x128xf32, #tpu.memory_space<vmem_shared>>) target_semaphore(%run_scoped3A : memref<!tpu.dma_semaphore, #tpu.memory_space<semaphore_mem>>)
      %dma_wait3A = arith.constant 0 : i32
      %dma_wait3A_85 = tpu.memref_slice %arg11[%add3A_19, %dma_wait3A] : memref<10112x128xf32, #tpu.memory_space<vmem_shared>> -> memref<64x128xf32, #tpu.memory_space<vmem_shared>>
      %dma_wait3A_86 = arith.constant 0 : i32
      %dma_wait3A_87 = tpu.memref_slice %arg11[%add3A_19, %dma_wait3A_86] : memref<10112x128xf32, #tpu.memory_space<vmem_shared>> -> memref<64x128xf32, #tpu.memory_space<vmem_shared>>
      tpu.wait_dma2 semaphore(%run_scoped3A : memref<!tpu.dma_semaphore, #tpu.memory_space<semaphore_mem>>) src(%arg8 : memref<64x128xf32, #tpu.memory_space<vmem>>) dst(%dma_wait3A_87 : memref<64x128xf32, #tpu.memory_space<vmem_shared>>)
      tpu.yield
    }) : () -> ()
    %add3A_20 = arith.constant 320 : i32
    %add3A_21 = arith.addi %mul3A_9, %add3A_20 : i32
    "tpu.region"() ({
      %run_scoped3A = tpu.sem_alloc : memref<!tpu.dma_semaphore, #tpu.memory_space<semaphore_mem>>
      %dma_start3A = arith.constant 0 : i32
      %dma_start3A_82 = tpu.memref_slice %arg11[%add3A_21, %dma_start3A] : memref<10112x128xf32, #tpu.memory_space<vmem_shared>> -> memref<64x128xf32, #tpu.memory_space<vmem_shared>>
      %dma_start3A_83 = arith.constant 0 : i32
      %dma_start3A_84 = tpu.memref_slice %arg11[%add3A_21, %dma_start3A_83] : memref<10112x128xf32, #tpu.memory_space<vmem_shared>> -> memref<64x128xf32, #tpu.memory_space<vmem_shared>>
      tpu.enqueue_dma source(%arg8 : memref<64x128xf32, #tpu.memory_space<vmem>>) target(%dma_start3A_84 : memref<64x128xf32, #tpu.memory_space<vmem_shared>>) target_semaphore(%run_scoped3A : memref<!tpu.dma_semaphore, #tpu.memory_space<semaphore_mem>>)
      %dma_wait3A = arith.constant 0 : i32
      %dma_wait3A_85 = tpu.memref_slice %arg11[%add3A_21, %dma_wait3A] : memref<10112x128xf32, #tpu.memory_space<vmem_shared>> -> memref<64x128xf32, #tpu.memory_space<vmem_shared>>
      %dma_wait3A_86 = arith.constant 0 : i32
      %dma_wait3A_87 = tpu.memref_slice %arg11[%add3A_21, %dma_wait3A_86] : memref<10112x128xf32, #tpu.memory_space<vmem_shared>> -> memref<64x128xf32, #tpu.memory_space<vmem_shared>>
      tpu.wait_dma2 semaphore(%run_scoped3A : memref<!tpu.dma_semaphore, #tpu.memory_space<semaphore_mem>>) src(%arg8 : memref<64x128xf32, #tpu.memory_space<vmem>>) dst(%dma_wait3A_87 : memref<64x128xf32, #tpu.memory_space<vmem_shared>>)
      tpu.yield
    }) : () -> ()
    %add3A_22 = arith.constant 384 : i32
    %add3A_23 = arith.addi %mul3A_9, %add3A_22 : i32
    "tpu.region"() ({
      %run_scoped3A = tpu.sem_alloc : memref<!tpu.dma_semaphore, #tpu.memory_space<semaphore_mem>>
      %dma_start3A = arith.constant 0 : i32
      %dma_start3A_82 = tpu.memref_slice %arg11[%add3A_23, %dma_start3A] : memref<10112x128xf32, #tpu.memory_space<vmem_shared>> -> memref<64x128xf32, #tpu.memory_space<vmem_shared>>
      %dma_start3A_83 = arith.constant 0 : i32
      %dma_start3A_84 = tpu.memref_slice %arg11[%add3A_23, %dma_start3A_83] : memref<10112x128xf32, #tpu.memory_space<vmem_shared>> -> memref<64x128xf32, #tpu.memory_space<vmem_shared>>
      tpu.enqueue_dma source(%arg8 : memref<64x128xf32, #tpu.memory_space<vmem>>) target(%dma_start3A_84 : memref<64x128xf32, #tpu.memory_space<vmem_shared>>) target_semaphore(%run_scoped3A : memref<!tpu.dma_semaphore, #tpu.memory_space<semaphore_mem>>)
      %dma_wait3A = arith.constant 0 : i32
      %dma_wait3A_85 = tpu.memref_slice %arg11[%add3A_23, %dma_wait3A] : memref<10112x128xf32, #tpu.memory_space<vmem_shared>> -> memref<64x128xf32, #tpu.memory_space<vmem_shared>>
      %dma_wait3A_86 = arith.constant 0 : i32
      %dma_wait3A_87 = tpu.memref_slice %arg11[%add3A_23, %dma_wait3A_86] : memref<10112x128xf32, #tpu.memory_space<vmem_shared>> -> memref<64x128xf32, #tpu.memory_space<vmem_shared>>
      tpu.wait_dma2 semaphore(%run_scoped3A : memref<!tpu.dma_semaphore, #tpu.memory_space<semaphore_mem>>) src(%arg8 : memref<64x128xf32, #tpu.memory_space<vmem>>) dst(%dma_wait3A_87 : memref<64x128xf32, #tpu.memory_space<vmem_shared>>)
      tpu.yield
    }) : () -> ()
    %add3A_24 = arith.constant 448 : i32
    %add3A_25 = arith.addi %mul3A_9, %add3A_24 : i32
    "tpu.region"() ({
      %run_scoped3A = tpu.sem_alloc : memref<!tpu.dma_semaphore, #tpu.memory_space<semaphore_mem>>
      %dma_start3A = arith.constant 0 : i32
      %dma_start3A_82 = tpu.memref_slice %arg11[%add3A_25, %dma_start3A] : memref<10112x128xf32, #tpu.memory_space<vmem_shared>> -> memref<64x128xf32, #tpu.memory_space<vmem_shared>>
      %dma_start3A_83 = arith.constant 0 : i32
      %dma_start3A_84 = tpu.memref_slice %arg11[%add3A_25, %dma_start3A_83] : memref<10112x128xf32, #tpu.memory_space<vmem_shared>> -> memref<64x128xf32, #tpu.memory_space<vmem_shared>>
      tpu.enqueue_dma source(%arg8 : memref<64x128xf32, #tpu.memory_space<vmem>>) target(%dma_start3A_84 : memref<64x128xf32, #tpu.memory_space<vmem_shared>>) target_semaphore(%run_scoped3A : memref<!tpu.dma_semaphore, #tpu.memory_space<semaphore_mem>>)
      %dma_wait3A = arith.constant 0 : i32
      %dma_wait3A_85 = tpu.memref_slice %arg11[%add3A_25, %dma_wait3A] : memref<10112x128xf32, #tpu.memory_space<vmem_shared>> -> memref<64x128xf32, #tpu.memory_space<vmem_shared>>
      %dma_wait3A_86 = arith.constant 0 : i32
      %dma_wait3A_87 = tpu.memref_slice %arg11[%add3A_25, %dma_wait3A_86] : memref<10112x128xf32, #tpu.memory_space<vmem_shared>> -> memref<64x128xf32, #tpu.memory_space<vmem_shared>>
      tpu.wait_dma2 semaphore(%run_scoped3A : memref<!tpu.dma_semaphore, #tpu.memory_space<semaphore_mem>>) src(%arg8 : memref<64x128xf32, #tpu.memory_space<vmem>>) dst(%dma_wait3A_87 : memref<64x128xf32, #tpu.memory_space<vmem_shared>>)
      tpu.yield
    }) : () -> ()
    %add3A_26 = arith.constant 512 : i32
    %add3A_27 = arith.addi %mul3A_9, %add3A_26 : i32
    "tpu.region"() ({
      %run_scoped3A = tpu.sem_alloc : memref<!tpu.dma_semaphore, #tpu.memory_space<semaphore_mem>>
      %dma_start3A = arith.constant 0 : i32
      %dma_start3A_82 = tpu.memref_slice %arg11[%add3A_27, %dma_start3A] : memref<10112x128xf32, #tpu.memory_space<vmem_shared>> -> memref<64x128xf32, #tpu.memory_space<vmem_shared>>
      %dma_start3A_83 = arith.constant 0 : i32
      %dma_start3A_84 = tpu.memref_slice %arg11[%add3A_27, %dma_start3A_83] : memref<10112x128xf32, #tpu.memory_space<vmem_shared>> -> memref<64x128xf32, #tpu.memory_space<vmem_shared>>
      tpu.enqueue_dma source(%arg8 : memref<64x128xf32, #tpu.memory_space<vmem>>) target(%dma_start3A_84 : memref<64x128xf32, #tpu.memory_space<vmem_shared>>) target_semaphore(%run_scoped3A : memref<!tpu.dma_semaphore, #tpu.memory_space<semaphore_mem>>)
      %dma_wait3A = arith.constant 0 : i32
      %dma_wait3A_85 = tpu.memref_slice %arg11[%add3A_27, %dma_wait3A] : memref<10112x128xf32, #tpu.memory_space<vmem_shared>> -> memref<64x128xf32, #tpu.memory_space<vmem_shared>>
      %dma_wait3A_86 = arith.constant 0 : i32
      %dma_wait3A_87 = tpu.memref_slice %arg11[%add3A_27, %dma_wait3A_86] : memref<10112x128xf32, #tpu.memory_space<vmem_shared>> -> memref<64x128xf32, #tpu.memory_space<vmem_shared>>
      tpu.wait_dma2 semaphore(%run_scoped3A : memref<!tpu.dma_semaphore, #tpu.memory_space<semaphore_mem>>) src(%arg8 : memref<64x128xf32, #tpu.memory_space<vmem>>) dst(%dma_wait3A_87 : memref<64x128xf32, #tpu.memory_space<vmem_shared>>)
      tpu.yield
    }) : () -> ()
    %add3A_28 = arith.constant 576 : i32
    %add3A_29 = arith.addi %mul3A_9, %add3A_28 : i32
    "tpu.region"() ({
      %run_scoped3A = tpu.sem_alloc : memref<!tpu.dma_semaphore, #tpu.memory_space<semaphore_mem>>
      %dma_start3A = arith.constant 0 : i32
      %dma_start3A_82 = arith.constant 0 : i32
      %dma_start3A_83 = tpu.memref_slice %arg8[%dma_start3A, %dma_start3A_82] : memref<64x128xf32, #tpu.memory_space<vmem>> -> memref<56x128xf32, #tpu.memory_space<vmem>>
      %dma_start3A_84 = arith.constant 0 : i32
      %dma_start3A_85 = tpu.memref_slice %arg11[%add3A_29, %dma_start3A_84] : memref<10112x128xf32, #tpu.memory_space<vmem_shared>> -> memref<56x128xf32, #tpu.memory_space<vmem_shared>>
      %dma_start3A_86 = arith.constant 0 : i32
      %dma_start3A_87 = tpu.memref_slice %arg11[%add3A_29, %dma_start3A_86] : memref<10112x128xf32, #tpu.memory_space<vmem_shared>> -> memref<56x128xf32, #tpu.memory_space<vmem_shared>>
      %dma_start3A_88 = arith.constant 0 : i32
      %dma_start3A_89 = arith.constant 0 : i32
      %dma_start3A_90 = tpu.memref_slice %arg8[%dma_start3A_88, %dma_start3A_89] : memref<64x128xf32, #tpu.memory_space<vmem>> -> memref<56x128xf32, #tpu.memory_space<vmem>>
      tpu.enqueue_dma source(%dma_start3A_90 : memref<56x128xf32, #tpu.memory_space<vmem>>) target(%dma_start3A_87 : memref<56x128xf32, #tpu.memory_space<vmem_shared>>) target_semaphore(%run_scoped3A : memref<!tpu.dma_semaphore, #tpu.memory_space<semaphore_mem>>)
      %dma_wait3A = arith.constant 0 : i32
      %dma_wait3A_91 = arith.constant 0 : i32
      %dma_wait3A_92 = tpu.memref_slice %arg8[%dma_wait3A, %dma_wait3A_91] : memref<64x128xf32, #tpu.memory_space<vmem>> -> memref<56x128xf32, #tpu.memory_space<vmem>>
      %dma_wait3A_93 = arith.constant 0 : i32
      %dma_wait3A_94 = tpu.memref_slice %arg11[%add3A_29, %dma_wait3A_93] : memref<10112x128xf32, #tpu.memory_space<vmem_shared>> -> memref<56x128xf32, #tpu.memory_space<vmem_shared>>
      %dma_wait3A_95 = arith.constant 0 : i32
      %dma_wait3A_96 = tpu.memref_slice %arg11[%add3A_29, %dma_wait3A_95] : memref<10112x128xf32, #tpu.memory_space<vmem_shared>> -> memref<56x128xf32, #tpu.memory_space<vmem_shared>>
      %dma_wait3A_97 = arith.constant 0 : i32
      %dma_wait3A_98 = arith.constant 0 : i32
      %dma_wait3A_99 = tpu.memref_slice %arg8[%dma_wait3A_97, %dma_wait3A_98] : memref<64x128xf32, #tpu.memory_space<vmem>> -> memref<56x128xf32, #tpu.memory_space<vmem>>
      tpu.wait_dma2 semaphore(%run_scoped3A : memref<!tpu.dma_semaphore, #tpu.memory_space<semaphore_mem>>) src(%dma_wait3A_99 : memref<56x128xf32, #tpu.memory_space<vmem>>) dst(%dma_wait3A_96 : memref<56x128xf32, #tpu.memory_space<vmem_shared>>)
      tpu.yield
    }) : () -> ()
    %barrier3A = arith.constant 0 : index
    tpu.barrier barrier_id(%barrier3A)
    %mul3A_30 = arith.constant 160 : i32
    %mul3A_31 = arith.muli %add3A, %mul3A_30 : i32
    "tpu.region"() ({
      %run_scoped3A = tpu.sem_alloc : memref<!tpu.dma_semaphore, #tpu.memory_space<semaphore_mem>>
      %dma_start3A = arith.constant 0 : i32
      %dma_start3A_82 = tpu.memref_slice %arg5[%mul3A_31, %dma_start3A] : memref<5120x64xi32, #tpu.memory_space<hbm>> -> memref<160x64xi32, #tpu.memory_space<hbm>>
      %dma_start3A_83 = arith.constant 0 : i32
      %dma_start3A_84 = tpu.memref_slice %arg5[%mul3A_31, %dma_start3A_83] : memref<5120x64xi32, #tpu.memory_space<hbm>> -> memref<160x64xi32, #tpu.memory_space<hbm>>
      tpu.enqueue_dma source(%dma_start3A_84 : memref<160x64xi32, #tpu.memory_space<hbm>>) target(%arg7 : memref<160x64xi32, #tpu.memory_space<vmem>>) target_semaphore(%run_scoped3A : memref<!tpu.dma_semaphore, #tpu.memory_space<semaphore_mem>>)
      %dma_wait3A = arith.constant 0 : i32
      %dma_wait3A_85 = tpu.memref_slice %arg5[%mul3A_31, %dma_wait3A] : memref<5120x64xi32, #tpu.memory_space<hbm>> -> memref<160x64xi32, #tpu.memory_space<hbm>>
      %dma_wait3A_86 = arith.constant 0 : i32
      %dma_wait3A_87 = tpu.memref_slice %arg5[%mul3A_31, %dma_wait3A_86] : memref<5120x64xi32, #tpu.memory_space<hbm>> -> memref<160x64xi32, #tpu.memory_space<hbm>>
      tpu.wait_dma2 semaphore(%run_scoped3A : memref<!tpu.dma_semaphore, #tpu.memory_space<semaphore_mem>>) src(%dma_wait3A_87 : memref<160x64xi32, #tpu.memory_space<hbm>>) dst(%arg7 : memref<160x64xi32, #tpu.memory_space<vmem>>)
      tpu.yield
    }) : () -> ()
    %scan3A_32 = arith.constant 0 : i32
    %scan3A_33 = arith.constant 0 : i32
    %scan3A_34 = arith.constant 160 : i32
    %scan3A_35 = arith.addi %scan3A_33, %scan3A_34 : i32
    %scan3A_36 = arith.constant 1 : i32
    %scan3A_37 = scf.for %scan3A_82 = %scan3A_33 to %scan3A_35 step %scan3A_36 iter_args(%scan3A_83 = %scan3A_32) -> (i32)  : i32 {
      %mul3A_84 = arith.constant 160 : i32
      %mul3A_85 = arith.muli %add3A, %mul3A_84 : i32
      %add3A_86 = arith.addi %mul3A_85, %scan3A_82 : i32
      %lt3A = arith.constant 5000 : i32
      %lt3A_87 = arith.cmpi slt, %add3A_86, %lt3A : i32
      %convert_element_type3A = arith.extui %lt3A_87 : i1 to i32
      %cond3A = arith.constant 0 : i32
      %cond3A_88 = arith.cmpi ne, %convert_element_type3A, %cond3A : i32
      scf.if %cond3A_88 {
        %dma_start3A = arith.constant 0 : i32
        %dma_start3A_90 = tpu.memref_slice %arg7[%scan3A_82, %dma_start3A] : memref<160x64xi32, #tpu.memory_space<vmem>> -> memref<1x64xi32, #tpu.memory_space<vmem>>
        %dma_start3A_91 = tpu.memref_squeeze %dma_start3A_90 : memref<1x64xi32, #tpu.memory_space<vmem>> -> memref<64xi32, #tpu.memory_space<vmem>>
        %dma_start3A_92 = arith.constant 0 : i32
        %dma_start3A_93 = arith.constant 0 : i32
        %dma_start3A_94 = tpu.memref_slice %arg2[%dma_start3A_92, %dma_start3A_93] : memref<10000x128xf32, #tpu.memory_space<hbm>> -> memref<10000x128xf32, #tpu.memory_space<hbm>>
        tpu.enqueue_indirect_dma source(%dma_start3A_94 : memref<10000x128xf32, #tpu.memory_space<hbm>>) target(%arg8 : memref<64x128xf32, #tpu.memory_space<vmem>>) offsets(%dma_start3A_91 : memref<64xi32, #tpu.memory_space<vmem>>) semaphore(%arg12 : memref<!tpu.dma_semaphore, #tpu.memory_space<semaphore_mem>>)
        %mul3A_95 = arith.constant 64 : i32
        %mul3A_96 = arith.muli %add3A_86, %mul3A_95 : i32
        "tpu.region"() ({
          %run_scoped3A = tpu.sem_alloc : memref<!tpu.dma_semaphore, #tpu.memory_space<semaphore_mem>>
          %dma_start3A_111 = arith.constant 0 : i32
          %dma_start3A_112 = tpu.memref_slice %arg3[%mul3A_96, %dma_start3A_111] : memref<320000x128xf32, #tpu.memory_space<hbm>> -> memref<64x128xf32, #tpu.memory_space<hbm>>
          %dma_start3A_113 = arith.constant 0 : i32
          %dma_start3A_114 = tpu.memref_slice %arg3[%mul3A_96, %dma_start3A_113] : memref<320000x128xf32, #tpu.memory_space<hbm>> -> memref<64x128xf32, #tpu.memory_space<hbm>>
          tpu.enqueue_dma source(%dma_start3A_114 : memref<64x128xf32, #tpu.memory_space<hbm>>) target(%arg9 : memref<64x128xf32, #tpu.memory_space<vmem>>) target_semaphore(%run_scoped3A : memref<!tpu.dma_semaphore, #tpu.memory_space<semaphore_mem>>)
          %dma_wait3A_115 = arith.constant 0 : i32
          %dma_wait3A_116 = tpu.memref_slice %arg3[%mul3A_96, %dma_wait3A_115] : memref<320000x128xf32, #tpu.memory_space<hbm>> -> memref<64x128xf32, #tpu.memory_space<hbm>>
          %dma_wait3A_117 = arith.constant 0 : i32
          %dma_wait3A_118 = tpu.memref_slice %arg3[%mul3A_96, %dma_wait3A_117] : memref<320000x128xf32, #tpu.memory_space<hbm>> -> memref<64x128xf32, #tpu.memory_space<hbm>>
          tpu.wait_dma2 semaphore(%run_scoped3A : memref<!tpu.dma_semaphore, #tpu.memory_space<semaphore_mem>>) src(%dma_wait3A_118 : memref<64x128xf32, #tpu.memory_space<hbm>>) dst(%arg9 : memref<64x128xf32, #tpu.memory_space<vmem>>)
          tpu.yield
        }) : () -> ()
        %mul3A_97 = arith.constant 64 : i32
        %mul3A_98 = arith.muli %add3A_86, %mul3A_97 : i32
        "tpu.region"() ({
          %run_scoped3A = tpu.sem_alloc : memref<!tpu.dma_semaphore, #tpu.memory_space<semaphore_mem>>
          %dma_start3A_111 = arith.constant 0 : i32
          %dma_start3A_112 = tpu.memref_slice %arg4[%mul3A_98, %dma_start3A_111] : memref<320000x128xf32, #tpu.memory_space<hbm>> -> memref<64x128xf32, #tpu.memory_space<hbm>>
          %dma_start3A_113 = arith.constant 0 : i32
          %dma_start3A_114 = tpu.memref_slice %arg4[%mul3A_98, %dma_start3A_113] : memref<320000x128xf32, #tpu.memory_space<hbm>> -> memref<64x128xf32, #tpu.memory_space<hbm>>
          tpu.enqueue_dma source(%dma_start3A_114 : memref<64x128xf32, #tpu.memory_space<hbm>>) target(%arg10 : memref<64x128xf32, #tpu.memory_space<vmem>>) target_semaphore(%run_scoped3A : memref<!tpu.dma_semaphore, #tpu.memory_space<semaphore_mem>>)
          %dma_wait3A_115 = arith.constant 0 : i32
          %dma_wait3A_116 = tpu.memref_slice %arg4[%mul3A_98, %dma_wait3A_115] : memref<320000x128xf32, #tpu.memory_space<hbm>> -> memref<64x128xf32, #tpu.memory_space<hbm>>
          %dma_wait3A_117 = arith.constant 0 : i32
          %dma_wait3A_118 = tpu.memref_slice %arg4[%mul3A_98, %dma_wait3A_117] : memref<320000x128xf32, #tpu.memory_space<hbm>> -> memref<64x128xf32, #tpu.memory_space<hbm>>
          tpu.wait_dma2 semaphore(%run_scoped3A : memref<!tpu.dma_semaphore, #tpu.memory_space<semaphore_mem>>) src(%dma_wait3A_118 : memref<64x128xf32, #tpu.memory_space<hbm>>) dst(%arg10 : memref<64x128xf32, #tpu.memory_space<vmem>>)
          tpu.yield
        }) : () -> ()
        %dma_wait3A = arith.constant 0 : i32
        %dma_wait3A_99 = tpu.memref_slice %arg7[%scan3A_82, %dma_wait3A] : memref<160x64xi32, #tpu.memory_space<vmem>> -> memref<1x64xi32, #tpu.memory_space<vmem>>
        %dma_wait3A_100 = tpu.memref_squeeze %dma_wait3A_99 : memref<1x64xi32, #tpu.memory_space<vmem>> -> memref<64xi32, #tpu.memory_space<vmem>>
        %dma_wait3A_101 = arith.constant 0 : i32
        %dma_wait3A_102 = arith.constant 0 : i32
        %dma_wait3A_103 = tpu.memref_slice %arg2[%dma_wait3A_101, %dma_wait3A_102] : memref<10000x128xf32, #tpu.memory_space<hbm>> -> memref<10000x128xf32, #tpu.memory_space<hbm>>
        tpu.wait_indirect_dma semaphore(%arg12 : memref<!tpu.dma_semaphore, #tpu.memory_space<semaphore_mem>>) src(%dma_wait3A_103 : memref<10000x128xf32, #tpu.memory_space<hbm>>) dst(%arg8 : memref<64x128xf32, #tpu.memory_space<vmem>>)
        %scan3A_104 = arith.constant 0 : i32
        %scan3A_105 = arith.constant 0 : i32
        %scan3A_106 = arith.constant 64 : i32
        %scan3A_107 = arith.addi %scan3A_105, %scan3A_106 : i32
        %scan3A_108 = arith.constant 1 : i32
        %scan3A_109 = scf.for %scan3A_111 = %scan3A_105 to %scan3A_107 step %scan3A_108 iter_args(%scan3A_112 = %scan3A_104) -> (i32)  : i32 {
          %get3A = arith.index_cast %scan3A_111 : i32 to index
          %get3A_113 = arith.constant 0 : index
          %get3A_114 = tpu.vector_load %arg8[%get3A, %get3A_113] {strides = array<i32>} : memref<64x128xf32, #tpu.memory_space<vmem>>, vector<1x16xf32>,
          %get3A_115 = vector.shape_cast %get3A_114 : vector<1x16xf32> to vector<16xf32>
          %get3A_116 = arith.index_cast %scan3A_111 : i32 to index
          %get3A_117 = arith.constant 0 : index
          %get3A_118 = tpu.vector_load %arg9[%get3A_116, %get3A_117] {strides = array<i32>} : memref<64x128xf32, #tpu.memory_space<vmem>>, vector<1x16xf32>,
          %get3A_119 = vector.shape_cast %get3A_118 : vector<1x16xf32> to vector<16xf32>
          %add3A_120 = arith.addf %get3A_115, %get3A_119 : vector<16xf32>
          %neg3A = arith.constant 0.000000e+00 : f32
          %neg3A_121 = vector.broadcast %neg3A : f32 to vector<16xf32>
          %neg3A_122 = arith.subf %neg3A_121, %add3A_120 : vector<16xf32>
          %exp3A = math.exp %neg3A_122 : vector<16xf32>
          %add3A_123 = arith.constant 1.000000e+00 : f32
          %add3A_124 = vector.broadcast %add3A_123 : f32 to vector<16xf32>
          %add3A_125 = arith.addf %add3A_124, %exp3A : vector<16xf32>
          %div3A = arith.constant 1.000000e+00 : f32
          %div3A_126 = vector.broadcast %div3A : f32 to vector<16xf32>
          %div3A_127 = arith.divf %div3A_126, %add3A_125 : vector<16xf32>
          %get3A_128 = arith.index_cast %scan3A_111 : i32 to index
          %get3A_129 = arith.constant 0 : index
          %get3A_130 = tpu.vector_load %arg10[%get3A_128, %get3A_129] {strides = array<i32>} : memref<64x128xf32, #tpu.memory_space<vmem>>, vector<1x16xf32>,
          %get3A_131 = vector.shape_cast %get3A_130 : vector<1x16xf32> to vector<16xf32>
          %mul3A_132 = arith.mulf %div3A_127, %get3A_131 : vector<16xf32>
          %swap3A = arith.index_cast %scan3A_111 : i32 to index
          %swap3A_133 = arith.constant 0 : index
          %swap3A_134 = tpu.vector_load %arg8[%swap3A, %swap3A_133] {strides = array<i32>} : memref<64x128xf32, #tpu.memory_space<vmem>>, vector<1x16xf32>,
          %swap3A_135 = vector.shape_cast %swap3A_134 : vector<1x16xf32> to vector<16xf32>
          %swap3A_136 = vector.shape_cast %mul3A_132 : vector<16xf32> to vector<1x16xf32>
          tpu.vector_store %arg8[%swap3A, %swap3A_133], %swap3A_136 {strides = array<i32>} : memref<64x128xf32, #tpu.memory_space<vmem>>, vector<1x16xf32>,
          %get3A_137 = arith.index_cast %scan3A_111 : i32 to index
          %get3A_138 = arith.constant 16 : index
          %get3A_139 = tpu.vector_load %arg8[%get3A_137, %get3A_138] {strides = array<i32>} : memref<64x128xf32, #tpu.memory_space<vmem>>, vector<1x16xf32>,
          %get3A_140 = vector.shape_cast %get3A_139 : vector<1x16xf32> to vector<16xf32>
          %get3A_141 = arith.index_cast %scan3A_111 : i32 to index
          %get3A_142 = arith.constant 16 : index
          %get3A_143 = tpu.vector_load %arg9[%get3A_141, %get3A_142] {strides = array<i32>} : memref<64x128xf32, #tpu.memory_space<vmem>>, vector<1x16xf32>,
          %get3A_144 = vector.shape_cast %get3A_143 : vector<1x16xf32> to vector<16xf32>
          %add3A_145 = arith.addf %get3A_140, %get3A_144 : vector<16xf32>
          %neg3A_146 = arith.constant 0.000000e+00 : f32
          %neg3A_147 = vector.broadcast %neg3A_146 : f32 to vector<16xf32>
          %neg3A_148 = arith.subf %neg3A_147, %add3A_145 : vector<16xf32>
          %exp3A_149 = math.exp %neg3A_148 : vector<16xf32>
          %add3A_150 = arith.constant 1.000000e+00 : f32
          %add3A_151 = vector.broadcast %add3A_150 : f32 to vector<16xf32>
          %add3A_152 = arith.addf %add3A_151, %exp3A_149 : vector<16xf32>
          %div3A_153 = arith.constant 1.000000e+00 : f32
          %div3A_154 = vector.broadcast %div3A_153 : f32 to vector<16xf32>
          %div3A_155 = arith.divf %div3A_154, %add3A_152 : vector<16xf32>
          %get3A_156 = arith.index_cast %scan3A_111 : i32 to index
          %get3A_157 = arith.constant 16 : index
          %get3A_158 = tpu.vector_load %arg10[%get3A_156, %get3A_157] {strides = array<i32>} : memref<64x128xf32, #tpu.memory_space<vmem>>, vector<1x16xf32>,
          %get3A_159 = vector.shape_cast %get3A_158 : vector<1x16xf32> to vector<16xf32>
          %mul3A_160 = arith.mulf %div3A_155, %get3A_159 : vector<16xf32>
          %swap3A_161 = arith.index_cast %scan3A_111 : i32 to index
          %swap3A_162 = arith.constant 16 : index
          %swap3A_163 = tpu.vector_load %arg8[%swap3A_161, %swap3A_162] {strides = array<i32>} : memref<64x128xf32, #tpu.memory_space<vmem>>, vector<1x16xf32>,
          %swap3A_164 = vector.shape_cast %swap3A_163 : vector<1x16xf32> to vector<16xf32>
          %swap3A_165 = vector.shape_cast %mul3A_160 : vector<16xf32> to vector<1x16xf32>
          tpu.vector_store %arg8[%swap3A_161, %swap3A_162], %swap3A_165 {strides = array<i32>} : memref<64x128xf32, #tpu.memory_space<vmem>>, vector<1x16xf32>,
          %get3A_166 = arith.index_cast %scan3A_111 : i32 to index
          %get3A_167 = arith.constant 32 : index
          %get3A_168 = tpu.vector_load %arg8[%get3A_166, %get3A_167] {strides = array<i32>} : memref<64x128xf32, #tpu.memory_space<vmem>>, vector<1x16xf32>,
          %get3A_169 = vector.shape_cast %get3A_168 : vector<1x16xf32> to vector<16xf32>
          %get3A_170 = arith.index_cast %scan3A_111 : i32 to index
          %get3A_171 = arith.constant 32 : index
          %get3A_172 = tpu.vector_load %arg9[%get3A_170, %get3A_171] {strides = array<i32>} : memref<64x128xf32, #tpu.memory_space<vmem>>, vector<1x16xf32>,
          %get3A_173 = vector.shape_cast %get3A_172 : vector<1x16xf32> to vector<16xf32>
          %add3A_174 = arith.addf %get3A_169, %get3A_173 : vector<16xf32>
          %neg3A_175 = arith.constant 0.000000e+00 : f32
          %neg3A_176 = vector.broadcast %neg3A_175 : f32 to vector<16xf32>
          %neg3A_177 = arith.subf %neg3A_176, %add3A_174 : vector<16xf32>
          %exp3A_178 = math.exp %neg3A_177 : vector<16xf32>
          %add3A_179 = arith.constant 1.000000e+00 : f32
          %add3A_180 = vector.broadcast %add3A_179 : f32 to vector<16xf32>
          %add3A_181 = arith.addf %add3A_180, %exp3A_178 : vector<16xf32>
          %div3A_182 = arith.constant 1.000000e+00 : f32
          %div3A_183 = vector.broadcast %div3A_182 : f32 to vector<16xf32>
          %div3A_184 = arith.divf %div3A_183, %add3A_181 : vector<16xf32>
          %get3A_185 = arith.index_cast %scan3A_111 : i32 to index
          %get3A_186 = arith.constant 32 : index
          %get3A_187 = tpu.vector_load %arg10[%get3A_185, %get3A_186] {strides = array<i32>} : memref<64x128xf32, #tpu.memory_space<vmem>>, vector<1x16xf32>,
          %get3A_188 = vector.shape_cast %get3A_187 : vector<1x16xf32> to vector<16xf32>
          %mul3A_189 = arith.mulf %div3A_184, %get3A_188 : vector<16xf32>
          %swap3A_190 = arith.index_cast %scan3A_111 : i32 to index
          %swap3A_191 = arith.constant 32 : index
          %swap3A_192 = tpu.vector_load %arg8[%swap3A_190, %swap3A_191] {strides = array<i32>} : memref<64x128xf32, #tpu.memory_space<vmem>>, vector<1x16xf32>,
          %swap3A_193 = vector.shape_cast %swap3A_192 : vector<1x16xf32> to vector<16xf32>
          %swap3A_194 = vector.shape_cast %mul3A_189 : vector<16xf32> to vector<1x16xf32>
          tpu.vector_store %arg8[%swap3A_190, %swap3A_191], %swap3A_194 {strides = array<i32>} : memref<64x128xf32, #tpu.memory_space<vmem>>, vector<1x16xf32>,
          %get3A_195 = arith.index_cast %scan3A_111 : i32 to index
          %get3A_196 = arith.constant 48 : index
          %get3A_197 = tpu.vector_load %arg8[%get3A_195, %get3A_196] {strides = array<i32>} : memref<64x128xf32, #tpu.memory_space<vmem>>, vector<1x16xf32>,
          %get3A_198 = vector.shape_cast %get3A_197 : vector<1x16xf32> to vector<16xf32>
          %get3A_199 = arith.index_cast %scan3A_111 : i32 to index
          %get3A_200 = arith.constant 48 : index
          %get3A_201 = tpu.vector_load %arg9[%get3A_199, %get3A_200] {strides = array<i32>} : memref<64x128xf32, #tpu.memory_space<vmem>>, vector<1x16xf32>,
          %get3A_202 = vector.shape_cast %get3A_201 : vector<1x16xf32> to vector<16xf32>
          %add3A_203 = arith.addf %get3A_198, %get3A_202 : vector<16xf32>
          %neg3A_204 = arith.constant 0.000000e+00 : f32
          %neg3A_205 = vector.broadcast %neg3A_204 : f32 to vector<16xf32>
          %neg3A_206 = arith.subf %neg3A_205, %add3A_203 : vector<16xf32>
          %exp3A_207 = math.exp %neg3A_206 : vector<16xf32>
          %add3A_208 = arith.constant 1.000000e+00 : f32
          %add3A_209 = vector.broadcast %add3A_208 : f32 to vector<16xf32>
          %add3A_210 = arith.addf %add3A_209, %exp3A_207 : vector<16xf32>
          %div3A_211 = arith.constant 1.000000e+00 : f32
          %div3A_212 = vector.broadcast %div3A_211 : f32 to vector<16xf32>
          %div3A_213 = arith.divf %div3A_212, %add3A_210 : vector<16xf32>
          %get3A_214 = arith.index_cast %scan3A_111 : i32 to index
          %get3A_215 = arith.constant 48 : index
          %get3A_216 = tpu.vector_load %arg10[%get3A_214, %get3A_215] {strides = array<i32>} : memref<64x128xf32, #tpu.memory_space<vmem>>, vector<1x16xf32>,
          %get3A_217 = vector.shape_cast %get3A_216 : vector<1x16xf32> to vector<16xf32>
          %mul3A_218 = arith.mulf %div3A_213, %get3A_217 : vector<16xf32>
          %swap3A_219 = arith.index_cast %scan3A_111 : i32 to index
          %swap3A_220 = arith.constant 48 : index
          %swap3A_221 = tpu.vector_load %arg8[%swap3A_219, %swap3A_220] {strides = array<i32>} : memref<64x128xf32, #tpu.memory_space<vmem>>, vector<1x16xf32>,
          %swap3A_222 = vector.shape_cast %swap3A_221 : vector<1x16xf32> to vector<16xf32>
          %swap3A_223 = vector.shape_cast %mul3A_218 : vector<16xf32> to vector<1x16xf32>
          tpu.vector_store %arg8[%swap3A_219, %swap3A_220], %swap3A_223 {strides = array<i32>} : memref<64x128xf32, #tpu.memory_space<vmem>>, vector<1x16xf32>,
          %get3A_224 = arith.index_cast %scan3A_111 : i32 to index
          %get3A_225 = arith.constant 64 : index
          %get3A_226 = tpu.vector_load %arg8[%get3A_224, %get3A_225] {strides = array<i32>} : memref<64x128xf32, #tpu.memory_space<vmem>>, vector<1x16xf32>,
          %get3A_227 = vector.shape_cast %get3A_226 : vector<1x16xf32> to vector<16xf32>
          %get3A_228 = arith.index_cast %scan3A_111 : i32 to index
          %get3A_229 = arith.constant 64 : index
          %get3A_230 = tpu.vector_load %arg9[%get3A_228, %get3A_229] {strides = array<i32>} : memref<64x128xf32, #tpu.memory_space<vmem>>, vector<1x16xf32>,
          %get3A_231 = vector.shape_cast %get3A_230 : vector<1x16xf32> to vector<16xf32>
          %add3A_232 = arith.addf %get3A_227, %get3A_231 : vector<16xf32>
          %neg3A_233 = arith.constant 0.000000e+00 : f32
          %neg3A_234 = vector.broadcast %neg3A_233 : f32 to vector<16xf32>
          %neg3A_235 = arith.subf %neg3A_234, %add3A_232 : vector<16xf32>
          %exp3A_236 = math.exp %neg3A_235 : vector<16xf32>
          %add3A_237 = arith.constant 1.000000e+00 : f32
          %add3A_238 = vector.broadcast %add3A_237 : f32 to vector<16xf32>
          %add3A_239 = arith.addf %add3A_238, %exp3A_236 : vector<16xf32>
          %div3A_240 = arith.constant 1.000000e+00 : f32
          %div3A_241 = vector.broadcast %div3A_240 : f32 to vector<16xf32>
          %div3A_242 = arith.divf %div3A_241, %add3A_239 : vector<16xf32>
          %get3A_243 = arith.index_cast %scan3A_111 : i32 to index
          %get3A_244 = arith.constant 64 : index
          %get3A_245 = tpu.vector_load %arg10[%get3A_243, %get3A_244] {strides = array<i32>} : memref<64x128xf32, #tpu.memory_space<vmem>>, vector<1x16xf32>,
          %get3A_246 = vector.shape_cast %get3A_245 : vector<1x16xf32> to vector<16xf32>
          %mul3A_247 = arith.mulf %div3A_242, %get3A_246 : vector<16xf32>
          %swap3A_248 = arith.index_cast %scan3A_111 : i32 to index
          %swap3A_249 = arith.constant 64 : index
          %swap3A_250 = tpu.vector_load %arg8[%swap3A_248, %swap3A_249] {strides = array<i32>} : memref<64x128xf32, #tpu.memory_space<vmem>>, vector<1x16xf32>,
          %swap3A_251 = vector.shape_cast %swap3A_250 : vector<1x16xf32> to vector<16xf32>
          %swap3A_252 = vector.shape_cast %mul3A_247 : vector<16xf32> to vector<1x16xf32>
          tpu.vector_store %arg8[%swap3A_248, %swap3A_249], %swap3A_252 {strides = array<i32>} : memref<64x128xf32, #tpu.memory_space<vmem>>, vector<1x16xf32>,
          %get3A_253 = arith.index_cast %scan3A_111 : i32 to index
          %get3A_254 = arith.constant 80 : index
          %get3A_255 = tpu.vector_load %arg8[%get3A_253, %get3A_254] {strides = array<i32>} : memref<64x128xf32, #tpu.memory_space<vmem>>, vector<1x16xf32>,
          %get3A_256 = vector.shape_cast %get3A_255 : vector<1x16xf32> to vector<16xf32>
          %get3A_257 = arith.index_cast %scan3A_111 : i32 to index
          %get3A_258 = arith.constant 80 : index
          %get3A_259 = tpu.vector_load %arg9[%get3A_257, %get3A_258] {strides = array<i32>} : memref<64x128xf32, #tpu.memory_space<vmem>>, vector<1x16xf32>,
          %get3A_260 = vector.shape_cast %get3A_259 : vector<1x16xf32> to vector<16xf32>
          %add3A_261 = arith.addf %get3A_256, %get3A_260 : vector<16xf32>
          %neg3A_262 = arith.constant 0.000000e+00 : f32
          %neg3A_263 = vector.broadcast %neg3A_262 : f32 to vector<16xf32>
          %neg3A_264 = arith.subf %neg3A_263, %add3A_261 : vector<16xf32>
          %exp3A_265 = math.exp %neg3A_264 : vector<16xf32>
          %add3A_266 = arith.constant 1.000000e+00 : f32
          %add3A_267 = vector.broadcast %add3A_266 : f32 to vector<16xf32>
          %add3A_268 = arith.addf %add3A_267, %exp3A_265 : vector<16xf32>
          %div3A_269 = arith.constant 1.000000e+00 : f32
          %div3A_270 = vector.broadcast %div3A_269 : f32 to vector<16xf32>
          %div3A_271 = arith.divf %div3A_270, %add3A_268 : vector<16xf32>
          %get3A_272 = arith.index_cast %scan3A_111 : i32 to index
          %get3A_273 = arith.constant 80 : index
          %get3A_274 = tpu.vector_load %arg10[%get3A_272, %get3A_273] {strides = array<i32>} : memref<64x128xf32, #tpu.memory_space<vmem>>, vector<1x16xf32>,
          %get3A_275 = vector.shape_cast %get3A_274 : vector<1x16xf32> to vector<16xf32>
          %mul3A_276 = arith.mulf %div3A_271, %get3A_275 : vector<16xf32>
          %swap3A_277 = arith.index_cast %scan3A_111 : i32 to index
          %swap3A_278 = arith.constant 80 : index
          %swap3A_279 = tpu.vector_load %arg8[%swap3A_277, %swap3A_278] {strides = array<i32>} : memref<64x128xf32, #tpu.memory_space<vmem>>, vector<1x16xf32>,
          %swap3A_280 = vector.shape_cast %swap3A_279 : vector<1x16xf32> to vector<16xf32>
          %swap3A_281 = vector.shape_cast %mul3A_276 : vector<16xf32> to vector<1x16xf32>
          tpu.vector_store %arg8[%swap3A_277, %swap3A_278], %swap3A_281 {strides = array<i32>} : memref<64x128xf32, #tpu.memory_space<vmem>>, vector<1x16xf32>,
          %get3A_282 = arith.index_cast %scan3A_111 : i32 to index
          %get3A_283 = arith.constant 96 : index
          %get3A_284 = tpu.vector_load %arg8[%get3A_282, %get3A_283] {strides = array<i32>} : memref<64x128xf32, #tpu.memory_space<vmem>>, vector<1x16xf32>,
          %get3A_285 = vector.shape_cast %get3A_284 : vector<1x16xf32> to vector<16xf32>
          %get3A_286 = arith.index_cast %scan3A_111 : i32 to index
          %get3A_287 = arith.constant 96 : index
          %get3A_288 = tpu.vector_load %arg9[%get3A_286, %get3A_287] {strides = array<i32>} : memref<64x128xf32, #tpu.memory_space<vmem>>, vector<1x16xf32>,
          %get3A_289 = vector.shape_cast %get3A_288 : vector<1x16xf32> to vector<16xf32>
          %add3A_290 = arith.addf %get3A_285, %get3A_289 : vector<16xf32>
          %neg3A_291 = arith.constant 0.000000e+00 : f32
          %neg3A_292 = vector.broadcast %neg3A_291 : f32 to vector<16xf32>
          %neg3A_293 = arith.subf %neg3A_292, %add3A_290 : vector<16xf32>
          %exp3A_294 = math.exp %neg3A_293 : vector<16xf32>
          %add3A_295 = arith.constant 1.000000e+00 : f32
          %add3A_296 = vector.broadcast %add3A_295 : f32 to vector<16xf32>
          %add3A_297 = arith.addf %add3A_296, %exp3A_294 : vector<16xf32>
          %div3A_298 = arith.constant 1.000000e+00 : f32
          %div3A_299 = vector.broadcast %div3A_298 : f32 to vector<16xf32>
          %div3A_300 = arith.divf %div3A_299, %add3A_297 : vector<16xf32>
          %get3A_301 = arith.index_cast %scan3A_111 : i32 to index
          %get3A_302 = arith.constant 96 : index
          %get3A_303 = tpu.vector_load %arg10[%get3A_301, %get3A_302] {strides = array<i32>} : memref<64x128xf32, #tpu.memory_space<vmem>>, vector<1x16xf32>,
          %get3A_304 = vector.shape_cast %get3A_303 : vector<1x16xf32> to vector<16xf32>
          %mul3A_305 = arith.mulf %div3A_300, %get3A_304 : vector<16xf32>
          %swap3A_306 = arith.index_cast %scan3A_111 : i32 to index
          %swap3A_307 = arith.constant 96 : index
          %swap3A_308 = tpu.vector_load %arg8[%swap3A_306, %swap3A_307] {strides = array<i32>} : memref<64x128xf32, #tpu.memory_space<vmem>>, vector<1x16xf32>,
          %swap3A_309 = vector.shape_cast %swap3A_308 : vector<1x16xf32> to vector<16xf32>
          %swap3A_310 = vector.shape_cast %mul3A_305 : vector<16xf32> to vector<1x16xf32>
          tpu.vector_store %arg8[%swap3A_306, %swap3A_307], %swap3A_310 {strides = array<i32>} : memref<64x128xf32, #tpu.memory_space<vmem>>, vector<1x16xf32>,
          %get3A_311 = arith.index_cast %scan3A_111 : i32 to index
          %get3A_312 = arith.constant 112 : index
          %get3A_313 = tpu.vector_load %arg8[%get3A_311, %get3A_312] {strides = array<i32>} : memref<64x128xf32, #tpu.memory_space<vmem>>, vector<1x16xf32>,
          %get3A_314 = vector.shape_cast %get3A_313 : vector<1x16xf32> to vector<16xf32>
          %get3A_315 = arith.index_cast %scan3A_111 : i32 to index
          %get3A_316 = arith.constant 112 : index
          %get3A_317 = tpu.vector_load %arg9[%get3A_315, %get3A_316] {strides = array<i32>} : memref<64x128xf32, #tpu.memory_space<vmem>>, vector<1x16xf32>,
          %get3A_318 = vector.shape_cast %get3A_317 : vector<1x16xf32> to vector<16xf32>
          %add3A_319 = arith.addf %get3A_314, %get3A_318 : vector<16xf32>
          %neg3A_320 = arith.constant 0.000000e+00 : f32
          %neg3A_321 = vector.broadcast %neg3A_320 : f32 to vector<16xf32>
          %neg3A_322 = arith.subf %neg3A_321, %add3A_319 : vector<16xf32>
          %exp3A_323 = math.exp %neg3A_322 : vector<16xf32>
          %add3A_324 = arith.constant 1.000000e+00 : f32
          %add3A_325 = vector.broadcast %add3A_324 : f32 to vector<16xf32>
          %add3A_326 = arith.addf %add3A_325, %exp3A_323 : vector<16xf32>
          %div3A_327 = arith.constant 1.000000e+00 : f32
          %div3A_328 = vector.broadcast %div3A_327 : f32 to vector<16xf32>
          %div3A_329 = arith.divf %div3A_328, %add3A_326 : vector<16xf32>
          %get3A_330 = arith.index_cast %scan3A_111 : i32 to index
          %get3A_331 = arith.constant 112 : index
          %get3A_332 = tpu.vector_load %arg10[%get3A_330, %get3A_331] {strides = array<i32>} : memref<64x128xf32, #tpu.memory_space<vmem>>, vector<1x16xf32>,
          %get3A_333 = vector.shape_cast %get3A_332 : vector<1x16xf32> to vector<16xf32>
          %mul3A_334 = arith.mulf %div3A_329, %get3A_333 : vector<16xf32>
          %swap3A_335 = arith.index_cast %scan3A_111 : i32 to index
          %swap3A_336 = arith.constant 112 : index
          %swap3A_337 = tpu.vector_load %arg8[%swap3A_335, %swap3A_336] {strides = array<i32>} : memref<64x128xf32, #tpu.memory_space<vmem>>, vector<1x16xf32>,
          %swap3A_338 = vector.shape_cast %swap3A_337 : vector<1x16xf32> to vector<16xf32>
          %swap3A_339 = vector.shape_cast %mul3A_334 : vector<16xf32> to vector<1x16xf32>
          tpu.vector_store %arg8[%swap3A_335, %swap3A_336], %swap3A_339 {strides = array<i32>} : memref<64x128xf32, #tpu.memory_space<vmem>>, vector<1x16xf32>,
          %scan3A_340 = arith.constant 0 : i32
          scf.yield %scan3A_340 : i32
        }
        %scan3A_110 = arith.constant 64 : i32
        "tpu.region"() ({
          %run_scoped3A = tpu.sem_alloc : memref<!tpu.dma_semaphore, #tpu.memory_space<semaphore_mem>>
          %dma_start3A_111 = arith.constant 0 : i32
          %dma_start3A_112 = tpu.memref_slice %arg7[%scan3A_82, %dma_start3A_111] : memref<160x64xi32, #tpu.memory_space<vmem>> -> memref<1x64xi32, #tpu.memory_space<vmem>>
          %dma_start3A_113 = tpu.memref_squeeze %dma_start3A_112 : memref<1x64xi32, #tpu.memory_space<vmem>> -> memref<64xi32, #tpu.memory_space<vmem>>
          %dma_start3A_114 = arith.constant 0 : i32
          %dma_start3A_115 = arith.constant 0 : i32
          %dma_start3A_116 = tpu.memref_slice %arg11[%dma_start3A_114, %dma_start3A_115] : memref<10112x128xf32, #tpu.memory_space<vmem_shared>> -> memref<10112x128xf32, #tpu.memory_space<vmem_shared>>
          tpu.enqueue_indirect_dma source(%arg8 : memref<64x128xf32, #tpu.memory_space<vmem>>) target(%dma_start3A_116 : memref<10112x128xf32, #tpu.memory_space<vmem_shared>>) offsets(%dma_start3A_113 : memref<64xi32, #tpu.memory_space<vmem>>) semaphore(%run_scoped3A : memref<!tpu.dma_semaphore, #tpu.memory_space<semaphore_mem>>) {add = true}
          %dma_wait3A_117 = arith.constant 0 : i32
          %dma_wait3A_118 = tpu.memref_slice %arg7[%scan3A_82, %dma_wait3A_117] : memref<160x64xi32, #tpu.memory_space<vmem>> -> memref<1x64xi32, #tpu.memory_space<vmem>>
          %dma_wait3A_119 = tpu.memref_squeeze %dma_wait3A_118 : memref<1x64xi32, #tpu.memory_space<vmem>> -> memref<64xi32, #tpu.memory_space<vmem>>
          %dma_wait3A_120 = arith.constant 0 : i32
          %dma_wait3A_121 = arith.constant 0 : i32
          %dma_wait3A_122 = tpu.memref_slice %arg11[%dma_wait3A_120, %dma_wait3A_121] : memref<10112x128xf32, #tpu.memory_space<vmem_shared>> -> memref<10112x128xf32, #tpu.memory_space<vmem_shared>>
          tpu.wait_indirect_dma semaphore(%run_scoped3A : memref<!tpu.dma_semaphore, #tpu.memory_space<semaphore_mem>>) src(%arg8 : memref<64x128xf32, #tpu.memory_space<vmem>>) dst(%dma_wait3A_122 : memref<10112x128xf32, #tpu.memory_space<vmem_shared>>)
          tpu.yield
        }) : () -> ()
      } else {
      }
      %scan3A_89 = arith.constant 0 : i32
      scf.yield %scan3A_89 : i32
    }
    %scan3A_38 = arith.constant 160 : i32
    %barrier3A_39 = arith.constant 0 : index
    tpu.barrier barrier_id(%barrier3A_39)
    %mul3A_40 = arith.constant 632 : i32
    %mul3A_41 = arith.muli %arg1, %mul3A_40 : i32
    %add3A_42 = arith.constant 0 : i32
    %add3A_43 = arith.addi %mul3A_41, %add3A_42 : i32
    %add3A_44 = arith.constant 0 : i32
    %add3A_45 = arith.addi %mul3A_41, %add3A_44 : i32
    "tpu.region"() ({
      %run_scoped3A = tpu.sem_alloc : memref<!tpu.dma_semaphore, #tpu.memory_space<semaphore_mem>>
      %dma_start3A = arith.constant 0 : i32
      %dma_start3A_82 = tpu.memref_slice %arg6[%arg0, %add3A_45, %dma_start3A] : memref<2x10112x128xf32, #tpu.memory_space<hbm>> -> memref<1x64x128xf32, #tpu.memory_space<hbm>>
      %dma_start3A_83 = tpu.memref_squeeze %dma_start3A_82 : memref<1x64x128xf32, #tpu.memory_space<hbm>> -> memref<64x128xf32, #tpu.memory_space<hbm>>
      %dma_start3A_84 = arith.constant 0 : i32
      %dma_start3A_85 = tpu.memref_slice %arg11[%add3A_43, %dma_start3A_84] : memref<10112x128xf32, #tpu.memory_space<vmem_shared>> -> memref<64x128xf32, #tpu.memory_space<vmem_shared>>
      tpu.enqueue_dma source(%dma_start3A_85 : memref<64x128xf32, #tpu.memory_space<vmem_shared>>) target(%dma_start3A_83 : memref<64x128xf32, #tpu.memory_space<hbm>>) target_semaphore(%run_scoped3A : memref<!tpu.dma_semaphore, #tpu.memory_space<semaphore_mem>>)
      %dma_wait3A = arith.constant 0 : i32
      %dma_wait3A_86 = tpu.memref_slice %arg6[%arg0, %add3A_45, %dma_wait3A] : memref<2x10112x128xf32, #tpu.memory_space<hbm>> -> memref<1x64x128xf32, #tpu.memory_space<hbm>>
      %dma_wait3A_87 = tpu.memref_squeeze %dma_wait3A_86 : memref<1x64x128xf32, #tpu.memory_space<hbm>> -> memref<64x128xf32, #tpu.memory_space<hbm>>
      %dma_wait3A_88 = arith.constant 0 : i32
      %dma_wait3A_89 = tpu.memref_slice %arg11[%add3A_43, %dma_wait3A_88] : memref<10112x128xf32, #tpu.memory_space<vmem_shared>> -> memref<64x128xf32, #tpu.memory_space<vmem_shared>>
      tpu.wait_dma2 semaphore(%run_scoped3A : memref<!tpu.dma_semaphore, #tpu.memory_space<semaphore_mem>>) src(%dma_wait3A_89 : memref<64x128xf32, #tpu.memory_space<vmem_shared>>) dst(%dma_wait3A_87 : memref<64x128xf32, #tpu.memory_space<hbm>>)
      tpu.yield
    }) : () -> ()
    %add3A_46 = arith.constant 64 : i32
    %add3A_47 = arith.addi %mul3A_41, %add3A_46 : i32
    %add3A_48 = arith.constant 64 : i32
    %add3A_49 = arith.addi %mul3A_41, %add3A_48 : i32
    "tpu.region"() ({
      %run_scoped3A = tpu.sem_alloc : memref<!tpu.dma_semaphore, #tpu.memory_space<semaphore_mem>>
      %dma_start3A = arith.constant 0 : i32
      %dma_start3A_82 = tpu.memref_slice %arg6[%arg0, %add3A_49, %dma_start3A] : memref<2x10112x128xf32, #tpu.memory_space<hbm>> -> memref<1x64x128xf32, #tpu.memory_space<hbm>>
      %dma_start3A_83 = tpu.memref_squeeze %dma_start3A_82 : memref<1x64x128xf32, #tpu.memory_space<hbm>> -> memref<64x128xf32, #tpu.memory_space<hbm>>
      %dma_start3A_84 = arith.constant 0 : i32
      %dma_start3A_85 = tpu.memref_slice %arg11[%add3A_47, %dma_start3A_84] : memref<10112x128xf32, #tpu.memory_space<vmem_shared>> -> memref<64x128xf32, #tpu.memory_space<vmem_shared>>
      tpu.enqueue_dma source(%dma_start3A_85 : memref<64x128xf32, #tpu.memory_space<vmem_shared>>) target(%dma_start3A_83 : memref<64x128xf32, #tpu.memory_space<hbm>>) target_semaphore(%run_scoped3A : memref<!tpu.dma_semaphore, #tpu.memory_space<semaphore_mem>>)
      %dma_wait3A = arith.constant 0 : i32
      %dma_wait3A_86 = tpu.memref_slice %arg6[%arg0, %add3A_49, %dma_wait3A] : memref<2x10112x128xf32, #tpu.memory_space<hbm>> -> memref<1x64x128xf32, #tpu.memory_space<hbm>>
      %dma_wait3A_87 = tpu.memref_squeeze %dma_wait3A_86 : memref<1x64x128xf32, #tpu.memory_space<hbm>> -> memref<64x128xf32, #tpu.memory_space<hbm>>
      %dma_wait3A_88 = arith.constant 0 : i32
      %dma_wait3A_89 = tpu.memref_slice %arg11[%add3A_47, %dma_wait3A_88] : memref<10112x128xf32, #tpu.memory_space<vmem_shared>> -> memref<64x128xf32, #tpu.memory_space<vmem_shared>>
      tpu.wait_dma2 semaphore(%run_scoped3A : memref<!tpu.dma_semaphore, #tpu.memory_space<semaphore_mem>>) src(%dma_wait3A_89 : memref<64x128xf32, #tpu.memory_space<vmem_shared>>) dst(%dma_wait3A_87 : memref<64x128xf32, #tpu.memory_space<hbm>>)
      tpu.yield
    }) : () -> ()
    %add3A_50 = arith.constant 128 : i32
    %add3A_51 = arith.addi %mul3A_41, %add3A_50 : i32
    %add3A_52 = arith.constant 128 : i32
    %add3A_53 = arith.addi %mul3A_41, %add3A_52 : i32
    "tpu.region"() ({
      %run_scoped3A = tpu.sem_alloc : memref<!tpu.dma_semaphore, #tpu.memory_space<semaphore_mem>>
      %dma_start3A = arith.constant 0 : i32
      %dma_start3A_82 = tpu.memref_slice %arg6[%arg0, %add3A_53, %dma_start3A] : memref<2x10112x128xf32, #tpu.memory_space<hbm>> -> memref<1x64x128xf32, #tpu.memory_space<hbm>>
      %dma_start3A_83 = tpu.memref_squeeze %dma_start3A_82 : memref<1x64x128xf32, #tpu.memory_space<hbm>> -> memref<64x128xf32, #tpu.memory_space<hbm>>
      %dma_start3A_84 = arith.constant 0 : i32
      %dma_start3A_85 = tpu.memref_slice %arg11[%add3A_51, %dma_start3A_84] : memref<10112x128xf32, #tpu.memory_space<vmem_shared>> -> memref<64x128xf32, #tpu.memory_space<vmem_shared>>
      tpu.enqueue_dma source(%dma_start3A_85 : memref<64x128xf32, #tpu.memory_space<vmem_shared>>) target(%dma_start3A_83 : memref<64x128xf32, #tpu.memory_space<hbm>>) target_semaphore(%run_scoped3A : memref<!tpu.dma_semaphore, #tpu.memory_space<semaphore_mem>>)
      %dma_wait3A = arith.constant 0 : i32
      %dma_wait3A_86 = tpu.memref_slice %arg6[%arg0, %add3A_53, %dma_wait3A] : memref<2x10112x128xf32, #tpu.memory_space<hbm>> -> memref<1x64x128xf32, #tpu.memory_space<hbm>>
      %dma_wait3A_87 = tpu.memref_squeeze %dma_wait3A_86 : memref<1x64x128xf32, #tpu.memory_space<hbm>> -> memref<64x128xf32, #tpu.memory_space<hbm>>
      %dma_wait3A_88 = arith.constant 0 : i32
      %dma_wait3A_89 = tpu.memref_slice %arg11[%add3A_51, %dma_wait3A_88] : memref<10112x128xf32, #tpu.memory_space<vmem_shared>> -> memref<64x128xf32, #tpu.memory_space<vmem_shared>>
      tpu.wait_dma2 semaphore(%run_scoped3A : memref<!tpu.dma_semaphore, #tpu.memory_space<semaphore_mem>>) src(%dma_wait3A_89 : memref<64x128xf32, #tpu.memory_space<vmem_shared>>) dst(%dma_wait3A_87 : memref<64x128xf32, #tpu.memory_space<hbm>>)
      tpu.yield
    }) : () -> ()
    %add3A_54 = arith.constant 192 : i32
    %add3A_55 = arith.addi %mul3A_41, %add3A_54 : i32
    %add3A_56 = arith.constant 192 : i32
    %add3A_57 = arith.addi %mul3A_41, %add3A_56 : i32
    "tpu.region"() ({
      %run_scoped3A = tpu.sem_alloc : memref<!tpu.dma_semaphore, #tpu.memory_space<semaphore_mem>>
      %dma_start3A = arith.constant 0 : i32
      %dma_start3A_82 = tpu.memref_slice %arg6[%arg0, %add3A_57, %dma_start3A] : memref<2x10112x128xf32, #tpu.memory_space<hbm>> -> memref<1x64x128xf32, #tpu.memory_space<hbm>>
      %dma_start3A_83 = tpu.memref_squeeze %dma_start3A_82 : memref<1x64x128xf32, #tpu.memory_space<hbm>> -> memref<64x128xf32, #tpu.memory_space<hbm>>
      %dma_start3A_84 = arith.constant 0 : i32
      %dma_start3A_85 = tpu.memref_slice %arg11[%add3A_55, %dma_start3A_84] : memref<10112x128xf32, #tpu.memory_space<vmem_shared>> -> memref<64x128xf32, #tpu.memory_space<vmem_shared>>
      tpu.enqueue_dma source(%dma_start3A_85 : memref<64x128xf32, #tpu.memory_space<vmem_shared>>) target(%dma_start3A_83 : memref<64x128xf32, #tpu.memory_space<hbm>>) target_semaphore(%run_scoped3A : memref<!tpu.dma_semaphore, #tpu.memory_space<semaphore_mem>>)
      %dma_wait3A = arith.constant 0 : i32
      %dma_wait3A_86 = tpu.memref_slice %arg6[%arg0, %add3A_57, %dma_wait3A] : memref<2x10112x128xf32, #tpu.memory_space<hbm>> -> memref<1x64x128xf32, #tpu.memory_space<hbm>>
      %dma_wait3A_87 = tpu.memref_squeeze %dma_wait3A_86 : memref<1x64x128xf32, #tpu.memory_space<hbm>> -> memref<64x128xf32, #tpu.memory_space<hbm>>
      %dma_wait3A_88 = arith.constant 0 : i32
      %dma_wait3A_89 = tpu.memref_slice %arg11[%add3A_55, %dma_wait3A_88] : memref<10112x128xf32, #tpu.memory_space<vmem_shared>> -> memref<64x128xf32, #tpu.memory_space<vmem_shared>>
      tpu.wait_dma2 semaphore(%run_scoped3A : memref<!tpu.dma_semaphore, #tpu.memory_space<semaphore_mem>>) src(%dma_wait3A_89 : memref<64x128xf32, #tpu.memory_space<vmem_shared>>) dst(%dma_wait3A_87 : memref<64x128xf32, #tpu.memory_space<hbm>>)
      tpu.yield
    }) : () -> ()
    %add3A_58 = arith.constant 256 : i32
    %add3A_59 = arith.addi %mul3A_41, %add3A_58 : i32
    %add3A_60 = arith.constant 256 : i32
    %add3A_61 = arith.addi %mul3A_41, %add3A_60 : i32
    "tpu.region"() ({
      %run_scoped3A = tpu.sem_alloc : memref<!tpu.dma_semaphore, #tpu.memory_space<semaphore_mem>>
      %dma_start3A = arith.constant 0 : i32
      %dma_start3A_82 = tpu.memref_slice %arg6[%arg0, %add3A_61, %dma_start3A] : memref<2x10112x128xf32, #tpu.memory_space<hbm>> -> memref<1x64x128xf32, #tpu.memory_space<hbm>>
      %dma_start3A_83 = tpu.memref_squeeze %dma_start3A_82 : memref<1x64x128xf32, #tpu.memory_space<hbm>> -> memref<64x128xf32, #tpu.memory_space<hbm>>
      %dma_start3A_84 = arith.constant 0 : i32
      %dma_start3A_85 = tpu.memref_slice %arg11[%add3A_59, %dma_start3A_84] : memref<10112x128xf32, #tpu.memory_space<vmem_shared>> -> memref<64x128xf32, #tpu.memory_space<vmem_shared>>
      tpu.enqueue_dma source(%dma_start3A_85 : memref<64x128xf32, #tpu.memory_space<vmem_shared>>) target(%dma_start3A_83 : memref<64x128xf32, #tpu.memory_space<hbm>>) target_semaphore(%run_scoped3A : memref<!tpu.dma_semaphore, #tpu.memory_space<semaphore_mem>>)
      %dma_wait3A = arith.constant 0 : i32
      %dma_wait3A_86 = tpu.memref_slice %arg6[%arg0, %add3A_61, %dma_wait3A] : memref<2x10112x128xf32, #tpu.memory_space<hbm>> -> memref<1x64x128xf32, #tpu.memory_space<hbm>>
      %dma_wait3A_87 = tpu.memref_squeeze %dma_wait3A_86 : memref<1x64x128xf32, #tpu.memory_space<hbm>> -> memref<64x128xf32, #tpu.memory_space<hbm>>
      %dma_wait3A_88 = arith.constant 0 : i32
      %dma_wait3A_89 = tpu.memref_slice %arg11[%add3A_59, %dma_wait3A_88] : memref<10112x128xf32, #tpu.memory_space<vmem_shared>> -> memref<64x128xf32, #tpu.memory_space<vmem_shared>>
      tpu.wait_dma2 semaphore(%run_scoped3A : memref<!tpu.dma_semaphore, #tpu.memory_space<semaphore_mem>>) src(%dma_wait3A_89 : memref<64x128xf32, #tpu.memory_space<vmem_shared>>) dst(%dma_wait3A_87 : memref<64x128xf32, #tpu.memory_space<hbm>>)
      tpu.yield
    }) : () -> ()
    %add3A_62 = arith.constant 320 : i32
    %add3A_63 = arith.addi %mul3A_41, %add3A_62 : i32
    %add3A_64 = arith.constant 320 : i32
    %add3A_65 = arith.addi %mul3A_41, %add3A_64 : i32
    "tpu.region"() ({
      %run_scoped3A = tpu.sem_alloc : memref<!tpu.dma_semaphore, #tpu.memory_space<semaphore_mem>>
      %dma_start3A = arith.constant 0 : i32
      %dma_start3A_82 = tpu.memref_slice %arg6[%arg0, %add3A_65, %dma_start3A] : memref<2x10112x128xf32, #tpu.memory_space<hbm>> -> memref<1x64x128xf32, #tpu.memory_space<hbm>>
      %dma_start3A_83 = tpu.memref_squeeze %dma_start3A_82 : memref<1x64x128xf32, #tpu.memory_space<hbm>> -> memref<64x128xf32, #tpu.memory_space<hbm>>
      %dma_start3A_84 = arith.constant 0 : i32
      %dma_start3A_85 = tpu.memref_slice %arg11[%add3A_63, %dma_start3A_84] : memref<10112x128xf32, #tpu.memory_space<vmem_shared>> -> memref<64x128xf32, #tpu.memory_space<vmem_shared>>
      tpu.enqueue_dma source(%dma_start3A_85 : memref<64x128xf32, #tpu.memory_space<vmem_shared>>) target(%dma_start3A_83 : memref<64x128xf32, #tpu.memory_space<hbm>>) target_semaphore(%run_scoped3A : memref<!tpu.dma_semaphore, #tpu.memory_space<semaphore_mem>>)
      %dma_wait3A = arith.constant 0 : i32
      %dma_wait3A_86 = tpu.memref_slice %arg6[%arg0, %add3A_65, %dma_wait3A] : memref<2x10112x128xf32, #tpu.memory_space<hbm>> -> memref<1x64x128xf32, #tpu.memory_space<hbm>>
      %dma_wait3A_87 = tpu.memref_squeeze %dma_wait3A_86 : memref<1x64x128xf32, #tpu.memory_space<hbm>> -> memref<64x128xf32, #tpu.memory_space<hbm>>
      %dma_wait3A_88 = arith.constant 0 : i32
      %dma_wait3A_89 = tpu.memref_slice %arg11[%add3A_63, %dma_wait3A_88] : memref<10112x128xf32, #tpu.memory_space<vmem_shared>> -> memref<64x128xf32, #tpu.memory_space<vmem_shared>>
      tpu.wait_dma2 semaphore(%run_scoped3A : memref<!tpu.dma_semaphore, #tpu.memory_space<semaphore_mem>>) src(%dma_wait3A_89 : memref<64x128xf32, #tpu.memory_space<vmem_shared>>) dst(%dma_wait3A_87 : memref<64x128xf32, #tpu.memory_space<hbm>>)
      tpu.yield
    }) : () -> ()
    %add3A_66 = arith.constant 384 : i32
    %add3A_67 = arith.addi %mul3A_41, %add3A_66 : i32
    %add3A_68 = arith.constant 384 : i32
    %add3A_69 = arith.addi %mul3A_41, %add3A_68 : i32
    "tpu.region"() ({
      %run_scoped3A = tpu.sem_alloc : memref<!tpu.dma_semaphore, #tpu.memory_space<semaphore_mem>>
      %dma_start3A = arith.constant 0 : i32
      %dma_start3A_82 = tpu.memref_slice %arg6[%arg0, %add3A_69, %dma_start3A] : memref<2x10112x128xf32, #tpu.memory_space<hbm>> -> memref<1x64x128xf32, #tpu.memory_space<hbm>>
      %dma_start3A_83 = tpu.memref_squeeze %dma_start3A_82 : memref<1x64x128xf32, #tpu.memory_space<hbm>> -> memref<64x128xf32, #tpu.memory_space<hbm>>
      %dma_start3A_84 = arith.constant 0 : i32
      %dma_start3A_85 = tpu.memref_slice %arg11[%add3A_67, %dma_start3A_84] : memref<10112x128xf32, #tpu.memory_space<vmem_shared>> -> memref<64x128xf32, #tpu.memory_space<vmem_shared>>
      tpu.enqueue_dma source(%dma_start3A_85 : memref<64x128xf32, #tpu.memory_space<vmem_shared>>) target(%dma_start3A_83 : memref<64x128xf32, #tpu.memory_space<hbm>>) target_semaphore(%run_scoped3A : memref<!tpu.dma_semaphore, #tpu.memory_space<semaphore_mem>>)
      %dma_wait3A = arith.constant 0 : i32
      %dma_wait3A_86 = tpu.memref_slice %arg6[%arg0, %add3A_69, %dma_wait3A] : memref<2x10112x128xf32, #tpu.memory_space<hbm>> -> memref<1x64x128xf32, #tpu.memory_space<hbm>>
      %dma_wait3A_87 = tpu.memref_squeeze %dma_wait3A_86 : memref<1x64x128xf32, #tpu.memory_space<hbm>> -> memref<64x128xf32, #tpu.memory_space<hbm>>
      %dma_wait3A_88 = arith.constant 0 : i32
      %dma_wait3A_89 = tpu.memref_slice %arg11[%add3A_67, %dma_wait3A_88] : memref<10112x128xf32, #tpu.memory_space<vmem_shared>> -> memref<64x128xf32, #tpu.memory_space<vmem_shared>>
      tpu.wait_dma2 semaphore(%run_scoped3A : memref<!tpu.dma_semaphore, #tpu.memory_space<semaphore_mem>>) src(%dma_wait3A_89 : memref<64x128xf32, #tpu.memory_space<vmem_shared>>) dst(%dma_wait3A_87 : memref<64x128xf32, #tpu.memory_space<hbm>>)
      tpu.yield
    }) : () -> ()
    %add3A_70 = arith.constant 448 : i32
    %add3A_71 = arith.addi %mul3A_41, %add3A_70 : i32
    %add3A_72 = arith.constant 448 : i32
    %add3A_73 = arith.addi %mul3A_41, %add3A_72 : i32
    "tpu.region"() ({
      %run_scoped3A = tpu.sem_alloc : memref<!tpu.dma_semaphore, #tpu.memory_space<semaphore_mem>>
      %dma_start3A = arith.constant 0 : i32
      %dma_start3A_82 = tpu.memref_slice %arg6[%arg0, %add3A_73, %dma_start3A] : memref<2x10112x128xf32, #tpu.memory_space<hbm>> -> memref<1x64x128xf32, #tpu.memory_space<hbm>>
      %dma_start3A_83 = tpu.memref_squeeze %dma_start3A_82 : memref<1x64x128xf32, #tpu.memory_space<hbm>> -> memref<64x128xf32, #tpu.memory_space<hbm>>
      %dma_start3A_84 = arith.constant 0 : i32
      %dma_start3A_85 = tpu.memref_slice %arg11[%add3A_71, %dma_start3A_84] : memref<10112x128xf32, #tpu.memory_space<vmem_shared>> -> memref<64x128xf32, #tpu.memory_space<vmem_shared>>
      tpu.enqueue_dma source(%dma_start3A_85 : memref<64x128xf32, #tpu.memory_space<vmem_shared>>) target(%dma_start3A_83 : memref<64x128xf32, #tpu.memory_space<hbm>>) target_semaphore(%run_scoped3A : memref<!tpu.dma_semaphore, #tpu.memory_space<semaphore_mem>>)
      %dma_wait3A = arith.constant 0 : i32
      %dma_wait3A_86 = tpu.memref_slice %arg6[%arg0, %add3A_73, %dma_wait3A] : memref<2x10112x128xf32, #tpu.memory_space<hbm>> -> memref<1x64x128xf32, #tpu.memory_space<hbm>>
      %dma_wait3A_87 = tpu.memref_squeeze %dma_wait3A_86 : memref<1x64x128xf32, #tpu.memory_space<hbm>> -> memref<64x128xf32, #tpu.memory_space<hbm>>
      %dma_wait3A_88 = arith.constant 0 : i32
      %dma_wait3A_89 = tpu.memref_slice %arg11[%add3A_71, %dma_wait3A_88] : memref<10112x128xf32, #tpu.memory_space<vmem_shared>> -> memref<64x128xf32, #tpu.memory_space<vmem_shared>>
      tpu.wait_dma2 semaphore(%run_scoped3A : memref<!tpu.dma_semaphore, #tpu.memory_space<semaphore_mem>>) src(%dma_wait3A_89 : memref<64x128xf32, #tpu.memory_space<vmem_shared>>) dst(%dma_wait3A_87 : memref<64x128xf32, #tpu.memory_space<hbm>>)
      tpu.yield
    }) : () -> ()
    %add3A_74 = arith.constant 512 : i32
    %add3A_75 = arith.addi %mul3A_41, %add3A_74 : i32
    %add3A_76 = arith.constant 512 : i32
    %add3A_77 = arith.addi %mul3A_41, %add3A_76 : i32
    "tpu.region"() ({
      %run_scoped3A = tpu.sem_alloc : memref<!tpu.dma_semaphore, #tpu.memory_space<semaphore_mem>>
      %dma_start3A = arith.constant 0 : i32
      %dma_start3A_82 = tpu.memref_slice %arg6[%arg0, %add3A_77, %dma_start3A] : memref<2x10112x128xf32, #tpu.memory_space<hbm>> -> memref<1x64x128xf32, #tpu.memory_space<hbm>>
      %dma_start3A_83 = tpu.memref_squeeze %dma_start3A_82 : memref<1x64x128xf32, #tpu.memory_space<hbm>> -> memref<64x128xf32, #tpu.memory_space<hbm>>
      %dma_start3A_84 = arith.constant 0 : i32
      %dma_start3A_85 = tpu.memref_slice %arg11[%add3A_75, %dma_start3A_84] : memref<10112x128xf32, #tpu.memory_space<vmem_shared>> -> memref<64x128xf32, #tpu.memory_space<vmem_shared>>
      tpu.enqueue_dma source(%dma_start3A_85 : memref<64x128xf32, #tpu.memory_space<vmem_shared>>) target(%dma_start3A_83 : memref<64x128xf32, #tpu.memory_space<hbm>>) target_semaphore(%run_scoped3A : memref<!tpu.dma_semaphore, #tpu.memory_space<semaphore_mem>>)
      %dma_wait3A = arith.constant 0 : i32
      %dma_wait3A_86 = tpu.memref_slice %arg6[%arg0, %add3A_77, %dma_wait3A] : memref<2x10112x128xf32, #tpu.memory_space<hbm>> -> memref<1x64x128xf32, #tpu.memory_space<hbm>>
      %dma_wait3A_87 = tpu.memref_squeeze %dma_wait3A_86 : memref<1x64x128xf32, #tpu.memory_space<hbm>> -> memref<64x128xf32, #tpu.memory_space<hbm>>
      %dma_wait3A_88 = arith.constant 0 : i32
      %dma_wait3A_89 = tpu.memref_slice %arg11[%add3A_75, %dma_wait3A_88] : memref<10112x128xf32, #tpu.memory_space<vmem_shared>> -> memref<64x128xf32, #tpu.memory_space<vmem_shared>>
      tpu.wait_dma2 semaphore(%run_scoped3A : memref<!tpu.dma_semaphore, #tpu.memory_space<semaphore_mem>>) src(%dma_wait3A_89 : memref<64x128xf32, #tpu.memory_space<vmem_shared>>) dst(%dma_wait3A_87 : memref<64x128xf32, #tpu.memory_space<hbm>>)
      tpu.yield
    }) : () -> ()
    %add3A_78 = arith.constant 576 : i32
    %add3A_79 = arith.addi %mul3A_41, %add3A_78 : i32
    %add3A_80 = arith.constant 576 : i32
    %add3A_81 = arith.addi %mul3A_41, %add3A_80 : i32
    "tpu.region"() ({
      %run_scoped3A = tpu.sem_alloc : memref<!tpu.dma_semaphore, #tpu.memory_space<semaphore_mem>>
      %dma_start3A = arith.constant 0 : i32
      %dma_start3A_82 = tpu.memref_slice %arg6[%arg0, %add3A_81, %dma_start3A] : memref<2x10112x128xf32, #tpu.memory_space<hbm>> -> memref<1x56x128xf32, #tpu.memory_space<hbm>>
      %dma_start3A_83 = tpu.memref_squeeze %dma_start3A_82 : memref<1x56x128xf32, #tpu.memory_space<hbm>> -> memref<56x128xf32, #tpu.memory_space<hbm>>
      %dma_start3A_84 = arith.constant 0 : i32
      %dma_start3A_85 = tpu.memref_slice %arg11[%add3A_79, %dma_start3A_84] : memref<10112x128xf32, #tpu.memory_space<vmem_shared>> -> memref<56x128xf32, #tpu.memory_space<vmem_shared>>
      tpu.enqueue_dma source(%dma_start3A_85 : memref<56x128xf32, #tpu.memory_space<vmem_shared>>) target(%dma_start3A_83 : memref<56x128xf32, #tpu.memory_space<hbm>>) target_semaphore(%run_scoped3A : memref<!tpu.dma_semaphore, #tpu.memory_space<semaphore_mem>>)
      %dma_wait3A = arith.constant 0 : i32
      %dma_wait3A_86 = tpu.memref_slice %arg6[%arg0, %add3A_81, %dma_wait3A] : memref<2x10112x128xf32, #tpu.memory_space<hbm>> -> memref<1x56x128xf32, #tpu.memory_space<hbm>>
      %dma_wait3A_87 = tpu.memref_squeeze %dma_wait3A_86 : memref<1x56x128xf32, #tpu.memory_space<hbm>> -> memref<56x128xf32, #tpu.memory_space<hbm>>
      %dma_wait3A_88 = arith.constant 0 : i32
      %dma_wait3A_89 = tpu.memref_slice %arg11[%add3A_79, %dma_wait3A_88] : memref<10112x128xf32, #tpu.memory_space<vmem_shared>> -> memref<56x128xf32, #tpu.memory_space<vmem_shared>>
      tpu.wait_dma2 semaphore(%run_scoped3A : memref<!tpu.dma_semaphore, #tpu.memory_space<semaphore_mem>>) src(%dma_wait3A_89 : memref<56x128xf32, #tpu.memory_space<vmem_shared>>) dst(%dma_wait3A_87 : memref<56x128xf32, #tpu.memory_space<hbm>>)
      tpu.yield
    }) : () -> ()
    return
  }
}

#map = affine_map<(d0, d1) -> (0, 0)>
#map1 = affine_map<(d0, d1) -> (0, 0, 0)>
module attributes {stable_mosaic.version = 14 : i64} {
  func.func @body(%arg0: i32, %arg1: i32, %arg2: memref<320000x128xf32, #tpu.memory_space<hbm>>, %arg3: memref<5120x64xi32, #tpu.memory_space<hbm>>, %arg4: memref<2x10112x128xf32, #tpu.memory_space<hbm>>, %arg5: memref<160x64xi32, #tpu.memory_space<vmem>>, %arg6: memref<64x128xf32, #tpu.memory_space<vmem>>, %arg7: memref<10112x128xf32, #tpu.memory_space<vmem_shared>>) attributes {dimension_semantics = [#tpu.dimension_semantics<core_parallel>, #tpu.dimension_semantics<subcore_parallel>], iteration_bounds = array<i64: 2, 16>, scalar_prefetch = 0 : i64, scratch_operands = 3 : i64, tpu.core_type = #tpu.core_type<sc_vector_subcore>, window_params = [{transform_indices = #map}, {transform_indices = #map}, {transform_indices = #map1}]} {
    %mul3A = arith.constant 16 : i32
    %mul3A_0 = arith.muli %arg0, %mul3A : i32
    %add3A = arith.addi %mul3A_0, %arg1 : i32
    %broadcast_in_dim3A = arith.constant 0.000000e+00 : f32
    %broadcast_in_dim3A_1 = vector.broadcast %broadcast_in_dim3A : f32 to vector<16xf32>
    %scan3A = arith.constant 0 : i32
    %scan3A_2 = arith.constant 0 : i32
    %scan3A_3 = arith.constant 64 : i32
    %scan3A_4 = arith.addi %scan3A_2, %scan3A_3 : i32
    %scan3A_5 = arith.constant 1 : i32
    %scan3A_6 = scf.for %scan3A_82 = %scan3A_2 to %scan3A_4 step %scan3A_5 iter_args(%scan3A_83 = %scan3A) -> (i32)  : i32 {
      %swap3A = arith.index_cast %scan3A_82 : i32 to index
      %swap3A_84 = arith.constant 0 : index
      %swap3A_85 = tpu.vector_load %arg6[%swap3A, %swap3A_84] {strides = array<i32>} : memref<64x128xf32, #tpu.memory_space<vmem>>, vector<1x16xf32>,
      %swap3A_86 = vector.shape_cast %swap3A_85 : vector<1x16xf32> to vector<16xf32>
      %swap3A_87 = vector.shape_cast %broadcast_in_dim3A_1 : vector<16xf32> to vector<1x16xf32>
      tpu.vector_store %arg6[%swap3A, %swap3A_84], %swap3A_87 {strides = array<i32>} : memref<64x128xf32, #tpu.memory_space<vmem>>, vector<1x16xf32>,
      %swap3A_88 = arith.index_cast %scan3A_82 : i32 to index
      %swap3A_89 = arith.constant 16 : index
      %swap3A_90 = tpu.vector_load %arg6[%swap3A_88, %swap3A_89] {strides = array<i32>} : memref<64x128xf32, #tpu.memory_space<vmem>>, vector<1x16xf32>,
      %swap3A_91 = vector.shape_cast %swap3A_90 : vector<1x16xf32> to vector<16xf32>
      %swap3A_92 = vector.shape_cast %broadcast_in_dim3A_1 : vector<16xf32> to vector<1x16xf32>
      tpu.vector_store %arg6[%swap3A_88, %swap3A_89], %swap3A_92 {strides = array<i32>} : memref<64x128xf32, #tpu.memory_space<vmem>>, vector<1x16xf32>,
      %swap3A_93 = arith.index_cast %scan3A_82 : i32 to index
      %swap3A_94 = arith.constant 32 : index
      %swap3A_95 = tpu.vector_load %arg6[%swap3A_93, %swap3A_94] {strides = array<i32>} : memref<64x128xf32, #tpu.memory_space<vmem>>, vector<1x16xf32>,
      %swap3A_96 = vector.shape_cast %swap3A_95 : vector<1x16xf32> to vector<16xf32>
      %swap3A_97 = vector.shape_cast %broadcast_in_dim3A_1 : vector<16xf32> to vector<1x16xf32>
      tpu.vector_store %arg6[%swap3A_93, %swap3A_94], %swap3A_97 {strides = array<i32>} : memref<64x128xf32, #tpu.memory_space<vmem>>, vector<1x16xf32>,
      %swap3A_98 = arith.index_cast %scan3A_82 : i32 to index
      %swap3A_99 = arith.constant 48 : index
      %swap3A_100 = tpu.vector_load %arg6[%swap3A_98, %swap3A_99] {strides = array<i32>} : memref<64x128xf32, #tpu.memory_space<vmem>>, vector<1x16xf32>,
      %swap3A_101 = vector.shape_cast %swap3A_100 : vector<1x16xf32> to vector<16xf32>
      %swap3A_102 = vector.shape_cast %broadcast_in_dim3A_1 : vector<16xf32> to vector<1x16xf32>
      tpu.vector_store %arg6[%swap3A_98, %swap3A_99], %swap3A_102 {strides = array<i32>} : memref<64x128xf32, #tpu.memory_space<vmem>>, vector<1x16xf32>,
      %swap3A_103 = arith.index_cast %scan3A_82 : i32 to index
      %swap3A_104 = arith.constant 64 : index
      %swap3A_105 = tpu.vector_load %arg6[%swap3A_103, %swap3A_104] {strides = array<i32>} : memref<64x128xf32, #tpu.memory_space<vmem>>, vector<1x16xf32>,
      %swap3A_106 = vector.shape_cast %swap3A_105 : vector<1x16xf32> to vector<16xf32>
      %swap3A_107 = vector.shape_cast %broadcast_in_dim3A_1 : vector<16xf32> to vector<1x16xf32>
      tpu.vector_store %arg6[%swap3A_103, %swap3A_104], %swap3A_107 {strides = array<i32>} : memref<64x128xf32, #tpu.memory_space<vmem>>, vector<1x16xf32>,
      %swap3A_108 = arith.index_cast %scan3A_82 : i32 to index
      %swap3A_109 = arith.constant 80 : index
      %swap3A_110 = tpu.vector_load %arg6[%swap3A_108, %swap3A_109] {strides = array<i32>} : memref<64x128xf32, #tpu.memory_space<vmem>>, vector<1x16xf32>,
      %swap3A_111 = vector.shape_cast %swap3A_110 : vector<1x16xf32> to vector<16xf32>
      %swap3A_112 = vector.shape_cast %broadcast_in_dim3A_1 : vector<16xf32> to vector<1x16xf32>
      tpu.vector_store %arg6[%swap3A_108, %swap3A_109], %swap3A_112 {strides = array<i32>} : memref<64x128xf32, #tpu.memory_space<vmem>>, vector<1x16xf32>,
      %swap3A_113 = arith.index_cast %scan3A_82 : i32 to index
      %swap3A_114 = arith.constant 96 : index
      %swap3A_115 = tpu.vector_load %arg6[%swap3A_113, %swap3A_114] {strides = array<i32>} : memref<64x128xf32, #tpu.memory_space<vmem>>, vector<1x16xf32>,
      %swap3A_116 = vector.shape_cast %swap3A_115 : vector<1x16xf32> to vector<16xf32>
      %swap3A_117 = vector.shape_cast %broadcast_in_dim3A_1 : vector<16xf32> to vector<1x16xf32>
      tpu.vector_store %arg6[%swap3A_113, %swap3A_114], %swap3A_117 {strides = array<i32>} : memref<64x128xf32, #tpu.memory_space<vmem>>, vector<1x16xf32>,
      %swap3A_118 = arith.index_cast %scan3A_82 : i32 to index
      %swap3A_119 = arith.constant 112 : index
      %swap3A_120 = tpu.vector_load %arg6[%swap3A_118, %swap3A_119] {strides = array<i32>} : memref<64x128xf32, #tpu.memory_space<vmem>>, vector<1x16xf32>,
      %swap3A_121 = vector.shape_cast %swap3A_120 : vector<1x16xf32> to vector<16xf32>
      %swap3A_122 = vector.shape_cast %broadcast_in_dim3A_1 : vector<16xf32> to vector<1x16xf32>
      tpu.vector_store %arg6[%swap3A_118, %swap3A_119], %swap3A_122 {strides = array<i32>} : memref<64x128xf32, #tpu.memory_space<vmem>>, vector<1x16xf32>,
      %scan3A_123 = arith.constant 0 : i32
      scf.yield %scan3A_123 : i32
    }
    %scan3A_7 = arith.constant 64 : i32
    %mul3A_8 = arith.constant 632 : i32
    %mul3A_9 = arith.muli %arg1, %mul3A_8 : i32
    %add3A_10 = arith.constant 0 : i32
    %add3A_11 = arith.addi %mul3A_9, %add3A_10 : i32
    "tpu.region"() ({
      %run_scoped3A = tpu.sem_alloc : memref<!tpu.dma_semaphore, #tpu.memory_space<semaphore_mem>>
      %dma_start3A = arith.constant 0 : i32
      %dma_start3A_82 = tpu.memref_slice %arg7[%add3A_11, %dma_start3A] : memref<10112x128xf32, #tpu.memory_space<vmem_shared>> -> memref<64x128xf32, #tpu.memory_space<vmem_shared>>
      %dma_start3A_83 = arith.constant 0 : i32
      %dma_start3A_84 = tpu.memref_slice %arg7[%add3A_11, %dma_start3A_83] : memref<10112x128xf32, #tpu.memory_space<vmem_shared>> -> memref<64x128xf32, #tpu.memory_space<vmem_shared>>
      tpu.enqueue_dma source(%arg6 : memref<64x128xf32, #tpu.memory_space<vmem>>) target(%dma_start3A_84 : memref<64x128xf32, #tpu.memory_space<vmem_shared>>) target_semaphore(%run_scoped3A : memref<!tpu.dma_semaphore, #tpu.memory_space<semaphore_mem>>)
      %dma_wait3A = arith.constant 0 : i32
      %dma_wait3A_85 = tpu.memref_slice %arg7[%add3A_11, %dma_wait3A] : memref<10112x128xf32, #tpu.memory_space<vmem_shared>> -> memref<64x128xf32, #tpu.memory_space<vmem_shared>>
      %dma_wait3A_86 = arith.constant 0 : i32
      %dma_wait3A_87 = tpu.memref_slice %arg7[%add3A_11, %dma_wait3A_86] : memref<10112x128xf32, #tpu.memory_space<vmem_shared>> -> memref<64x128xf32, #tpu.memory_space<vmem_shared>>
      tpu.wait_dma2 semaphore(%run_scoped3A : memref<!tpu.dma_semaphore, #tpu.memory_space<semaphore_mem>>) src(%arg6 : memref<64x128xf32, #tpu.memory_space<vmem>>) dst(%dma_wait3A_87 : memref<64x128xf32, #tpu.memory_space<vmem_shared>>)
      tpu.yield
    }) : () -> ()
    %add3A_12 = arith.constant 64 : i32
    %add3A_13 = arith.addi %mul3A_9, %add3A_12 : i32
    "tpu.region"() ({
      %run_scoped3A = tpu.sem_alloc : memref<!tpu.dma_semaphore, #tpu.memory_space<semaphore_mem>>
      %dma_start3A = arith.constant 0 : i32
      %dma_start3A_82 = tpu.memref_slice %arg7[%add3A_13, %dma_start3A] : memref<10112x128xf32, #tpu.memory_space<vmem_shared>> -> memref<64x128xf32, #tpu.memory_space<vmem_shared>>
      %dma_start3A_83 = arith.constant 0 : i32
      %dma_start3A_84 = tpu.memref_slice %arg7[%add3A_13, %dma_start3A_83] : memref<10112x128xf32, #tpu.memory_space<vmem_shared>> -> memref<64x128xf32, #tpu.memory_space<vmem_shared>>
      tpu.enqueue_dma source(%arg6 : memref<64x128xf32, #tpu.memory_space<vmem>>) target(%dma_start3A_84 : memref<64x128xf32, #tpu.memory_space<vmem_shared>>) target_semaphore(%run_scoped3A : memref<!tpu.dma_semaphore, #tpu.memory_space<semaphore_mem>>)
      %dma_wait3A = arith.constant 0 : i32
      %dma_wait3A_85 = tpu.memref_slice %arg7[%add3A_13, %dma_wait3A] : memref<10112x128xf32, #tpu.memory_space<vmem_shared>> -> memref<64x128xf32, #tpu.memory_space<vmem_shared>>
      %dma_wait3A_86 = arith.constant 0 : i32
      %dma_wait3A_87 = tpu.memref_slice %arg7[%add3A_13, %dma_wait3A_86] : memref<10112x128xf32, #tpu.memory_space<vmem_shared>> -> memref<64x128xf32, #tpu.memory_space<vmem_shared>>
      tpu.wait_dma2 semaphore(%run_scoped3A : memref<!tpu.dma_semaphore, #tpu.memory_space<semaphore_mem>>) src(%arg6 : memref<64x128xf32, #tpu.memory_space<vmem>>) dst(%dma_wait3A_87 : memref<64x128xf32, #tpu.memory_space<vmem_shared>>)
      tpu.yield
    }) : () -> ()
    %add3A_14 = arith.constant 128 : i32
    %add3A_15 = arith.addi %mul3A_9, %add3A_14 : i32
    "tpu.region"() ({
      %run_scoped3A = tpu.sem_alloc : memref<!tpu.dma_semaphore, #tpu.memory_space<semaphore_mem>>
      %dma_start3A = arith.constant 0 : i32
      %dma_start3A_82 = tpu.memref_slice %arg7[%add3A_15, %dma_start3A] : memref<10112x128xf32, #tpu.memory_space<vmem_shared>> -> memref<64x128xf32, #tpu.memory_space<vmem_shared>>
      %dma_start3A_83 = arith.constant 0 : i32
      %dma_start3A_84 = tpu.memref_slice %arg7[%add3A_15, %dma_start3A_83] : memref<10112x128xf32, #tpu.memory_space<vmem_shared>> -> memref<64x128xf32, #tpu.memory_space<vmem_shared>>
      tpu.enqueue_dma source(%arg6 : memref<64x128xf32, #tpu.memory_space<vmem>>) target(%dma_start3A_84 : memref<64x128xf32, #tpu.memory_space<vmem_shared>>) target_semaphore(%run_scoped3A : memref<!tpu.dma_semaphore, #tpu.memory_space<semaphore_mem>>)
      %dma_wait3A = arith.constant 0 : i32
      %dma_wait3A_85 = tpu.memref_slice %arg7[%add3A_15, %dma_wait3A] : memref<10112x128xf32, #tpu.memory_space<vmem_shared>> -> memref<64x128xf32, #tpu.memory_space<vmem_shared>>
      %dma_wait3A_86 = arith.constant 0 : i32
      %dma_wait3A_87 = tpu.memref_slice %arg7[%add3A_15, %dma_wait3A_86] : memref<10112x128xf32, #tpu.memory_space<vmem_shared>> -> memref<64x128xf32, #tpu.memory_space<vmem_shared>>
      tpu.wait_dma2 semaphore(%run_scoped3A : memref<!tpu.dma_semaphore, #tpu.memory_space<semaphore_mem>>) src(%arg6 : memref<64x128xf32, #tpu.memory_space<vmem>>) dst(%dma_wait3A_87 : memref<64x128xf32, #tpu.memory_space<vmem_shared>>)
      tpu.yield
    }) : () -> ()
    %add3A_16 = arith.constant 192 : i32
    %add3A_17 = arith.addi %mul3A_9, %add3A_16 : i32
    "tpu.region"() ({
      %run_scoped3A = tpu.sem_alloc : memref<!tpu.dma_semaphore, #tpu.memory_space<semaphore_mem>>
      %dma_start3A = arith.constant 0 : i32
      %dma_start3A_82 = tpu.memref_slice %arg7[%add3A_17, %dma_start3A] : memref<10112x128xf32, #tpu.memory_space<vmem_shared>> -> memref<64x128xf32, #tpu.memory_space<vmem_shared>>
      %dma_start3A_83 = arith.constant 0 : i32
      %dma_start3A_84 = tpu.memref_slice %arg7[%add3A_17, %dma_start3A_83] : memref<10112x128xf32, #tpu.memory_space<vmem_shared>> -> memref<64x128xf32, #tpu.memory_space<vmem_shared>>
      tpu.enqueue_dma source(%arg6 : memref<64x128xf32, #tpu.memory_space<vmem>>) target(%dma_start3A_84 : memref<64x128xf32, #tpu.memory_space<vmem_shared>>) target_semaphore(%run_scoped3A : memref<!tpu.dma_semaphore, #tpu.memory_space<semaphore_mem>>)
      %dma_wait3A = arith.constant 0 : i32
      %dma_wait3A_85 = tpu.memref_slice %arg7[%add3A_17, %dma_wait3A] : memref<10112x128xf32, #tpu.memory_space<vmem_shared>> -> memref<64x128xf32, #tpu.memory_space<vmem_shared>>
      %dma_wait3A_86 = arith.constant 0 : i32
      %dma_wait3A_87 = tpu.memref_slice %arg7[%add3A_17, %dma_wait3A_86] : memref<10112x128xf32, #tpu.memory_space<vmem_shared>> -> memref<64x128xf32, #tpu.memory_space<vmem_shared>>
      tpu.wait_dma2 semaphore(%run_scoped3A : memref<!tpu.dma_semaphore, #tpu.memory_space<semaphore_mem>>) src(%arg6 : memref<64x128xf32, #tpu.memory_space<vmem>>) dst(%dma_wait3A_87 : memref<64x128xf32, #tpu.memory_space<vmem_shared>>)
      tpu.yield
    }) : () -> ()
    %add3A_18 = arith.constant 256 : i32
    %add3A_19 = arith.addi %mul3A_9, %add3A_18 : i32
    "tpu.region"() ({
      %run_scoped3A = tpu.sem_alloc : memref<!tpu.dma_semaphore, #tpu.memory_space<semaphore_mem>>
      %dma_start3A = arith.constant 0 : i32
      %dma_start3A_82 = tpu.memref_slice %arg7[%add3A_19, %dma_start3A] : memref<10112x128xf32, #tpu.memory_space<vmem_shared>> -> memref<64x128xf32, #tpu.memory_space<vmem_shared>>
      %dma_start3A_83 = arith.constant 0 : i32
      %dma_start3A_84 = tpu.memref_slice %arg7[%add3A_19, %dma_start3A_83] : memref<10112x128xf32, #tpu.memory_space<vmem_shared>> -> memref<64x128xf32, #tpu.memory_space<vmem_shared>>
      tpu.enqueue_dma source(%arg6 : memref<64x128xf32, #tpu.memory_space<vmem>>) target(%dma_start3A_84 : memref<64x128xf32, #tpu.memory_space<vmem_shared>>) target_semaphore(%run_scoped3A : memref<!tpu.dma_semaphore, #tpu.memory_space<semaphore_mem>>)
      %dma_wait3A = arith.constant 0 : i32
      %dma_wait3A_85 = tpu.memref_slice %arg7[%add3A_19, %dma_wait3A] : memref<10112x128xf32, #tpu.memory_space<vmem_shared>> -> memref<64x128xf32, #tpu.memory_space<vmem_shared>>
      %dma_wait3A_86 = arith.constant 0 : i32
      %dma_wait3A_87 = tpu.memref_slice %arg7[%add3A_19, %dma_wait3A_86] : memref<10112x128xf32, #tpu.memory_space<vmem_shared>> -> memref<64x128xf32, #tpu.memory_space<vmem_shared>>
      tpu.wait_dma2 semaphore(%run_scoped3A : memref<!tpu.dma_semaphore, #tpu.memory_space<semaphore_mem>>) src(%arg6 : memref<64x128xf32, #tpu.memory_space<vmem>>) dst(%dma_wait3A_87 : memref<64x128xf32, #tpu.memory_space<vmem_shared>>)
      tpu.yield
    }) : () -> ()
    %add3A_20 = arith.constant 320 : i32
    %add3A_21 = arith.addi %mul3A_9, %add3A_20 : i32
    "tpu.region"() ({
      %run_scoped3A = tpu.sem_alloc : memref<!tpu.dma_semaphore, #tpu.memory_space<semaphore_mem>>
      %dma_start3A = arith.constant 0 : i32
      %dma_start3A_82 = tpu.memref_slice %arg7[%add3A_21, %dma_start3A] : memref<10112x128xf32, #tpu.memory_space<vmem_shared>> -> memref<64x128xf32, #tpu.memory_space<vmem_shared>>
      %dma_start3A_83 = arith.constant 0 : i32
      %dma_start3A_84 = tpu.memref_slice %arg7[%add3A_21, %dma_start3A_83] : memref<10112x128xf32, #tpu.memory_space<vmem_shared>> -> memref<64x128xf32, #tpu.memory_space<vmem_shared>>
      tpu.enqueue_dma source(%arg6 : memref<64x128xf32, #tpu.memory_space<vmem>>) target(%dma_start3A_84 : memref<64x128xf32, #tpu.memory_space<vmem_shared>>) target_semaphore(%run_scoped3A : memref<!tpu.dma_semaphore, #tpu.memory_space<semaphore_mem>>)
      %dma_wait3A = arith.constant 0 : i32
      %dma_wait3A_85 = tpu.memref_slice %arg7[%add3A_21, %dma_wait3A] : memref<10112x128xf32, #tpu.memory_space<vmem_shared>> -> memref<64x128xf32, #tpu.memory_space<vmem_shared>>
      %dma_wait3A_86 = arith.constant 0 : i32
      %dma_wait3A_87 = tpu.memref_slice %arg7[%add3A_21, %dma_wait3A_86] : memref<10112x128xf32, #tpu.memory_space<vmem_shared>> -> memref<64x128xf32, #tpu.memory_space<vmem_shared>>
      tpu.wait_dma2 semaphore(%run_scoped3A : memref<!tpu.dma_semaphore, #tpu.memory_space<semaphore_mem>>) src(%arg6 : memref<64x128xf32, #tpu.memory_space<vmem>>) dst(%dma_wait3A_87 : memref<64x128xf32, #tpu.memory_space<vmem_shared>>)
      tpu.yield
    }) : () -> ()
    %add3A_22 = arith.constant 384 : i32
    %add3A_23 = arith.addi %mul3A_9, %add3A_22 : i32
    "tpu.region"() ({
      %run_scoped3A = tpu.sem_alloc : memref<!tpu.dma_semaphore, #tpu.memory_space<semaphore_mem>>
      %dma_start3A = arith.constant 0 : i32
      %dma_start3A_82 = tpu.memref_slice %arg7[%add3A_23, %dma_start3A] : memref<10112x128xf32, #tpu.memory_space<vmem_shared>> -> memref<64x128xf32, #tpu.memory_space<vmem_shared>>
      %dma_start3A_83 = arith.constant 0 : i32
      %dma_start3A_84 = tpu.memref_slice %arg7[%add3A_23, %dma_start3A_83] : memref<10112x128xf32, #tpu.memory_space<vmem_shared>> -> memref<64x128xf32, #tpu.memory_space<vmem_shared>>
      tpu.enqueue_dma source(%arg6 : memref<64x128xf32, #tpu.memory_space<vmem>>) target(%dma_start3A_84 : memref<64x128xf32, #tpu.memory_space<vmem_shared>>) target_semaphore(%run_scoped3A : memref<!tpu.dma_semaphore, #tpu.memory_space<semaphore_mem>>)
      %dma_wait3A = arith.constant 0 : i32
      %dma_wait3A_85 = tpu.memref_slice %arg7[%add3A_23, %dma_wait3A] : memref<10112x128xf32, #tpu.memory_space<vmem_shared>> -> memref<64x128xf32, #tpu.memory_space<vmem_shared>>
      %dma_wait3A_86 = arith.constant 0 : i32
      %dma_wait3A_87 = tpu.memref_slice %arg7[%add3A_23, %dma_wait3A_86] : memref<10112x128xf32, #tpu.memory_space<vmem_shared>> -> memref<64x128xf32, #tpu.memory_space<vmem_shared>>
      tpu.wait_dma2 semaphore(%run_scoped3A : memref<!tpu.dma_semaphore, #tpu.memory_space<semaphore_mem>>) src(%arg6 : memref<64x128xf32, #tpu.memory_space<vmem>>) dst(%dma_wait3A_87 : memref<64x128xf32, #tpu.memory_space<vmem_shared>>)
      tpu.yield
    }) : () -> ()
    %add3A_24 = arith.constant 448 : i32
    %add3A_25 = arith.addi %mul3A_9, %add3A_24 : i32
    "tpu.region"() ({
      %run_scoped3A = tpu.sem_alloc : memref<!tpu.dma_semaphore, #tpu.memory_space<semaphore_mem>>
      %dma_start3A = arith.constant 0 : i32
      %dma_start3A_82 = tpu.memref_slice %arg7[%add3A_25, %dma_start3A] : memref<10112x128xf32, #tpu.memory_space<vmem_shared>> -> memref<64x128xf32, #tpu.memory_space<vmem_shared>>
      %dma_start3A_83 = arith.constant 0 : i32
      %dma_start3A_84 = tpu.memref_slice %arg7[%add3A_25, %dma_start3A_83] : memref<10112x128xf32, #tpu.memory_space<vmem_shared>> -> memref<64x128xf32, #tpu.memory_space<vmem_shared>>
      tpu.enqueue_dma source(%arg6 : memref<64x128xf32, #tpu.memory_space<vmem>>) target(%dma_start3A_84 : memref<64x128xf32, #tpu.memory_space<vmem_shared>>) target_semaphore(%run_scoped3A : memref<!tpu.dma_semaphore, #tpu.memory_space<semaphore_mem>>)
      %dma_wait3A = arith.constant 0 : i32
      %dma_wait3A_85 = tpu.memref_slice %arg7[%add3A_25, %dma_wait3A] : memref<10112x128xf32, #tpu.memory_space<vmem_shared>> -> memref<64x128xf32, #tpu.memory_space<vmem_shared>>
      %dma_wait3A_86 = arith.constant 0 : i32
      %dma_wait3A_87 = tpu.memref_slice %arg7[%add3A_25, %dma_wait3A_86] : memref<10112x128xf32, #tpu.memory_space<vmem_shared>> -> memref<64x128xf32, #tpu.memory_space<vmem_shared>>
      tpu.wait_dma2 semaphore(%run_scoped3A : memref<!tpu.dma_semaphore, #tpu.memory_space<semaphore_mem>>) src(%arg6 : memref<64x128xf32, #tpu.memory_space<vmem>>) dst(%dma_wait3A_87 : memref<64x128xf32, #tpu.memory_space<vmem_shared>>)
      tpu.yield
    }) : () -> ()
    %add3A_26 = arith.constant 512 : i32
    %add3A_27 = arith.addi %mul3A_9, %add3A_26 : i32
    "tpu.region"() ({
      %run_scoped3A = tpu.sem_alloc : memref<!tpu.dma_semaphore, #tpu.memory_space<semaphore_mem>>
      %dma_start3A = arith.constant 0 : i32
      %dma_start3A_82 = tpu.memref_slice %arg7[%add3A_27, %dma_start3A] : memref<10112x128xf32, #tpu.memory_space<vmem_shared>> -> memref<64x128xf32, #tpu.memory_space<vmem_shared>>
      %dma_start3A_83 = arith.constant 0 : i32
      %dma_start3A_84 = tpu.memref_slice %arg7[%add3A_27, %dma_start3A_83] : memref<10112x128xf32, #tpu.memory_space<vmem_shared>> -> memref<64x128xf32, #tpu.memory_space<vmem_shared>>
      tpu.enqueue_dma source(%arg6 : memref<64x128xf32, #tpu.memory_space<vmem>>) target(%dma_start3A_84 : memref<64x128xf32, #tpu.memory_space<vmem_shared>>) target_semaphore(%run_scoped3A : memref<!tpu.dma_semaphore, #tpu.memory_space<semaphore_mem>>)
      %dma_wait3A = arith.constant 0 : i32
      %dma_wait3A_85 = tpu.memref_slice %arg7[%add3A_27, %dma_wait3A] : memref<10112x128xf32, #tpu.memory_space<vmem_shared>> -> memref<64x128xf32, #tpu.memory_space<vmem_shared>>
      %dma_wait3A_86 = arith.constant 0 : i32
      %dma_wait3A_87 = tpu.memref_slice %arg7[%add3A_27, %dma_wait3A_86] : memref<10112x128xf32, #tpu.memory_space<vmem_shared>> -> memref<64x128xf32, #tpu.memory_space<vmem_shared>>
      tpu.wait_dma2 semaphore(%run_scoped3A : memref<!tpu.dma_semaphore, #tpu.memory_space<semaphore_mem>>) src(%arg6 : memref<64x128xf32, #tpu.memory_space<vmem>>) dst(%dma_wait3A_87 : memref<64x128xf32, #tpu.memory_space<vmem_shared>>)
      tpu.yield
    }) : () -> ()
    %add3A_28 = arith.constant 576 : i32
    %add3A_29 = arith.addi %mul3A_9, %add3A_28 : i32
    "tpu.region"() ({
      %run_scoped3A = tpu.sem_alloc : memref<!tpu.dma_semaphore, #tpu.memory_space<semaphore_mem>>
      %dma_start3A = arith.constant 0 : i32
      %dma_start3A_82 = arith.constant 0 : i32
      %dma_start3A_83 = tpu.memref_slice %arg6[%dma_start3A, %dma_start3A_82] : memref<64x128xf32, #tpu.memory_space<vmem>> -> memref<56x128xf32, #tpu.memory_space<vmem>>
      %dma_start3A_84 = arith.constant 0 : i32
      %dma_start3A_85 = tpu.memref_slice %arg7[%add3A_29, %dma_start3A_84] : memref<10112x128xf32, #tpu.memory_space<vmem_shared>> -> memref<56x128xf32, #tpu.memory_space<vmem_shared>>
      %dma_start3A_86 = arith.constant 0 : i32
      %dma_start3A_87 = tpu.memref_slice %arg7[%add3A_29, %dma_start3A_86] : memref<10112x128xf32, #tpu.memory_space<vmem_shared>> -> memref<56x128xf32, #tpu.memory_space<vmem_shared>>
      %dma_start3A_88 = arith.constant 0 : i32
      %dma_start3A_89 = arith.constant 0 : i32
      %dma_start3A_90 = tpu.memref_slice %arg6[%dma_start3A_88, %dma_start3A_89] : memref<64x128xf32, #tpu.memory_space<vmem>> -> memref<56x128xf32, #tpu.memory_space<vmem>>
      tpu.enqueue_dma source(%dma_start3A_90 : memref<56x128xf32, #tpu.memory_space<vmem>>) target(%dma_start3A_87 : memref<56x128xf32, #tpu.memory_space<vmem_shared>>) target_semaphore(%run_scoped3A : memref<!tpu.dma_semaphore, #tpu.memory_space<semaphore_mem>>)
      %dma_wait3A = arith.constant 0 : i32
      %dma_wait3A_91 = arith.constant 0 : i32
      %dma_wait3A_92 = tpu.memref_slice %arg6[%dma_wait3A, %dma_wait3A_91] : memref<64x128xf32, #tpu.memory_space<vmem>> -> memref<56x128xf32, #tpu.memory_space<vmem>>
      %dma_wait3A_93 = arith.constant 0 : i32
      %dma_wait3A_94 = tpu.memref_slice %arg7[%add3A_29, %dma_wait3A_93] : memref<10112x128xf32, #tpu.memory_space<vmem_shared>> -> memref<56x128xf32, #tpu.memory_space<vmem_shared>>
      %dma_wait3A_95 = arith.constant 0 : i32
      %dma_wait3A_96 = tpu.memref_slice %arg7[%add3A_29, %dma_wait3A_95] : memref<10112x128xf32, #tpu.memory_space<vmem_shared>> -> memref<56x128xf32, #tpu.memory_space<vmem_shared>>
      %dma_wait3A_97 = arith.constant 0 : i32
      %dma_wait3A_98 = arith.constant 0 : i32
      %dma_wait3A_99 = tpu.memref_slice %arg6[%dma_wait3A_97, %dma_wait3A_98] : memref<64x128xf32, #tpu.memory_space<vmem>> -> memref<56x128xf32, #tpu.memory_space<vmem>>
      tpu.wait_dma2 semaphore(%run_scoped3A : memref<!tpu.dma_semaphore, #tpu.memory_space<semaphore_mem>>) src(%dma_wait3A_99 : memref<56x128xf32, #tpu.memory_space<vmem>>) dst(%dma_wait3A_96 : memref<56x128xf32, #tpu.memory_space<vmem_shared>>)
      tpu.yield
    }) : () -> ()
    %barrier3A = arith.constant 0 : index
    tpu.barrier barrier_id(%barrier3A)
    %mul3A_30 = arith.constant 160 : i32
    %mul3A_31 = arith.muli %add3A, %mul3A_30 : i32
    "tpu.region"() ({
      %run_scoped3A = tpu.sem_alloc : memref<!tpu.dma_semaphore, #tpu.memory_space<semaphore_mem>>
      %dma_start3A = arith.constant 0 : i32
      %dma_start3A_82 = tpu.memref_slice %arg3[%mul3A_31, %dma_start3A] : memref<5120x64xi32, #tpu.memory_space<hbm>> -> memref<160x64xi32, #tpu.memory_space<hbm>>
      %dma_start3A_83 = arith.constant 0 : i32
      %dma_start3A_84 = tpu.memref_slice %arg3[%mul3A_31, %dma_start3A_83] : memref<5120x64xi32, #tpu.memory_space<hbm>> -> memref<160x64xi32, #tpu.memory_space<hbm>>
      tpu.enqueue_dma source(%dma_start3A_84 : memref<160x64xi32, #tpu.memory_space<hbm>>) target(%arg5 : memref<160x64xi32, #tpu.memory_space<vmem>>) target_semaphore(%run_scoped3A : memref<!tpu.dma_semaphore, #tpu.memory_space<semaphore_mem>>)
      %dma_wait3A = arith.constant 0 : i32
      %dma_wait3A_85 = tpu.memref_slice %arg3[%mul3A_31, %dma_wait3A] : memref<5120x64xi32, #tpu.memory_space<hbm>> -> memref<160x64xi32, #tpu.memory_space<hbm>>
      %dma_wait3A_86 = arith.constant 0 : i32
      %dma_wait3A_87 = tpu.memref_slice %arg3[%mul3A_31, %dma_wait3A_86] : memref<5120x64xi32, #tpu.memory_space<hbm>> -> memref<160x64xi32, #tpu.memory_space<hbm>>
      tpu.wait_dma2 semaphore(%run_scoped3A : memref<!tpu.dma_semaphore, #tpu.memory_space<semaphore_mem>>) src(%dma_wait3A_87 : memref<160x64xi32, #tpu.memory_space<hbm>>) dst(%arg5 : memref<160x64xi32, #tpu.memory_space<vmem>>)
      tpu.yield
    }) : () -> ()
    %scan3A_32 = arith.constant 0 : i32
    %scan3A_33 = arith.constant 0 : i32
    %scan3A_34 = arith.constant 160 : i32
    %scan3A_35 = arith.addi %scan3A_33, %scan3A_34 : i32
    %scan3A_36 = arith.constant 1 : i32
    %scan3A_37 = scf.for %scan3A_82 = %scan3A_33 to %scan3A_35 step %scan3A_36 iter_args(%scan3A_83 = %scan3A_32) -> (i32)  : i32 {
      %mul3A_84 = arith.constant 160 : i32
      %mul3A_85 = arith.muli %add3A, %mul3A_84 : i32
      %add3A_86 = arith.addi %mul3A_85, %scan3A_82 : i32
      %lt3A = arith.constant 5000 : i32
      %lt3A_87 = arith.cmpi slt, %add3A_86, %lt3A : i32
      %convert_element_type3A = arith.extui %lt3A_87 : i1 to i32
      %cond3A = arith.constant 0 : i32
      %cond3A_88 = arith.cmpi ne, %convert_element_type3A, %cond3A : i32
      scf.if %cond3A_88 {
        %mul3A_90 = arith.constant 64 : i32
        %mul3A_91 = arith.muli %add3A_86, %mul3A_90 : i32
        "tpu.region"() ({
          %run_scoped3A = tpu.sem_alloc : memref<!tpu.dma_semaphore, #tpu.memory_space<semaphore_mem>>
          %dma_start3A = arith.constant 0 : i32
          %dma_start3A_92 = tpu.memref_slice %arg2[%mul3A_91, %dma_start3A] : memref<320000x128xf32, #tpu.memory_space<hbm>> -> memref<64x128xf32, #tpu.memory_space<hbm>>
          %dma_start3A_93 = arith.constant 0 : i32
          %dma_start3A_94 = tpu.memref_slice %arg2[%mul3A_91, %dma_start3A_93] : memref<320000x128xf32, #tpu.memory_space<hbm>> -> memref<64x128xf32, #tpu.memory_space<hbm>>
          tpu.enqueue_dma source(%dma_start3A_94 : memref<64x128xf32, #tpu.memory_space<hbm>>) target(%arg6 : memref<64x128xf32, #tpu.memory_space<vmem>>) target_semaphore(%run_scoped3A : memref<!tpu.dma_semaphore, #tpu.memory_space<semaphore_mem>>)
          %dma_wait3A = arith.constant 0 : i32
          %dma_wait3A_95 = tpu.memref_slice %arg2[%mul3A_91, %dma_wait3A] : memref<320000x128xf32, #tpu.memory_space<hbm>> -> memref<64x128xf32, #tpu.memory_space<hbm>>
          %dma_wait3A_96 = arith.constant 0 : i32
          %dma_wait3A_97 = tpu.memref_slice %arg2[%mul3A_91, %dma_wait3A_96] : memref<320000x128xf32, #tpu.memory_space<hbm>> -> memref<64x128xf32, #tpu.memory_space<hbm>>
          tpu.wait_dma2 semaphore(%run_scoped3A : memref<!tpu.dma_semaphore, #tpu.memory_space<semaphore_mem>>) src(%dma_wait3A_97 : memref<64x128xf32, #tpu.memory_space<hbm>>) dst(%arg6 : memref<64x128xf32, #tpu.memory_space<vmem>>)
          tpu.yield
        }) : () -> ()
        "tpu.region"() ({
          %run_scoped3A = tpu.sem_alloc : memref<!tpu.dma_semaphore, #tpu.memory_space<semaphore_mem>>
          %dma_start3A = arith.constant 0 : i32
          %dma_start3A_92 = tpu.memref_slice %arg5[%scan3A_82, %dma_start3A] : memref<160x64xi32, #tpu.memory_space<vmem>> -> memref<1x64xi32, #tpu.memory_space<vmem>>
          %dma_start3A_93 = tpu.memref_squeeze %dma_start3A_92 : memref<1x64xi32, #tpu.memory_space<vmem>> -> memref<64xi32, #tpu.memory_space<vmem>>
          %dma_start3A_94 = arith.constant 0 : i32
          %dma_start3A_95 = arith.constant 0 : i32
          %dma_start3A_96 = tpu.memref_slice %arg7[%dma_start3A_94, %dma_start3A_95] : memref<10112x128xf32, #tpu.memory_space<vmem_shared>> -> memref<10112x128xf32, #tpu.memory_space<vmem_shared>>
          tpu.enqueue_indirect_dma source(%arg6 : memref<64x128xf32, #tpu.memory_space<vmem>>) target(%dma_start3A_96 : memref<10112x128xf32, #tpu.memory_space<vmem_shared>>) offsets(%dma_start3A_93 : memref<64xi32, #tpu.memory_space<vmem>>) semaphore(%run_scoped3A : memref<!tpu.dma_semaphore, #tpu.memory_space<semaphore_mem>>) {add = true}
          %dma_wait3A = arith.constant 0 : i32
          %dma_wait3A_97 = tpu.memref_slice %arg5[%scan3A_82, %dma_wait3A] : memref<160x64xi32, #tpu.memory_space<vmem>> -> memref<1x64xi32, #tpu.memory_space<vmem>>
          %dma_wait3A_98 = tpu.memref_squeeze %dma_wait3A_97 : memref<1x64xi32, #tpu.memory_space<vmem>> -> memref<64xi32, #tpu.memory_space<vmem>>
          %dma_wait3A_99 = arith.constant 0 : i32
          %dma_wait3A_100 = arith.constant 0 : i32
          %dma_wait3A_101 = tpu.memref_slice %arg7[%dma_wait3A_99, %dma_wait3A_100] : memref<10112x128xf32, #tpu.memory_space<vmem_shared>> -> memref<10112x128xf32, #tpu.memory_space<vmem_shared>>
          tpu.wait_indirect_dma semaphore(%run_scoped3A : memref<!tpu.dma_semaphore, #tpu.memory_space<semaphore_mem>>) src(%arg6 : memref<64x128xf32, #tpu.memory_space<vmem>>) dst(%dma_wait3A_101 : memref<10112x128xf32, #tpu.memory_space<vmem_shared>>)
          tpu.yield
        }) : () -> ()
      } else {
      }
      %scan3A_89 = arith.constant 0 : i32
      scf.yield %scan3A_89 : i32
    }
    %scan3A_38 = arith.constant 160 : i32
    %barrier3A_39 = arith.constant 0 : index
    tpu.barrier barrier_id(%barrier3A_39)
    %mul3A_40 = arith.constant 632 : i32
    %mul3A_41 = arith.muli %arg1, %mul3A_40 : i32
    %add3A_42 = arith.constant 0 : i32
    %add3A_43 = arith.addi %mul3A_41, %add3A_42 : i32
    %add3A_44 = arith.constant 0 : i32
    %add3A_45 = arith.addi %mul3A_41, %add3A_44 : i32
    "tpu.region"() ({
      %run_scoped3A = tpu.sem_alloc : memref<!tpu.dma_semaphore, #tpu.memory_space<semaphore_mem>>
      %dma_start3A = arith.constant 0 : i32
      %dma_start3A_82 = tpu.memref_slice %arg4[%arg0, %add3A_45, %dma_start3A] : memref<2x10112x128xf32, #tpu.memory_space<hbm>> -> memref<1x64x128xf32, #tpu.memory_space<hbm>>
      %dma_start3A_83 = tpu.memref_squeeze %dma_start3A_82 : memref<1x64x128xf32, #tpu.memory_space<hbm>> -> memref<64x128xf32, #tpu.memory_space<hbm>>
      %dma_start3A_84 = arith.constant 0 : i32
      %dma_start3A_85 = tpu.memref_slice %arg7[%add3A_43, %dma_start3A_84] : memref<10112x128xf32, #tpu.memory_space<vmem_shared>> -> memref<64x128xf32, #tpu.memory_space<vmem_shared>>
      tpu.enqueue_dma source(%dma_start3A_85 : memref<64x128xf32, #tpu.memory_space<vmem_shared>>) target(%dma_start3A_83 : memref<64x128xf32, #tpu.memory_space<hbm>>) target_semaphore(%run_scoped3A : memref<!tpu.dma_semaphore, #tpu.memory_space<semaphore_mem>>)
      %dma_wait3A = arith.constant 0 : i32
      %dma_wait3A_86 = tpu.memref_slice %arg4[%arg0, %add3A_45, %dma_wait3A] : memref<2x10112x128xf32, #tpu.memory_space<hbm>> -> memref<1x64x128xf32, #tpu.memory_space<hbm>>
      %dma_wait3A_87 = tpu.memref_squeeze %dma_wait3A_86 : memref<1x64x128xf32, #tpu.memory_space<hbm>> -> memref<64x128xf32, #tpu.memory_space<hbm>>
      %dma_wait3A_88 = arith.constant 0 : i32
      %dma_wait3A_89 = tpu.memref_slice %arg7[%add3A_43, %dma_wait3A_88] : memref<10112x128xf32, #tpu.memory_space<vmem_shared>> -> memref<64x128xf32, #tpu.memory_space<vmem_shared>>
      tpu.wait_dma2 semaphore(%run_scoped3A : memref<!tpu.dma_semaphore, #tpu.memory_space<semaphore_mem>>) src(%dma_wait3A_89 : memref<64x128xf32, #tpu.memory_space<vmem_shared>>) dst(%dma_wait3A_87 : memref<64x128xf32, #tpu.memory_space<hbm>>)
      tpu.yield
    }) : () -> ()
    %add3A_46 = arith.constant 64 : i32
    %add3A_47 = arith.addi %mul3A_41, %add3A_46 : i32
    %add3A_48 = arith.constant 64 : i32
    %add3A_49 = arith.addi %mul3A_41, %add3A_48 : i32
    "tpu.region"() ({
      %run_scoped3A = tpu.sem_alloc : memref<!tpu.dma_semaphore, #tpu.memory_space<semaphore_mem>>
      %dma_start3A = arith.constant 0 : i32
      %dma_start3A_82 = tpu.memref_slice %arg4[%arg0, %add3A_49, %dma_start3A] : memref<2x10112x128xf32, #tpu.memory_space<hbm>> -> memref<1x64x128xf32, #tpu.memory_space<hbm>>
      %dma_start3A_83 = tpu.memref_squeeze %dma_start3A_82 : memref<1x64x128xf32, #tpu.memory_space<hbm>> -> memref<64x128xf32, #tpu.memory_space<hbm>>
      %dma_start3A_84 = arith.constant 0 : i32
      %dma_start3A_85 = tpu.memref_slice %arg7[%add3A_47, %dma_start3A_84] : memref<10112x128xf32, #tpu.memory_space<vmem_shared>> -> memref<64x128xf32, #tpu.memory_space<vmem_shared>>
      tpu.enqueue_dma source(%dma_start3A_85 : memref<64x128xf32, #tpu.memory_space<vmem_shared>>) target(%dma_start3A_83 : memref<64x128xf32, #tpu.memory_space<hbm>>) target_semaphore(%run_scoped3A : memref<!tpu.dma_semaphore, #tpu.memory_space<semaphore_mem>>)
      %dma_wait3A = arith.constant 0 : i32
      %dma_wait3A_86 = tpu.memref_slice %arg4[%arg0, %add3A_49, %dma_wait3A] : memref<2x10112x128xf32, #tpu.memory_space<hbm>> -> memref<1x64x128xf32, #tpu.memory_space<hbm>>
      %dma_wait3A_87 = tpu.memref_squeeze %dma_wait3A_86 : memref<1x64x128xf32, #tpu.memory_space<hbm>> -> memref<64x128xf32, #tpu.memory_space<hbm>>
      %dma_wait3A_88 = arith.constant 0 : i32
      %dma_wait3A_89 = tpu.memref_slice %arg7[%add3A_47, %dma_wait3A_88] : memref<10112x128xf32, #tpu.memory_space<vmem_shared>> -> memref<64x128xf32, #tpu.memory_space<vmem_shared>>
      tpu.wait_dma2 semaphore(%run_scoped3A : memref<!tpu.dma_semaphore, #tpu.memory_space<semaphore_mem>>) src(%dma_wait3A_89 : memref<64x128xf32, #tpu.memory_space<vmem_shared>>) dst(%dma_wait3A_87 : memref<64x128xf32, #tpu.memory_space<hbm>>)
      tpu.yield
    }) : () -> ()
    %add3A_50 = arith.constant 128 : i32
    %add3A_51 = arith.addi %mul3A_41, %add3A_50 : i32
    %add3A_52 = arith.constant 128 : i32
    %add3A_53 = arith.addi %mul3A_41, %add3A_52 : i32
    "tpu.region"() ({
      %run_scoped3A = tpu.sem_alloc : memref<!tpu.dma_semaphore, #tpu.memory_space<semaphore_mem>>
      %dma_start3A = arith.constant 0 : i32
      %dma_start3A_82 = tpu.memref_slice %arg4[%arg0, %add3A_53, %dma_start3A] : memref<2x10112x128xf32, #tpu.memory_space<hbm>> -> memref<1x64x128xf32, #tpu.memory_space<hbm>>
      %dma_start3A_83 = tpu.memref_squeeze %dma_start3A_82 : memref<1x64x128xf32, #tpu.memory_space<hbm>> -> memref<64x128xf32, #tpu.memory_space<hbm>>
      %dma_start3A_84 = arith.constant 0 : i32
      %dma_start3A_85 = tpu.memref_slice %arg7[%add3A_51, %dma_start3A_84] : memref<10112x128xf32, #tpu.memory_space<vmem_shared>> -> memref<64x128xf32, #tpu.memory_space<vmem_shared>>
      tpu.enqueue_dma source(%dma_start3A_85 : memref<64x128xf32, #tpu.memory_space<vmem_shared>>) target(%dma_start3A_83 : memref<64x128xf32, #tpu.memory_space<hbm>>) target_semaphore(%run_scoped3A : memref<!tpu.dma_semaphore, #tpu.memory_space<semaphore_mem>>)
      %dma_wait3A = arith.constant 0 : i32
      %dma_wait3A_86 = tpu.memref_slice %arg4[%arg0, %add3A_53, %dma_wait3A] : memref<2x10112x128xf32, #tpu.memory_space<hbm>> -> memref<1x64x128xf32, #tpu.memory_space<hbm>>
      %dma_wait3A_87 = tpu.memref_squeeze %dma_wait3A_86 : memref<1x64x128xf32, #tpu.memory_space<hbm>> -> memref<64x128xf32, #tpu.memory_space<hbm>>
      %dma_wait3A_88 = arith.constant 0 : i32
      %dma_wait3A_89 = tpu.memref_slice %arg7[%add3A_51, %dma_wait3A_88] : memref<10112x128xf32, #tpu.memory_space<vmem_shared>> -> memref<64x128xf32, #tpu.memory_space<vmem_shared>>
      tpu.wait_dma2 semaphore(%run_scoped3A : memref<!tpu.dma_semaphore, #tpu.memory_space<semaphore_mem>>) src(%dma_wait3A_89 : memref<64x128xf32, #tpu.memory_space<vmem_shared>>) dst(%dma_wait3A_87 : memref<64x128xf32, #tpu.memory_space<hbm>>)
      tpu.yield
    }) : () -> ()
    %add3A_54 = arith.constant 192 : i32
    %add3A_55 = arith.addi %mul3A_41, %add3A_54 : i32
    %add3A_56 = arith.constant 192 : i32
    %add3A_57 = arith.addi %mul3A_41, %add3A_56 : i32
    "tpu.region"() ({
      %run_scoped3A = tpu.sem_alloc : memref<!tpu.dma_semaphore, #tpu.memory_space<semaphore_mem>>
      %dma_start3A = arith.constant 0 : i32
      %dma_start3A_82 = tpu.memref_slice %arg4[%arg0, %add3A_57, %dma_start3A] : memref<2x10112x128xf32, #tpu.memory_space<hbm>> -> memref<1x64x128xf32, #tpu.memory_space<hbm>>
      %dma_start3A_83 = tpu.memref_squeeze %dma_start3A_82 : memref<1x64x128xf32, #tpu.memory_space<hbm>> -> memref<64x128xf32, #tpu.memory_space<hbm>>
      %dma_start3A_84 = arith.constant 0 : i32
      %dma_start3A_85 = tpu.memref_slice %arg7[%add3A_55, %dma_start3A_84] : memref<10112x128xf32, #tpu.memory_space<vmem_shared>> -> memref<64x128xf32, #tpu.memory_space<vmem_shared>>
      tpu.enqueue_dma source(%dma_start3A_85 : memref<64x128xf32, #tpu.memory_space<vmem_shared>>) target(%dma_start3A_83 : memref<64x128xf32, #tpu.memory_space<hbm>>) target_semaphore(%run_scoped3A : memref<!tpu.dma_semaphore, #tpu.memory_space<semaphore_mem>>)
      %dma_wait3A = arith.constant 0 : i32
      %dma_wait3A_86 = tpu.memref_slice %arg4[%arg0, %add3A_57, %dma_wait3A] : memref<2x10112x128xf32, #tpu.memory_space<hbm>> -> memref<1x64x128xf32, #tpu.memory_space<hbm>>
      %dma_wait3A_87 = tpu.memref_squeeze %dma_wait3A_86 : memref<1x64x128xf32, #tpu.memory_space<hbm>> -> memref<64x128xf32, #tpu.memory_space<hbm>>
      %dma_wait3A_88 = arith.constant 0 : i32
      %dma_wait3A_89 = tpu.memref_slice %arg7[%add3A_55, %dma_wait3A_88] : memref<10112x128xf32, #tpu.memory_space<vmem_shared>> -> memref<64x128xf32, #tpu.memory_space<vmem_shared>>
      tpu.wait_dma2 semaphore(%run_scoped3A : memref<!tpu.dma_semaphore, #tpu.memory_space<semaphore_mem>>) src(%dma_wait3A_89 : memref<64x128xf32, #tpu.memory_space<vmem_shared>>) dst(%dma_wait3A_87 : memref<64x128xf32, #tpu.memory_space<hbm>>)
      tpu.yield
    }) : () -> ()
    %add3A_58 = arith.constant 256 : i32
    %add3A_59 = arith.addi %mul3A_41, %add3A_58 : i32
    %add3A_60 = arith.constant 256 : i32
    %add3A_61 = arith.addi %mul3A_41, %add3A_60 : i32
    "tpu.region"() ({
      %run_scoped3A = tpu.sem_alloc : memref<!tpu.dma_semaphore, #tpu.memory_space<semaphore_mem>>
      %dma_start3A = arith.constant 0 : i32
      %dma_start3A_82 = tpu.memref_slice %arg4[%arg0, %add3A_61, %dma_start3A] : memref<2x10112x128xf32, #tpu.memory_space<hbm>> -> memref<1x64x128xf32, #tpu.memory_space<hbm>>
      %dma_start3A_83 = tpu.memref_squeeze %dma_start3A_82 : memref<1x64x128xf32, #tpu.memory_space<hbm>> -> memref<64x128xf32, #tpu.memory_space<hbm>>
      %dma_start3A_84 = arith.constant 0 : i32
      %dma_start3A_85 = tpu.memref_slice %arg7[%add3A_59, %dma_start3A_84] : memref<10112x128xf32, #tpu.memory_space<vmem_shared>> -> memref<64x128xf32, #tpu.memory_space<vmem_shared>>
      tpu.enqueue_dma source(%dma_start3A_85 : memref<64x128xf32, #tpu.memory_space<vmem_shared>>) target(%dma_start3A_83 : memref<64x128xf32, #tpu.memory_space<hbm>>) target_semaphore(%run_scoped3A : memref<!tpu.dma_semaphore, #tpu.memory_space<semaphore_mem>>)
      %dma_wait3A = arith.constant 0 : i32
      %dma_wait3A_86 = tpu.memref_slice %arg4[%arg0, %add3A_61, %dma_wait3A] : memref<2x10112x128xf32, #tpu.memory_space<hbm>> -> memref<1x64x128xf32, #tpu.memory_space<hbm>>
      %dma_wait3A_87 = tpu.memref_squeeze %dma_wait3A_86 : memref<1x64x128xf32, #tpu.memory_space<hbm>> -> memref<64x128xf32, #tpu.memory_space<hbm>>
      %dma_wait3A_88 = arith.constant 0 : i32
      %dma_wait3A_89 = tpu.memref_slice %arg7[%add3A_59, %dma_wait3A_88] : memref<10112x128xf32, #tpu.memory_space<vmem_shared>> -> memref<64x128xf32, #tpu.memory_space<vmem_shared>>
      tpu.wait_dma2 semaphore(%run_scoped3A : memref<!tpu.dma_semaphore, #tpu.memory_space<semaphore_mem>>) src(%dma_wait3A_89 : memref<64x128xf32, #tpu.memory_space<vmem_shared>>) dst(%dma_wait3A_87 : memref<64x128xf32, #tpu.memory_space<hbm>>)
      tpu.yield
    }) : () -> ()
    %add3A_62 = arith.constant 320 : i32
    %add3A_63 = arith.addi %mul3A_41, %add3A_62 : i32
    %add3A_64 = arith.constant 320 : i32
    %add3A_65 = arith.addi %mul3A_41, %add3A_64 : i32
    "tpu.region"() ({
      %run_scoped3A = tpu.sem_alloc : memref<!tpu.dma_semaphore, #tpu.memory_space<semaphore_mem>>
      %dma_start3A = arith.constant 0 : i32
      %dma_start3A_82 = tpu.memref_slice %arg4[%arg0, %add3A_65, %dma_start3A] : memref<2x10112x128xf32, #tpu.memory_space<hbm>> -> memref<1x64x128xf32, #tpu.memory_space<hbm>>
      %dma_start3A_83 = tpu.memref_squeeze %dma_start3A_82 : memref<1x64x128xf32, #tpu.memory_space<hbm>> -> memref<64x128xf32, #tpu.memory_space<hbm>>
      %dma_start3A_84 = arith.constant 0 : i32
      %dma_start3A_85 = tpu.memref_slice %arg7[%add3A_63, %dma_start3A_84] : memref<10112x128xf32, #tpu.memory_space<vmem_shared>> -> memref<64x128xf32, #tpu.memory_space<vmem_shared>>
      tpu.enqueue_dma source(%dma_start3A_85 : memref<64x128xf32, #tpu.memory_space<vmem_shared>>) target(%dma_start3A_83 : memref<64x128xf32, #tpu.memory_space<hbm>>) target_semaphore(%run_scoped3A : memref<!tpu.dma_semaphore, #tpu.memory_space<semaphore_mem>>)
      %dma_wait3A = arith.constant 0 : i32
      %dma_wait3A_86 = tpu.memref_slice %arg4[%arg0, %add3A_65, %dma_wait3A] : memref<2x10112x128xf32, #tpu.memory_space<hbm>> -> memref<1x64x128xf32, #tpu.memory_space<hbm>>
      %dma_wait3A_87 = tpu.memref_squeeze %dma_wait3A_86 : memref<1x64x128xf32, #tpu.memory_space<hbm>> -> memref<64x128xf32, #tpu.memory_space<hbm>>
      %dma_wait3A_88 = arith.constant 0 : i32
      %dma_wait3A_89 = tpu.memref_slice %arg7[%add3A_63, %dma_wait3A_88] : memref<10112x128xf32, #tpu.memory_space<vmem_shared>> -> memref<64x128xf32, #tpu.memory_space<vmem_shared>>
      tpu.wait_dma2 semaphore(%run_scoped3A : memref<!tpu.dma_semaphore, #tpu.memory_space<semaphore_mem>>) src(%dma_wait3A_89 : memref<64x128xf32, #tpu.memory_space<vmem_shared>>) dst(%dma_wait3A_87 : memref<64x128xf32, #tpu.memory_space<hbm>>)
      tpu.yield
    }) : () -> ()
    %add3A_66 = arith.constant 384 : i32
    %add3A_67 = arith.addi %mul3A_41, %add3A_66 : i32
    %add3A_68 = arith.constant 384 : i32
    %add3A_69 = arith.addi %mul3A_41, %add3A_68 : i32
    "tpu.region"() ({
      %run_scoped3A = tpu.sem_alloc : memref<!tpu.dma_semaphore, #tpu.memory_space<semaphore_mem>>
      %dma_start3A = arith.constant 0 : i32
      %dma_start3A_82 = tpu.memref_slice %arg4[%arg0, %add3A_69, %dma_start3A] : memref<2x10112x128xf32, #tpu.memory_space<hbm>> -> memref<1x64x128xf32, #tpu.memory_space<hbm>>
      %dma_start3A_83 = tpu.memref_squeeze %dma_start3A_82 : memref<1x64x128xf32, #tpu.memory_space<hbm>> -> memref<64x128xf32, #tpu.memory_space<hbm>>
      %dma_start3A_84 = arith.constant 0 : i32
      %dma_start3A_85 = tpu.memref_slice %arg7[%add3A_67, %dma_start3A_84] : memref<10112x128xf32, #tpu.memory_space<vmem_shared>> -> memref<64x128xf32, #tpu.memory_space<vmem_shared>>
      tpu.enqueue_dma source(%dma_start3A_85 : memref<64x128xf32, #tpu.memory_space<vmem_shared>>) target(%dma_start3A_83 : memref<64x128xf32, #tpu.memory_space<hbm>>) target_semaphore(%run_scoped3A : memref<!tpu.dma_semaphore, #tpu.memory_space<semaphore_mem>>)
      %dma_wait3A = arith.constant 0 : i32
      %dma_wait3A_86 = tpu.memref_slice %arg4[%arg0, %add3A_69, %dma_wait3A] : memref<2x10112x128xf32, #tpu.memory_space<hbm>> -> memref<1x64x128xf32, #tpu.memory_space<hbm>>
      %dma_wait3A_87 = tpu.memref_squeeze %dma_wait3A_86 : memref<1x64x128xf32, #tpu.memory_space<hbm>> -> memref<64x128xf32, #tpu.memory_space<hbm>>
      %dma_wait3A_88 = arith.constant 0 : i32
      %dma_wait3A_89 = tpu.memref_slice %arg7[%add3A_67, %dma_wait3A_88] : memref<10112x128xf32, #tpu.memory_space<vmem_shared>> -> memref<64x128xf32, #tpu.memory_space<vmem_shared>>
      tpu.wait_dma2 semaphore(%run_scoped3A : memref<!tpu.dma_semaphore, #tpu.memory_space<semaphore_mem>>) src(%dma_wait3A_89 : memref<64x128xf32, #tpu.memory_space<vmem_shared>>) dst(%dma_wait3A_87 : memref<64x128xf32, #tpu.memory_space<hbm>>)
      tpu.yield
    }) : () -> ()
    %add3A_70 = arith.constant 448 : i32
    %add3A_71 = arith.addi %mul3A_41, %add3A_70 : i32
    %add3A_72 = arith.constant 448 : i32
    %add3A_73 = arith.addi %mul3A_41, %add3A_72 : i32
    "tpu.region"() ({
      %run_scoped3A = tpu.sem_alloc : memref<!tpu.dma_semaphore, #tpu.memory_space<semaphore_mem>>
      %dma_start3A = arith.constant 0 : i32
      %dma_start3A_82 = tpu.memref_slice %arg4[%arg0, %add3A_73, %dma_start3A] : memref<2x10112x128xf32, #tpu.memory_space<hbm>> -> memref<1x64x128xf32, #tpu.memory_space<hbm>>
      %dma_start3A_83 = tpu.memref_squeeze %dma_start3A_82 : memref<1x64x128xf32, #tpu.memory_space<hbm>> -> memref<64x128xf32, #tpu.memory_space<hbm>>
      %dma_start3A_84 = arith.constant 0 : i32
      %dma_start3A_85 = tpu.memref_slice %arg7[%add3A_71, %dma_start3A_84] : memref<10112x128xf32, #tpu.memory_space<vmem_shared>> -> memref<64x128xf32, #tpu.memory_space<vmem_shared>>
      tpu.enqueue_dma source(%dma_start3A_85 : memref<64x128xf32, #tpu.memory_space<vmem_shared>>) target(%dma_start3A_83 : memref<64x128xf32, #tpu.memory_space<hbm>>) target_semaphore(%run_scoped3A : memref<!tpu.dma_semaphore, #tpu.memory_space<semaphore_mem>>)
      %dma_wait3A = arith.constant 0 : i32
      %dma_wait3A_86 = tpu.memref_slice %arg4[%arg0, %add3A_73, %dma_wait3A] : memref<2x10112x128xf32, #tpu.memory_space<hbm>> -> memref<1x64x128xf32, #tpu.memory_space<hbm>>
      %dma_wait3A_87 = tpu.memref_squeeze %dma_wait3A_86 : memref<1x64x128xf32, #tpu.memory_space<hbm>> -> memref<64x128xf32, #tpu.memory_space<hbm>>
      %dma_wait3A_88 = arith.constant 0 : i32
      %dma_wait3A_89 = tpu.memref_slice %arg7[%add3A_71, %dma_wait3A_88] : memref<10112x128xf32, #tpu.memory_space<vmem_shared>> -> memref<64x128xf32, #tpu.memory_space<vmem_shared>>
      tpu.wait_dma2 semaphore(%run_scoped3A : memref<!tpu.dma_semaphore, #tpu.memory_space<semaphore_mem>>) src(%dma_wait3A_89 : memref<64x128xf32, #tpu.memory_space<vmem_shared>>) dst(%dma_wait3A_87 : memref<64x128xf32, #tpu.memory_space<hbm>>)
      tpu.yield
    }) : () -> ()
    %add3A_74 = arith.constant 512 : i32
    %add3A_75 = arith.addi %mul3A_41, %add3A_74 : i32
    %add3A_76 = arith.constant 512 : i32
    %add3A_77 = arith.addi %mul3A_41, %add3A_76 : i32
    "tpu.region"() ({
      %run_scoped3A = tpu.sem_alloc : memref<!tpu.dma_semaphore, #tpu.memory_space<semaphore_mem>>
      %dma_start3A = arith.constant 0 : i32
      %dma_start3A_82 = tpu.memref_slice %arg4[%arg0, %add3A_77, %dma_start3A] : memref<2x10112x128xf32, #tpu.memory_space<hbm>> -> memref<1x64x128xf32, #tpu.memory_space<hbm>>
      %dma_start3A_83 = tpu.memref_squeeze %dma_start3A_82 : memref<1x64x128xf32, #tpu.memory_space<hbm>> -> memref<64x128xf32, #tpu.memory_space<hbm>>
      %dma_start3A_84 = arith.constant 0 : i32
      %dma_start3A_85 = tpu.memref_slice %arg7[%add3A_75, %dma_start3A_84] : memref<10112x128xf32, #tpu.memory_space<vmem_shared>> -> memref<64x128xf32, #tpu.memory_space<vmem_shared>>
      tpu.enqueue_dma source(%dma_start3A_85 : memref<64x128xf32, #tpu.memory_space<vmem_shared>>) target(%dma_start3A_83 : memref<64x128xf32, #tpu.memory_space<hbm>>) target_semaphore(%run_scoped3A : memref<!tpu.dma_semaphore, #tpu.memory_space<semaphore_mem>>)
      %dma_wait3A = arith.constant 0 : i32
      %dma_wait3A_86 = tpu.memref_slice %arg4[%arg0, %add3A_77, %dma_wait3A] : memref<2x10112x128xf32, #tpu.memory_space<hbm>> -> memref<1x64x128xf32, #tpu.memory_space<hbm>>
      %dma_wait3A_87 = tpu.memref_squeeze %dma_wait3A_86 : memref<1x64x128xf32, #tpu.memory_space<hbm>> -> memref<64x128xf32, #tpu.memory_space<hbm>>
      %dma_wait3A_88 = arith.constant 0 : i32
      %dma_wait3A_89 = tpu.memref_slice %arg7[%add3A_75, %dma_wait3A_88] : memref<10112x128xf32, #tpu.memory_space<vmem_shared>> -> memref<64x128xf32, #tpu.memory_space<vmem_shared>>
      tpu.wait_dma2 semaphore(%run_scoped3A : memref<!tpu.dma_semaphore, #tpu.memory_space<semaphore_mem>>) src(%dma_wait3A_89 : memref<64x128xf32, #tpu.memory_space<vmem_shared>>) dst(%dma_wait3A_87 : memref<64x128xf32, #tpu.memory_space<hbm>>)
      tpu.yield
    }) : () -> ()
    %add3A_78 = arith.constant 576 : i32
    %add3A_79 = arith.addi %mul3A_41, %add3A_78 : i32
    %add3A_80 = arith.constant 576 : i32
    %add3A_81 = arith.addi %mul3A_41, %add3A_80 : i32
    "tpu.region"() ({
      %run_scoped3A = tpu.sem_alloc : memref<!tpu.dma_semaphore, #tpu.memory_space<semaphore_mem>>
      %dma_start3A = arith.constant 0 : i32
      %dma_start3A_82 = tpu.memref_slice %arg4[%arg0, %add3A_81, %dma_start3A] : memref<2x10112x128xf32, #tpu.memory_space<hbm>> -> memref<1x56x128xf32, #tpu.memory_space<hbm>>
      %dma_start3A_83 = tpu.memref_squeeze %dma_start3A_82 : memref<1x56x128xf32, #tpu.memory_space<hbm>> -> memref<56x128xf32, #tpu.memory_space<hbm>>
      %dma_start3A_84 = arith.constant 0 : i32
      %dma_start3A_85 = tpu.memref_slice %arg7[%add3A_79, %dma_start3A_84] : memref<10112x128xf32, #tpu.memory_space<vmem_shared>> -> memref<56x128xf32, #tpu.memory_space<vmem_shared>>
      tpu.enqueue_dma source(%dma_start3A_85 : memref<56x128xf32, #tpu.memory_space<vmem_shared>>) target(%dma_start3A_83 : memref<56x128xf32, #tpu.memory_space<hbm>>) target_semaphore(%run_scoped3A : memref<!tpu.dma_semaphore, #tpu.memory_space<semaphore_mem>>)
      %dma_wait3A = arith.constant 0 : i32
      %dma_wait3A_86 = tpu.memref_slice %arg4[%arg0, %add3A_81, %dma_wait3A] : memref<2x10112x128xf32, #tpu.memory_space<hbm>> -> memref<1x56x128xf32, #tpu.memory_space<hbm>>
      %dma_wait3A_87 = tpu.memref_squeeze %dma_wait3A_86 : memref<1x56x128xf32, #tpu.memory_space<hbm>> -> memref<56x128xf32, #tpu.memory_space<hbm>>
      %dma_wait3A_88 = arith.constant 0 : i32
      %dma_wait3A_89 = tpu.memref_slice %arg7[%add3A_79, %dma_wait3A_88] : memref<10112x128xf32, #tpu.memory_space<vmem_shared>> -> memref<56x128xf32, #tpu.memory_space<vmem_shared>>
      tpu.wait_dma2 semaphore(%run_scoped3A : memref<!tpu.dma_semaphore, #tpu.memory_space<semaphore_mem>>) src(%dma_wait3A_89 : memref<56x128xf32, #tpu.memory_space<vmem_shared>>) dst(%dma_wait3A_87 : memref<56x128xf32, #tpu.memory_space<hbm>>)
      tpu.yield
    }) : () -> ()
    return
  }
}

module attributes {stable_mosaic.version = 14 : i64} {
  func.func @_ufh_body(%arg0: i32, %arg1: memref<2048x128xf32, #tpu.memory_space<vmem>>, %arg2: memref<128x128xf32, #tpu.memory_space<vmem>>, %arg3: memref<2048x128xf32, #tpu.memory_space<vmem>>) attributes {dimension_semantics = [#tpu.dimension_semantics<arbitrary>], iteration_bounds = array<i64: 157>, scalar_prefetch = 0 : i64, scratch_operands = 0 : i64, tpu.core_type = #tpu.core_type<tc>, window_params = [{transform_indices = @transform_0, window_bounds = array<i64: 2048, 128>}, {pipeline_mode = #tpu.pipeline_mode<synchronous>, transform_indices = @transform_1, window_bounds = array<i64: 128, 128>}, {transform_indices = @transform_2, window_bounds = array<i64: 2048, 128>}]} {
    %get3A = arith.constant 0 : index
    %get3A_0 = arith.constant 0 : index
    %get3A_1 = vector.load %arg1[%get3A, %get3A_0] : memref<2048x128xf32, #tpu.memory_space<vmem>>, vector<2048x128xf32>
    %get3A_2 = arith.constant 0 : index
    %get3A_3 = arith.constant 0 : index
    %get3A_4 = vector.load %arg2[%get3A_2, %get3A_3] : memref<128x128xf32, #tpu.memory_space<vmem>>, vector<128x128xf32>
    %dot_general3A = arith.constant dense<0.000000e+00> : vector<2048x128xf32>
    %dot_general3A_5 = tpu.matmul %get3A_1, %get3A_4, %dot_general3A {dimension_numbers = #tpu.dot_dimension_numbers<[1], [0], [0], [1], [0, 0, 1, 1], [], []>, transpose_lhs_hint = false} : vector<2048x128xf32>, vector<128x128xf32>, vector<2048x128xf32> -> vector<2048x128xf32>
    %swap3A = arith.constant 0 : index
    %swap3A_6 = arith.constant 0 : index
    %swap3A_7 = vector.load %arg3[%swap3A, %swap3A_6] : memref<2048x128xf32, #tpu.memory_space<vmem>>, vector<2048x128xf32>
    tpu.vector_store %arg3[%swap3A, %swap3A_6], %dot_general3A_5 {strides = array<i32>} : memref<2048x128xf32, #tpu.memory_space<vmem>>, vector<2048x128xf32>,
    return
  }
  func.func @transform_0(%arg0: i32) -> (i32, i32) {
    %c0_i32 = arith.constant 0 : i32
    %c0_i32_0 = arith.constant 0 : i32
    return %arg0, %c0_i32 : i32, i32
  }
  func.func @transform_1(%arg0: i32) -> (i32, i32) {
    %c0_i32 = arith.constant 0 : i32
    %c0_i32_0 = arith.constant 0 : i32
    %c0_i32_1 = arith.constant 0 : i32
    return %c0_i32, %c0_i32_0 : i32, i32
  }
  func.func @transform_2(%arg0: i32) -> (i32, i32) {
    %c0_i32 = arith.constant 0 : i32
    %c0_i32_0 = arith.constant 0 : i32
    return %arg0, %c0_i32 : i32, i32
  }
}

module attributes {stable_mosaic.version = 14 : i64} {
  func.func @_wx_body(%arg0: i32, %arg1: memref<512x128xf32, #tpu.memory_space<vmem>>, %arg2: memref<128x512xf32, #tpu.memory_space<vmem>>, %arg3: memref<512x128xf32, #tpu.memory_space<vmem>>, %arg4: memref<512x128xf32, #tpu.memory_space<vmem>>, %arg5: memref<512x128xf32, #tpu.memory_space<vmem>>, %arg6: memref<512x128xf32, #tpu.memory_space<vmem>>) attributes {dimension_semantics = [#tpu.dimension_semantics<arbitrary>], iteration_bounds = array<i64: 20>, scalar_prefetch = 0 : i64, scratch_operands = 0 : i64, tpu.core_type = #tpu.core_type<tc>, window_params = [{transform_indices = @transform_0, window_bounds = array<i64: 512, 128>}, {pipeline_mode = #tpu.pipeline_mode<synchronous>, transform_indices = @transform_1, window_bounds = array<i64: 128, 512>}, {transform_indices = @transform_2, window_bounds = array<i64: 512, 128>}, {transform_indices = @transform_3, window_bounds = array<i64: 512, 128>}, {transform_indices = @transform_4, window_bounds = array<i64: 512, 128>}, {transform_indices = @transform_5, window_bounds = array<i64: 512, 128>}]} {
    %get3A = arith.constant 0 : index
    %get3A_0 = arith.constant 0 : index
    %get3A_1 = vector.load %arg1[%get3A, %get3A_0] : memref<512x128xf32, #tpu.memory_space<vmem>>, vector<512x128xf32>
    %get3A_2 = arith.constant 0 : index
    %get3A_3 = arith.constant 0 : index
    %get3A_4 = vector.load %arg2[%get3A_2, %get3A_3] : memref<128x512xf32, #tpu.memory_space<vmem>>, vector<128x512xf32>
    %dot_general3A = arith.constant dense<0.000000e+00> : vector<512x512xf32>
    %dot_general3A_5 = tpu.matmul %get3A_1, %get3A_4, %dot_general3A {dimension_numbers = #tpu.dot_dimension_numbers<[1], [0], [0], [1], [0, 0, 1, 1], [], []>, transpose_lhs_hint = false} : vector<512x128xf32>, vector<128x512xf32>, vector<512x512xf32> -> vector<512x512xf32>
    %slice3A = vector.extract_strided_slice %dot_general3A_5 {offsets = [0, 0], sizes = [512, 128], strides = [1, 1]} : vector<512x512xf32> to vector<512x128xf32>
    %swap3A = arith.constant 0 : index
    %swap3A_6 = arith.constant 0 : index
    %swap3A_7 = vector.load %arg3[%swap3A, %swap3A_6] : memref<512x128xf32, #tpu.memory_space<vmem>>, vector<512x128xf32>
    tpu.vector_store %arg3[%swap3A, %swap3A_6], %slice3A {strides = array<i32>} : memref<512x128xf32, #tpu.memory_space<vmem>>, vector<512x128xf32>,
    %slice3A_8 = vector.extract_strided_slice %dot_general3A_5 {offsets = [0, 128], sizes = [512, 128], strides = [1, 1]} : vector<512x512xf32> to vector<512x128xf32>
    %swap3A_9 = arith.constant 0 : index
    %swap3A_10 = arith.constant 0 : index
    %swap3A_11 = vector.load %arg4[%swap3A_9, %swap3A_10] : memref<512x128xf32, #tpu.memory_space<vmem>>, vector<512x128xf32>
    tpu.vector_store %arg4[%swap3A_9, %swap3A_10], %slice3A_8 {strides = array<i32>} : memref<512x128xf32, #tpu.memory_space<vmem>>, vector<512x128xf32>,
    %slice3A_12 = vector.extract_strided_slice %dot_general3A_5 {offsets = [0, 256], sizes = [512, 128], strides = [1, 1]} : vector<512x512xf32> to vector<512x128xf32>
    %swap3A_13 = arith.constant 0 : index
    %swap3A_14 = arith.constant 0 : index
    %swap3A_15 = vector.load %arg5[%swap3A_13, %swap3A_14] : memref<512x128xf32, #tpu.memory_space<vmem>>, vector<512x128xf32>
    tpu.vector_store %arg5[%swap3A_13, %swap3A_14], %slice3A_12 {strides = array<i32>} : memref<512x128xf32, #tpu.memory_space<vmem>>, vector<512x128xf32>,
    %slice3A_16 = vector.extract_strided_slice %dot_general3A_5 {offsets = [0, 384], sizes = [512, 128], strides = [1, 1]} : vector<512x512xf32> to vector<512x128xf32>
    %swap3A_17 = arith.constant 0 : index
    %swap3A_18 = arith.constant 0 : index
    %swap3A_19 = vector.load %arg6[%swap3A_17, %swap3A_18] : memref<512x128xf32, #tpu.memory_space<vmem>>, vector<512x128xf32>
    tpu.vector_store %arg6[%swap3A_17, %swap3A_18], %slice3A_16 {strides = array<i32>} : memref<512x128xf32, #tpu.memory_space<vmem>>, vector<512x128xf32>,
    return
  }
  func.func @transform_0(%arg0: i32) -> (i32, i32) {
    %c0_i32 = arith.constant 0 : i32
    %c0_i32_0 = arith.constant 0 : i32
    return %arg0, %c0_i32 : i32, i32
  }
  func.func @transform_1(%arg0: i32) -> (i32, i32) {
    %c0_i32 = arith.constant 0 : i32
    %c0_i32_0 = arith.constant 0 : i32
    %c0_i32_1 = arith.constant 0 : i32
    return %c0_i32, %c0_i32_0 : i32, i32
  }
  func.func @transform_2(%arg0: i32) -> (i32, i32) {
    %c0_i32 = arith.constant 0 : i32
    %c0_i32_0 = arith.constant 0 : i32
    return %arg0, %c0_i32 : i32, i32
  }
  func.func @transform_3(%arg0: i32) -> (i32, i32) {
    %c0_i32 = arith.constant 0 : i32
    %c0_i32_0 = arith.constant 0 : i32
    return %arg0, %c0_i32 : i32, i32
  }
  func.func @transform_4(%arg0: i32) -> (i32, i32) {
    %c0_i32 = arith.constant 0 : i32
    %c0_i32_0 = arith.constant 0 : i32
    return %arg0, %c0_i32 : i32, i32
  }
  func.func @transform_5(%arg0: i32) -> (i32, i32) {
    %c0_i32 = arith.constant 0 : i32
    %c0_i32_0 = arith.constant 0 : i32
    return %arg0, %c0_i32 : i32, i32
  }
}

module attributes {stable_mosaic.version = 14 : i64} {
  func.func @_gates_body(%arg0: i32, %arg1: memref<2x512x128xf32, #tpu.memory_space<vmem>>, %arg2: memref<2x512x128xf32, #tpu.memory_space<vmem>>, %arg3: memref<512x128xf32, #tpu.memory_space<vmem>>, %arg4: memref<512x128xf32, #tpu.memory_space<vmem>>, %arg5: memref<512x128xf32, #tpu.memory_space<vmem>>, %arg6: memref<128x384xf32, #tpu.memory_space<vmem>>, %arg7: memref<512x128xf32, #tpu.memory_space<vmem>>, %arg8: memref<512x128xf32, #tpu.memory_space<vmem>>) attributes {dimension_semantics = [#tpu.dimension_semantics<arbitrary>], iteration_bounds = array<i64: 20>, scalar_prefetch = 0 : i64, scratch_operands = 0 : i64, tpu.core_type = #tpu.core_type<tc>, window_params = [{transform_indices = @transform_0, window_bounds = array<i64: 2, 512, 128>}, {transform_indices = @transform_1, window_bounds = array<i64: 2, 512, 128>}, {transform_indices = @transform_2, window_bounds = array<i64: 512, 128>}, {transform_indices = @transform_3, window_bounds = array<i64: 512, 128>}, {transform_indices = @transform_4, window_bounds = array<i64: 512, 128>}, {pipeline_mode = #tpu.pipeline_mode<synchronous>, transform_indices = @transform_5, window_bounds = array<i64: 128, 384>}, {transform_indices = @transform_6, window_bounds = array<i64: 512, 128>}, {transform_indices = @transform_7, window_bounds = array<i64: 512, 128>}]} {
    %get3A = arith.constant 0 : index
    %get3A_0 = arith.constant 0 : index
    %get3A_1 = arith.constant 0 : index
    %get3A_2 = vector.load %arg1[%get3A, %get3A_0, %get3A_1] : memref<2x512x128xf32, #tpu.memory_space<vmem>>, vector<1x512x128xf32>
    %get3A_3 = vector.shape_cast %get3A_2 : vector<1x512x128xf32> to vector<512x128xf32>
    %get3A_4 = arith.constant 1 : index
    %get3A_5 = arith.constant 0 : index
    %get3A_6 = arith.constant 0 : index
    %get3A_7 = vector.load %arg1[%get3A_4, %get3A_5, %get3A_6] : memref<2x512x128xf32, #tpu.memory_space<vmem>>, vector<1x512x128xf32>
    %get3A_8 = vector.shape_cast %get3A_7 : vector<1x512x128xf32> to vector<512x128xf32>
    %add3A = arith.addf %get3A_3, %get3A_8 : vector<512x128xf32>
    %get3A_9 = arith.constant 0 : index
    %get3A_10 = arith.constant 0 : index
    %get3A_11 = arith.constant 0 : index
    %get3A_12 = vector.load %arg2[%get3A_9, %get3A_10, %get3A_11] : memref<2x512x128xf32, #tpu.memory_space<vmem>>, vector<1x512x128xf32>
    %get3A_13 = vector.shape_cast %get3A_12 : vector<1x512x128xf32> to vector<512x128xf32>
    %get3A_14 = arith.constant 1 : index
    %get3A_15 = arith.constant 0 : index
    %get3A_16 = arith.constant 0 : index
    %get3A_17 = vector.load %arg2[%get3A_14, %get3A_15, %get3A_16] : memref<2x512x128xf32, #tpu.memory_space<vmem>>, vector<1x512x128xf32>
    %get3A_18 = vector.shape_cast %get3A_17 : vector<1x512x128xf32> to vector<512x128xf32>
    %add3A_19 = arith.addf %get3A_13, %get3A_18 : vector<512x128xf32>
    %get3A_20 = arith.constant 0 : index
    %get3A_21 = arith.constant 0 : index
    %get3A_22 = vector.load %arg6[%get3A_20, %get3A_21] : memref<128x384xf32, #tpu.memory_space<vmem>>, vector<128x384xf32>
    %dot_general3A = arith.constant dense<0.000000e+00> : vector<512x384xf32>
    %dot_general3A_23 = tpu.matmul %add3A, %get3A_22, %dot_general3A {dimension_numbers = #tpu.dot_dimension_numbers<[1], [0], [0], [1], [0, 0, 1, 1], [], []>, transpose_lhs_hint = false} : vector<512x128xf32>, vector<128x384xf32>, vector<512x384xf32> -> vector<512x384xf32>
    %slice3A = vector.extract_strided_slice %dot_general3A_23 {offsets = [0, 0], sizes = [512, 128], strides = [1, 1]} : vector<512x384xf32> to vector<512x128xf32>
    %get3A_24 = arith.constant 0 : index
    %get3A_25 = arith.constant 0 : index
    %get3A_26 = vector.load %arg3[%get3A_24, %get3A_25] : memref<512x128xf32, #tpu.memory_space<vmem>>, vector<512x128xf32>
    %add3A_27 = arith.addf %slice3A, %get3A_26 : vector<512x128xf32>
    %logistic3A = arith.negf %add3A_27 : vector<512x128xf32>
    %logistic3A_28 = math.exp %logistic3A : vector<512x128xf32>
    %logistic3A_29 = arith.constant 1.000000e+00 : f32
    %logistic3A_30 = vector.broadcast %logistic3A_29 : f32 to vector<512x128xf32>
    %logistic3A_31 = arith.addf %logistic3A_30, %logistic3A_28 : vector<512x128xf32>
    %logistic3A_32 = arith.divf %logistic3A_30, %logistic3A_31 : vector<512x128xf32>
    %slice3A_33 = vector.extract_strided_slice %dot_general3A_23 {offsets = [0, 128], sizes = [512, 128], strides = [1, 1]} : vector<512x384xf32> to vector<512x128xf32>
    %get3A_34 = arith.constant 0 : index
    %get3A_35 = arith.constant 0 : index
    %get3A_36 = vector.load %arg4[%get3A_34, %get3A_35] : memref<512x128xf32, #tpu.memory_space<vmem>>, vector<512x128xf32>
    %add3A_37 = arith.addf %slice3A_33, %get3A_36 : vector<512x128xf32>
    %tanh3A = math.tanh %add3A_37 : vector<512x128xf32>
    %slice3A_38 = vector.extract_strided_slice %dot_general3A_23 {offsets = [0, 256], sizes = [512, 128], strides = [1, 1]} : vector<512x384xf32> to vector<512x128xf32>
    %get3A_39 = arith.constant 0 : index
    %get3A_40 = arith.constant 0 : index
    %get3A_41 = vector.load %arg5[%get3A_39, %get3A_40] : memref<512x128xf32, #tpu.memory_space<vmem>>, vector<512x128xf32>
    %add3A_42 = arith.addf %slice3A_38, %get3A_41 : vector<512x128xf32>
    %logistic3A_43 = arith.negf %add3A_42 : vector<512x128xf32>
    %logistic3A_44 = math.exp %logistic3A_43 : vector<512x128xf32>
    %logistic3A_45 = arith.constant 1.000000e+00 : f32
    %logistic3A_46 = vector.broadcast %logistic3A_45 : f32 to vector<512x128xf32>
    %logistic3A_47 = arith.addf %logistic3A_46, %logistic3A_44 : vector<512x128xf32>
    %logistic3A_48 = arith.divf %logistic3A_46, %logistic3A_47 : vector<512x128xf32>
    %mul3A = arith.mulf %logistic3A_32, %tanh3A : vector<512x128xf32>
    %add3A_49 = arith.addf %mul3A, %add3A_19 : vector<512x128xf32>
    %swap3A = arith.constant 0 : index
    %swap3A_50 = arith.constant 0 : index
    %swap3A_51 = vector.load %arg8[%swap3A, %swap3A_50] : memref<512x128xf32, #tpu.memory_space<vmem>>, vector<512x128xf32>
    tpu.vector_store %arg8[%swap3A, %swap3A_50], %add3A_49 {strides = array<i32>} : memref<512x128xf32, #tpu.memory_space<vmem>>, vector<512x128xf32>,
    %tanh3A_52 = math.tanh %add3A_49 : vector<512x128xf32>
    %mul3A_53 = arith.mulf %logistic3A_48, %tanh3A_52 : vector<512x128xf32>
    %swap3A_54 = arith.constant 0 : index
    %swap3A_55 = arith.constant 0 : index
    %swap3A_56 = vector.load %arg7[%swap3A_54, %swap3A_55] : memref<512x128xf32, #tpu.memory_space<vmem>>, vector<512x128xf32>
    tpu.vector_store %arg7[%swap3A_54, %swap3A_55], %mul3A_53 {strides = array<i32>} : memref<512x128xf32, #tpu.memory_space<vmem>>, vector<512x128xf32>,
    return
  }
  func.func @transform_0(%arg0: i32) -> (i32, i32, i32) {
    %c0_i32 = arith.constant 0 : i32
    %c0_i32_0 = arith.constant 0 : i32
    %c0_i32_1 = arith.constant 0 : i32
    return %c0_i32, %arg0, %c0_i32_0 : i32, i32, i32
  }
  func.func @transform_1(%arg0: i32) -> (i32, i32, i32) {
    %c0_i32 = arith.constant 0 : i32
    %c0_i32_0 = arith.constant 0 : i32
    %c0_i32_1 = arith.constant 0 : i32
    return %c0_i32, %arg0, %c0_i32_0 : i32, i32, i32
  }
  func.func @transform_2(%arg0: i32) -> (i32, i32) {
    %c0_i32 = arith.constant 0 : i32
    %c0_i32_0 = arith.constant 0 : i32
    return %arg0, %c0_i32 : i32, i32
  }
  func.func @transform_3(%arg0: i32) -> (i32, i32) {
    %c0_i32 = arith.constant 0 : i32
    %c0_i32_0 = arith.constant 0 : i32
    return %arg0, %c0_i32 : i32, i32
  }
  func.func @transform_4(%arg0: i32) -> (i32, i32) {
    %c0_i32 = arith.constant 0 : i32
    %c0_i32_0 = arith.constant 0 : i32
    return %arg0, %c0_i32 : i32, i32
  }
  func.func @transform_5(%arg0: i32) -> (i32, i32) {
    %c0_i32 = arith.constant 0 : i32
    %c0_i32_0 = arith.constant 0 : i32
    %c0_i32_1 = arith.constant 0 : i32
    return %c0_i32, %c0_i32_0 : i32, i32
  }
  func.func @transform_6(%arg0: i32) -> (i32, i32) {
    %c0_i32 = arith.constant 0 : i32
    %c0_i32_0 = arith.constant 0 : i32
    return %arg0, %c0_i32 : i32, i32
  }
  func.func @transform_7(%arg0: i32) -> (i32, i32) {
    %c0_i32 = arith.constant 0 : i32
    %c0_i32_0 = arith.constant 0 : i32
    return %arg0, %c0_i32 : i32, i32
  }
}

</mosaic_0001>

<sc_bundles>
// kernel: kernel.10.cloned.1.call-start
scs
__scs_entry_jumppad:
0x0: {  	(pc) =	sbr.rel $0x88, $3  }
0x1: {  	(tag) =	ssettag $0x0;
	lr =	simm.s32 $0x1  }
0x2: {  	[smem:$0x3F9A] =	sst lr;
	_ =	strace $0xD0000000  }
0x3: {  	_ = 	snop  }
0x4: {  	_ = 	snop  }
0x5: {  	_ = 	snop  }
0x6: {  	_ = 	snop  }
0x7: {  	_ = 	snop  }
__scs_overlays_trampoline_lowered:
0x8: {  	[smem:$0x3FA9] =	sst s0  }
0x9: {  	[smem:$0x3FAA] =	sst s1  }
0xa: {  	[smem:$0x3FAB] =	sst s2  }
0xb: {  	[smem:$0x3FAC] =	sst s3  }
0xc: {  	[smem:$0x3FAD] =	sst s4  }
0xd: {  	[smem:$0x3FAE] =	sst s5  }
0xe: {  	[smem:$0x3FAF] =	sst s6  }
0xf: {  	[smem:$0x3FB0] =	sst s7  }
0x10: {  	[smem:$0x3FB1] =	sst s8  }
0x11: {  	[smem:$0x3FB2] =	sst s9;
	s0 =	simm.s32 @!p0 $0x0  }
0x12: {  	s1 =	sld [smem:$0x3F98];
	s0 =	simm.s32 @p0 $0x1  }
0x13: {  	[smem:$0x3FB3] =	sst s0;
	s0 =	simm.s32 @!p1 $0x0  }
0x14: {  	s2 =	sld [smem:$0x3F97];
	s0 =	simm.s32 @p1 $0x1  }
0x15: {  	[smem:$0x3FB4] =	sst s0;
	s0 =	simm.s32 @!p2 $0x0  }
0x16: {  	s3 =	sld [smem:$0x3FDB];
	s0 =	simm.s32 @p2 $0x1  }
0x17: {  	s4 =	simm.s32 $0x1BF5;
	[smem:$0x3FB6] =	sst s0  }
0x18: {  	s0 =	sld [smem:$0x3F99];
	_ =	swait.ge [sflag:s4], $0x0  }
0x19: {  	s7 =	sld [smem:$0x3F9A]  }
0x1a: {  	s8 =	sadd.s32 $0xFFFFE003, lr  }
0x1b: {  	s9 =	sadd.s32 $0xFFFFFEF7, lr;
	s5 =	simm.s32 $0xFFFFFFFF;
	p2 =	slt.u32 s8, $0xFFFFF086  }
0x1c: {  	p1 =	slt.u32 s9, $0xF7A;
	s5 =	simm.s32 @!p2 $0x0  }
0x1d: {  	s5 =	simm.s32 @p1 $0x1;
	p0 =	seq.s32 s7, s2  }
0x1e: {  	s7 =	smul.u32 @!p0 $0xF7A, s2;
	p2 =	seq.s32 @!p0 s5, $0x0  }
0x1f: {  	s9 =	smul.u32 $0xF7A, s1;
	s8 =	simm.s32 @!p0 $0x1BF5;
	p2 =	por !p2, p0  }
0x20: {  	[sflag:s8] =	ssyncset.s32 @!p0 $0xFFFFF086;
	s6 =	sadd.s32 @!p0 s3, s7;
	s7 =	simm.s32 @!p0 $0x108  }
0x21: {  	s3 =	sadd.s32 s3, s9;
	s6 =	sadd.s32 @!p0 $0x88, s6;
	s7 =	simm.s32 @p2 $0x1082  }
0x22: {  	[simem:s7], [sflag:s8] =	dma.local @!p0 [hbm:s6], $0xF7A  }
0x23: {  	s9 =	sor.u32 $0xD0000000, s2;
	s6 =	simm.s32 $0x108;
	_ =	swait.ge @!p0 [sflag:s8], $0x0  }
0x24: {  	s3 =	sadd.s32 $0x88, s3;
	s6 =	simm.s32 @!p1 $0x1082;
	[sflag:s4] =	ssyncset.s32 $0xFFFFF086  }
0x25: {  	[simem:s6], [sflag:s4] =	dma.local [hbm:s3], $0xF7A  }
0x26: {  	[smem:$0x3F9A] =	sst s1;
	(tag) =	ssettag s2;
	_ =	strace s9  }
0x27: {  	s1 =	sld [smem:$0x3FAA]  }
0x28: {  	s2 =	sld [smem:$0x3FAB]  }
0x29: {  	s4 =	sld [smem:$0x3FAD]  }
0x2a: {  	p0 =	seq.s32 s5, $0x0;
	s5 =	sld [smem:$0x3FAE]  }
0x2b: {  	s6 =	sld [smem:$0x3FAF]  }
0x2c: {  	s7 =	sld [smem:$0x3FB0]  }
0x2d: {  	s3 =	simm.s32 $0x108;
	s8 =	sld [smem:$0x3FB1]  }
0x2e: {  	s3 =	simm.s32 @!p0 $0x1082;
	s9 =	sld [smem:$0x3FB2]  }
0x2f: {  	lr =	sadd.s32 s0, s3;
	s0 =	sld [smem:$0x3FA9]  }
0x30: {  	s3 =	sld [smem:$0x3FAC]  }
0x31: {  	[smem:$0x3FB5] =	sst s10  }
0x32: {  	s10 =	sld [smem:$0x3FB3];
	_ =	sdelay $0x3  }
0x33: {  	p0 =	seq.s32 s10, $0x1;
	s10 =	sld [smem:$0x3FB5];
	_ =	sdelay $0x3  }
0x34: {  	[smem:$0x3FB5] =	sst s10  }
0x35: {  	s10 =	sld [smem:$0x3FB4];
	_ =	sdelay $0x3  }
0x36: {  	p1 =	seq.s32 s10, $0x1;
	s10 =	sld [smem:$0x3FB5];
	_ =	sdelay $0x3  }
0x37: {  	[smem:$0x3FB5] =	sst s10  }
0x38: {  	s10 =	sld [smem:$0x3FB6]  }
0x39: {  	_ = 	snop;
	(pc) =	sbr.ind lr, $3  }
0x3a: {  	_ = 	snop  }
0x3b: {  	_ = 	snop  }
0x3c: {  	p2 =	seq.s32 s10, $0x1;
	s10 =	sld [smem:$0x3FB5]  }
0x3d: {  	_ =	shalt  }
0x3e: {  	_ =	shalt  }
0x3f: {  	_ =	shalt  }
0x40: {  	_ =	shalt  }
0x41: {  	_ =	shalt  }
0x42: {  	_ =	shalt  }
0x43: {  	_ =	shalt  }
0x44: {  	_ =	shalt  }
0x45: {  	_ =	shalt  }
0x46: {  	_ =	shalt  }
0x47: {  	_ =	shalt  }
0x48: {  	_ =	shalt  }
0x49: {  	_ =	shalt  }
0x4a: {  	_ =	shalt  }
0x4b: {  	_ =	shalt  }
0x4c: {  	_ =	shalt  }
0x4d: {  	_ =	shalt  }
0x4e: {  	_ =	shalt  }
0x4f: {  	_ =	shalt  }
0x50: {  	_ =	shalt  }
0x51: {  	_ =	shalt  }
0x52: {  	_ =	shalt  }
0x53: {  	_ =	shalt  }
0x54: {  	_ =	shalt  }
0x55: {  	_ =	shalt  }
0x56: {  	_ =	shalt  }
0x57: {  	_ =	shalt  }
0x58: {  	_ =	shalt  }
0x59: {  	_ =	shalt  }
0x5a: {  	_ =	shalt  }
0x5b: {  	_ =	shalt  }
0x5c: {  	_ =	shalt  }
0x5d: {  	_ =	shalt  }
0x5e: {  	_ =	shalt  }
0x5f: {  	_ =	shalt  }
0x60: {  	_ =	shalt  }
0x61: {  	_ =	shalt  }
0x62: {  	_ =	shalt  }
0x63: {  	_ =	shalt  }
0x64: {  	_ =	shalt  }
0x65: {  	_ =	shalt  }
0x66: {  	_ =	shalt  }
0x67: {  	_ =	shalt  }
0x68: {  	_ =	shalt  }
0x69: {  	_ =	shalt  }
0x6a: {  	_ =	shalt  }
0x6b: {  	_ =	shalt  }
0x6c: {  	_ =	shalt  }
0x6d: {  	_ =	shalt  }
0x6e: {  	_ =	shalt  }
0x6f: {  	_ =	shalt  }
0x70: {  	_ =	shalt  }
0x71: {  	_ =	shalt  }
0x72: {  	_ =	shalt  }
0x73: {  	_ =	shalt  }
0x74: {  	_ =	shalt  }
0x75: {  	_ =	shalt  }
0x76: {  	_ =	shalt  }
0x77: {  	_ =	shalt  }
0x78: {  	_ =	shalt  }
0x79: {  	_ =	shalt  }
0x7a: {  	_ =	shalt  }
0x7b: {  	_ =	shalt  }
0x7c: {  	_ =	shalt  }
0x7d: {  	_ =	shalt  }
0x7e: {  	_ =	shalt  }
0x7f: {  	_ =	shalt  }
0x80: {  	_ =	shalt  }
0x81: {  	_ =	shalt  }
0x82: {  	_ =	shalt  }
0x83: {  	_ =	shalt  }
0x84: {  	_ =	shalt  }
0x85: {  	_ =	shalt  }
0x86: {  	_ =	shalt  }
0x87: {  	_ =	shalt  }
.Lfunc_end0:
.L_simem_size_0:
called_computation.1_lowered:
.L_overlay_start_0:
0x88: {  	s2 =	sld [smem:$0x3FD9]  }
0x89: {  	s3 =	sld [smem:$0x3FFE];
	_ =	sdelay $0x1  }
0x8a: {  	s1 =	srdreg.scid  }
0x8b: {  	s0 =	sand.u32 $0x1, s1  }
0x8c: {  	s14 =	sshll.u32 s0, $0xA;
	s2 =	sadd.s32 s3, s2  }
0x8d: {  	s2 =	sadd.s32 s2, s14  }
0x8e: {  	[smem:$0x3FC1] =	sst s2  }
0x8f: {  	_ = 	snop  }
0x90: {  	s2 =	sld [smem:$0x3FD0];
	_ =	sdelay $0x2  }
0x91: {  	s4 =	simm.s32 $0xB;
	s5 =	simm.s32 $0x10;
	s15 =	sld [smem:$0x3FC7]  }
0x92: {  	[smem:s5], [sflag:s4] =	dma.local [hbm:s2], $0x1  }
0x93: {  	_ =	swait.eq [sflag:s4], $0x1  }
0x94: {  	[sflag:s4] =	ssyncset.done $0x0  }
0x95: {  	[sflag:s4] =	ssyncadd.s32 $0xFFFFFFFF  }
0x96: {  	s16 =	sld [smem:$0x11];
	(tm) =	ssettm $0x1  }
0x97: {  	s17 =	sld [smem:$0x3FFB];
	_ =	sdelay $0x3  }
0x98: {  	_ =	strace s17  }
0x99: {  	s4 =	sld [smem:$0x3FFC];
	_ =	sdelay $0x3  }
0x9a: {  	_ =	strace s4  }
0x9b: {  	s4 =	sld [smem:$0x3FFD];
	_ =	sdelay $0x3  }
0x9c: {  	_ =	strace s4  }
0x9d: {  	_ =	strace $0x8FFFFFFF  }
0x9e: {  	s18 =	sld [smem:$0x3FDB];
	_ =	sdelay $0x1  }
0x9f: {  	s19 =	simm.s32 $_scs_section_size  }
0xa0: {  	s6 =	simm.s32 $_size__tile_overlayer_lowered;
	s7 =	simm.s32 $_tile_overlayer_lowered  }
0xa1: {  	s22 =	simm.s32 $0x1BFF;
	s21 =	sshll.u32 s7, $0x1;
	s4 =	sadd.s32 s19, s18  }
0xa2: {  	s8 =	simm.s32 $0x0;
	s20 =	sshll.u32 s6, $0x1;
	s6 =	sadd.s32 s21, s4  }
0xa3: {  	[timem:s8], [sflag:s22] =	dma.local [hbm:s6], s20  }
0xa4: {  	_ =	swait.ge [sflag:s22], s20  }
0xa5: {  	s5 =	ssub.s32 $0x0, s20;
	[sflag:s22] =	ssyncset.done $0x0  }
0xa6: {  	[sflag:s22] =	ssyncadd.s32 s5;
	_ =	sdelay $0x1  }
0xa7: {  	s23 =	simm.s32 $0x1B8B  }
0xa8: {  	_ =	swait.ge [sflag:s23], $0x1  }
0xa9: {  	[sflag:s23] =	ssyncset.done $0x0  }
0xaa: {  	s25 =	simm.s32 $0x1B8E;
	s24 =	sld [smem:$0x3FFE];
	[sflag:s23] =	ssyncadd.s32 $0xFFFFFFFF  }
0xab: {  	s26 =	simm.s32 $execute0_lowered;
	[smem:$0x3FD2] =	sst s25  }
0xac: {  	s6 =	sshll.u32 s26, $0x1;
	_ =	strace $0x80000046;
	[dreg:$0x1] =	wrdreg $0xFFFFFFFF  }
0xad: {  	s28 =	simm.s32 $_size_execute0_lowered;
	s4 =	sadd.s32 s4, s6;
	[dreg:$0x0] =	wrdreg $0x0  }
0xae: {  	s6 =	sshll.u32 s28, $0x1;
	[dreg:$0x2] =	wrdreg s4  }
0xaf: {  	[dreg:$0x3] =	wrdreg s6  }
0xb0: {  	[dreg:$0x4] =	wrdreg $0xC0  }
0xb1: {  	_ =	task [dreg:s8], $0x5FFFF  }
0xb2: {  	[dreg:$0x1] =	wrdreg $0xFFFFFFFF  }
0xb3: {  	[dreg:$0x0] =	wrdreg $0x60  }
0xb4: {  	[dreg:$0x2] =	wrdreg s16  }
0xb5: {  	[dreg:$0x3] =	wrdreg s24  }
0xb6: {  	[dreg:$0x4] =	wrdreg s15  }
0xb7: {  	[dreg:$0x5] =	wrdreg $0xB0000  }
0xb8: {  	[dreg:$0x6] =	wrdreg $0xA  }
0xb9: {  	_ =	task.clear_ibuf [dreg:s8], $0x7FFFF;
	_ =	strace $0x90000046  }
0xba: {  	s29 =	simm.s32 $0xA;
	_ =	strace $0x80000048  }
0xbb: {  	_ =	swait.ge [sflag:s29], $0x1  }
0xbc: {  	[sflag:s29] =	ssyncadd.s32 $0xFFFFFFFF  }
0xbd: {  	_ =	strace $0x90000048  }
0xbe: {  	_ =	sfence  }
0xbf: {  	s30 =	sld [smem:$0x0];
	_ =	sdelay $0x2  }
0xc0: {  	s31 =	sshll.u32 s1, $0xD;
	s1 =	sshrl.u32 s1, $0x2  }
0xc1: {  	s3 =	sand.u32 $0x4000, s31;
	s1 =	sadd.s32 s1, s30  }
0xc2: {  	s0 =	sor.u32 s3, s0;
	s1 =	sshll.u32 s1, $0x11  }
0xc3: {  	s0 =	sor.u32 s1, s0  }
0xc4: {  	s0 =	sadd.s32 $0x8F2B, s0  }
0xc5: {  	[sflag:s0] =	ssyncadd.remote.s32 $0x1  }
0xc6: {  	_ =	sfence.sel $0xFFFF  }
0xc7: {  	[dreg:$0x0] =	wrdreg $0xFFFFFFFF;
	(pc) =	sbr.abs _section_cstart, $3  }
0xc8: {  	[dreg:$0x1] =	wrdreg $0xFFFFFFFF  }
0xc9: {  	_ =	task.clear_ibuf [dreg:s8], $0x2FFFF;
	_ =	strace $0x9FFFFFFF  }
0xca: {  	(tm) =	ssettm $0x7FFFFFFF  }
0xcb: {  	_ =	shalt  }
tec
execute0_lowered:
.L_overlay_start_1:
0x0: {  	(tag) =	ssettag $0x1  }
0x1: {  	s0 =	rddreg [dreg:$0x0]  }
0x2: {  	s1 =	srdreg.scid;
	s3 =	rddreg [dreg:$0x1]  }
0x3: {  	s2 =	simm.s32 $0x0;
	s17 =	stileid.u32;
	s31 =	simm.s32 $0x5000  }
0x4: {  	s1 =	sand.u32 $0x1, s1;
	[smem:$0x7FF] =	sst s2;
	s7 =	smul.u32 $0x13C00, s17  }
0x5: {  	s8 =	sadd.s32 $0x546200, s3;
	s4 =	ssub.s32 $0x2, s1;
	s5 =	sshll.u32 s1, $0x4  }
0x6: {  	s1 =	smul.u32 $0x13C000, s1;
	s6 =	sshrl.u32 s4, $0x1;
	s5 =	sor.u32 s17, s5  }
0x7: {  	s9 =	sadd.s32 $0x4000, s7;
	s10 =	sadd.s32 $0x6000, s7;
	s12 =	sadd.s32 $0x8000, s7  }
0x8: {  	s14 =	sadd.s32 $0xA000, s7;
	s15 =	sadd.s32 $0xC000, s7;
	s24 =	sadd.s32 $0xE000, s7  }
0x9: {  	s25 =	sadd.s32 $0x10000, s7;
	s26 =	sadd.s32 $0x12000, s7;
	s17 =	smul.u32 $0x4F000, s17  }
0xa: {  	s4 =	ssub.s32 s4, s6;
	s6 =	sadd.s32 $0x2000, s7;
	s7 =	sadd.s32 s7, s1  }
0xb: {  	s13 =	sadd.s32 s1, s9;
	s21 =	sadd.s32 s1, s10;
	s22 =	sadd.s32 s1, s12  }
0xc: {  	s23 =	sadd.s32 s1, s14;
	s28 =	smul.u32 $0xA0, s5;
	s11 =	sadd.s32 s1, s6  }
0xd: {  	s7 =	sshrl.u32 s7, $0x3;
	s20 =	sshrl.u32 s13, $0x3;
	s18 =	sshrl.u32 s23, $0x3  }
0xe: {  	s13 =	rddreg [dreg:$0x3];
	s30 =	smax.u32 s4, $0x1;
	s7 =	sadd.s32 s8, s7  }
0xf: {  	s4 =	simm.s32 $0x3;
	s11 =	sshrl.u32 s11, $0x3;
	[dreg:$0x5] =	wrdreg s7  }
0x10: {  	s19 =	sadd.s32 s8, s11;
	s7 =	sadd.s32 s8, s20;
	s11 =	sshrl.u32 s22, $0x3  }
0x11: {  	s20 =	sadd.s32 s1, s24;
	s24 =	sadd.s32 s24, s13;
	[dreg:$0x6] =	wrdreg s19  }
0x12: {  	[dreg:$0x7] =	wrdreg s7;
	s7 =	sshrl.u32 s21, $0x3;
	s16 =	sadd.s32 s8, s11  }
0x13: {  	s19 =	sadd.s32 s1, s15;
	s11 =	sshrl.u32 s20, $0x3;
	s21 =	sadd.s32 s1, s25  }
0x14: {  	s1 =	sadd.s32 s1, s26;
	s20 =	sadd.s32 s10, s13;
	s25 =	sadd.s32 s25, s13  }
0x15: {  	s26 =	sadd.s32 s26, s13;
	s7 =	sadd.s32 s8, s7;
	[dreg:$0x9] =	wrdreg s16  }
0x16: {  	s22 =	sadd.s32 s8, s11;
	s23 =	sshrl.u32 s21, $0x3;
	s11 =	rddreg [dreg:$0x2]  }
0x17: {  	s16 =	smul.u32 $0xA00, s5;
	s1 =	sshrl.u32 s1, $0x3;
	s21 =	sadd.s32 s12, s13  }
0x18: {  	s12 =	simm.s32 $0x2;
	s5 =	simm.s32 $0x9000;
	[dreg:$0x8] =	wrdreg s7  }
0x19: {  	s7 =	sadd.s32 s8, s18;
	[dreg:$0xc] =	wrdreg s22;
	s1 =	sadd.s32 s8, s1  }
0x1a: {  	s18 =	sadd.s32 s6, s13;
	s22 =	sadd.s32 s14, s13;
	[dreg:$0xa] =	wrdreg s7  }
0x1b: {  	s6 =	simm.s32 $0x1;
	s7 =	sshrl.u32 s19, $0x3;
	[dreg:$0xe] =	wrdreg s1  }
.Ltmp0:
0x1c: {  	s19 =	sadd.s32 s9, s13;
	s7 =	sadd.s32 s8, s7;
	(pc) =	sbr.rel .LBB2_1-.Ltmp0, $4  }
0x1d: {  	s1 =	simm.s32 $0x40;
	[dreg:$0xb] =	wrdreg s7;
	s7 =	sadd.s32 s8, s23  }
0x1e: {  	s8 =	sadd.s32 s16, s3;
	s23 =	sshrl.u32 s17, $0x2;
	s16 =	sadd.s32 $0x64200, s3  }
0x1f: {  	s3 =	simm.s32 $0x7000;
	[dreg:$0xd] =	wrdreg s7;
	s17 =	sadd.s32 s23, s13  }
0x20: {  	v0 =	vimm.f32 $0.0e+00;
	s23 =	sadd.s32 s15, s13;
	s29 =	sadd.s32 $0x50200, s8;
	_ =	strace $0x80000047  }
.LBB2_9:
0x21: {  	s7 =	stileid.u32  }
0x22: {  	[bflag:$0x0] =	sbarrier.arrive $0xFFFF;
	s7 =	sshll.u32 s7, $0x6  }
0x23: {  	s8 =	sshrl.u32 s17, $0x3;
	s9 =	rddreg [dreg:$0x5];
	s7 =	sor.u32 $0x1C02, s7  }
0x24: {  	[hbm:s9], [sflag:s7] =	dma.local [spmem:s8], $0x400  }
0x25: {  	_ =	swait.ge [sflag:s12], $0x400  }
0x26: {  	[sflag:s12] =	ssyncset.done $0x0  }
0x27: {  	s14 =	sshrl.u32 s18, $0x3;
	s15 =	rddreg [dreg:$0x6];
	[sflag:s12] =	ssyncadd.s32 $0xFFFFFC00  }
0x28: {  	[hbm:s15], [sflag:s7] =	dma.local [spmem:s14], $0x400  }
0x29: {  	_ =	swait.ge [sflag:s12], $0x400  }
0x2a: {  	[sflag:s12] =	ssyncset.done $0x0  }
0x2b: {  	s9 =	sshrl.u32 s19, $0x3;
	s10 =	rddreg [dreg:$0x7];
	[sflag:s12] =	ssyncadd.s32 $0xFFFFFC00  }
0x2c: {  	[hbm:s10], [sflag:s7] =	dma.local [spmem:s9], $0x400  }
0x2d: {  	_ =	swait.ge [sflag:s12], $0x400  }
0x2e: {  	[sflag:s12] =	ssyncset.done $0x0  }
0x2f: {  	s14 =	sshrl.u32 s20, $0x3;
	s15 =	rddreg [dreg:$0x8];
	[sflag:s12] =	ssyncadd.s32 $0xFFFFFC00  }
0x30: {  	[hbm:s15], [sflag:s7] =	dma.local [spmem:s14], $0x400  }
0x31: {  	_ =	swait.ge [sflag:s12], $0x400  }
0x32: {  	[sflag:s12] =	ssyncset.done $0x0  }
0x33: {  	s9 =	sshrl.u32 s21, $0x3;
	s10 =	rddreg [dreg:$0x9];
	[sflag:s12] =	ssyncadd.s32 $0xFFFFFC00  }
0x34: {  	[hbm:s10], [sflag:s7] =	dma.local [spmem:s9], $0x400  }
0x35: {  	_ =	swait.ge [sflag:s12], $0x400  }
0x36: {  	[sflag:s12] =	ssyncset.done $0x0  }
0x37: {  	s14 =	sshrl.u32 s22, $0x3;
	s15 =	rddreg [dreg:$0xa];
	[sflag:s12] =	ssyncadd.s32 $0xFFFFFC00  }
0x38: {  	[hbm:s15], [sflag:s7] =	dma.local [spmem:s14], $0x400  }
0x39: {  	_ =	swait.ge [sflag:s12], $0x400  }
0x3a: {  	[sflag:s12] =	ssyncset.done $0x0  }
0x3b: {  	s9 =	sshrl.u32 s23, $0x3;
	s10 =	rddreg [dreg:$0xb];
	[sflag:s12] =	ssyncadd.s32 $0xFFFFFC00  }
0x3c: {  	[hbm:s10], [sflag:s7] =	dma.local [spmem:s9], $0x400  }
0x3d: {  	_ =	swait.ge [sflag:s12], $0x400  }
0x3e: {  	[sflag:s12] =	ssyncset.done $0x0  }
0x3f: {  	s14 =	sshrl.u32 s24, $0x3;
	s15 =	rddreg [dreg:$0xc];
	[sflag:s12] =	ssyncadd.s32 $0xFFFFFC00  }
0x40: {  	[hbm:s15], [sflag:s7] =	dma.local [spmem:s14], $0x400  }
0x41: {  	_ =	swait.ge [sflag:s12], $0x400  }
0x42: {  	[sflag:s12] =	ssyncset.done $0x0  }
0x43: {  	s9 =	sshrl.u32 s25, $0x3;
	s10 =	rddreg [dreg:$0xd];
	[sflag:s12] =	ssyncadd.s32 $0xFFFFFC00  }
0x44: {  	[hbm:s10], [sflag:s7] =	dma.local [spmem:s9], $0x400  }
0x45: {  	s2 =	sadd.s32 $0x1, s2;
	_ =	swait.ge [sflag:s12], $0x400  }
0x46: {  	p0 =	sne.s32 s2, s30;
	s14 =	sshrl.u32 s26, $0x3;
	[sflag:s12] =	ssyncset.done $0x0  }
.Ltmp1:
0x47: {  	s15 =	rddreg [dreg:$0xe];
	[sflag:s12] =	ssyncadd.s32 $0xFFFFFC00;
	(pc) =	sbr.rel @!p0 .LBB2_10-.Ltmp1, $4  }
0x48: {  	[hbm:s15], [sflag:s7] =	dma.local [spmem:s14], $0x380  }
0x49: {  	_ =	swait.ge [sflag:s12], $0x380  }
0x4a: {  	[sflag:s12] =	ssyncset.done $0x0  }
0x4b: {  	[sflag:s12] =	ssyncadd.s32 $0xFFFFFC80  }
.LBB2_1:
0x4c: {  	s7 =	simm.s32 $0x0;
	s8 =	simm.s32 $0x200  }
.LBB2_2:
0x4d: {  	p0 =	sne.s32 s8, $0x7E00;
	[tilespmem:s7+$0x5070] =	vst v0  }
0x4e: {  	[tilespmem:s7+$0x5000] =	vst v0  }
0x4f: {  	[tilespmem:s7+$0x5010] =	vst v0  }
.Ltmp2:
0x50: {  	[tilespmem:s7+$0x5020] =	vst v0;
	(pc) =	sbr.rel @p0 .LBB2_2-.Ltmp2, $4  }
0x51: {  	[tilespmem:s7+$0x5030] =	vst v0  }
0x52: {  	[tilespmem:s7+$0x5040] =	vst v0  }
0x53: {  	[tilespmem:s7+$0x5050] =	vst v0  }
0x54: {  	[tilespmem:s7+$0x5060] =	vst v0;
	s7 =	sshra.s32 s8, $0x2;
	s8 =	sadd.s32 $0x200, s8  }
0x55: {  	[tilespmem:s7+$0x5070] =	vst v0  }
0x56: {  	[tilespmem:s7+$0x5000] =	vst v0  }
0x57: {  	[tilespmem:s7+$0x5010] =	vst v0  }
0x58: {  	[tilespmem:s7+$0x5020] =	vst v0  }
0x59: {  	[tilespmem:s7+$0x5030] =	vst v0  }
0x5a: {  	[tilespmem:s7+$0x5040] =	vst v0  }
0x5b: {  	[tilespmem:s7+$0x5050] =	vst v0  }
0x5c: {  	[tilespmem:s7+$0x5060] =	vst v0  }
0x5d: {  	[spmem:s17] =	stream.linear.scatter [tilespmem:s31], [sflag:$0x2], $0x2000, $0x38;
	[tilespmem:$0x1EC00] =	vst v63  }
0x5e: {  	_ =	swait.ge [sflag:s12], $0x2000  }
0x5f: {  	[sflag:s12] =	ssyncset.done $0x0  }
0x60: {  	[sflag:s12] =	ssyncadd.s32 $0xFFFFE000  }
0x61: {  	[spmem:s18] =	stream.linear.scatter [tilespmem:s31], [sflag:$0x2], $0x2000, $0x38;
	[tilespmem:$0x1EC00] =	vst v63  }
0x62: {  	_ =	swait.ge [sflag:s12], $0x2000  }
0x63: {  	[sflag:s12] =	ssyncset.done $0x0  }
0x64: {  	[sflag:s12] =	ssyncadd.s32 $0xFFFFE000  }
0x65: {  	[spmem:s19] =	stream.linear.scatter [tilespmem:s31], [sflag:$0x2], $0x2000, $0x38;
	[tilespmem:$0x1EC00] =	vst v63  }
0x66: {  	_ =	swait.ge [sflag:s12], $0x2000  }
0x67: {  	[sflag:s12] =	ssyncset.done $0x0  }
0x68: {  	[sflag:s12] =	ssyncadd.s32 $0xFFFFE000  }
0x69: {  	[spmem:s20] =	stream.linear.scatter [tilespmem:s31], [sflag:$0x2], $0x2000, $0x38;
	[tilespmem:$0x1EC00] =	vst v63  }
0x6a: {  	_ =	swait.ge [sflag:s12], $0x2000  }
0x6b: {  	[sflag:s12] =	ssyncset.done $0x0  }
0x6c: {  	[sflag:s12] =	ssyncadd.s32 $0xFFFFE000  }
0x6d: {  	[spmem:s21] =	stream.linear.scatter [tilespmem:s31], [sflag:$0x2], $0x2000, $0x38;
	[tilespmem:$0x1EC00] =	vst v63  }
0x6e: {  	_ =	swait.ge [sflag:s12], $0x2000  }
0x6f: {  	[sflag:s12] =	ssyncset.done $0x0  }
0x70: {  	[sflag:s12] =	ssyncadd.s32 $0xFFFFE000  }
0x71: {  	[spmem:s22] =	stream.linear.scatter [tilespmem:s31], [sflag:$0x2], $0x2000, $0x38;
	[tilespmem:$0x1EC00] =	vst v63  }
0x72: {  	_ =	swait.ge [sflag:s12], $0x2000  }
0x73: {  	[sflag:s12] =	ssyncset.done $0x0  }
0x74: {  	[sflag:s12] =	ssyncadd.s32 $0xFFFFE000  }
0x75: {  	[spmem:s23] =	stream.linear.scatter [tilespmem:s31], [sflag:$0x2], $0x2000, $0x38;
	[tilespmem:$0x1EC00] =	vst v63  }
0x76: {  	_ =	swait.ge [sflag:s12], $0x2000  }
0x77: {  	[sflag:s12] =	ssyncset.done $0x0  }
0x78: {  	[sflag:s12] =	ssyncadd.s32 $0xFFFFE000  }
0x79: {  	[spmem:s24] =	stream.linear.scatter [tilespmem:s31], [sflag:$0x2], $0x2000, $0x38;
	[tilespmem:$0x1EC00] =	vst v63  }
0x7a: {  	_ =	swait.ge [sflag:s12], $0x2000  }
0x7b: {  	[sflag:s12] =	ssyncset.done $0x0  }
0x7c: {  	[sflag:s12] =	ssyncadd.s32 $0xFFFFE000  }
0x7d: {  	[spmem:s25] =	stream.linear.scatter [tilespmem:s31], [sflag:$0x2], $0x2000, $0x38;
	[tilespmem:$0x1EC00] =	vst v63  }
0x7e: {  	_ =	swait.ge [sflag:s12], $0x2000  }
0x7f: {  	[sflag:s12] =	ssyncset.done $0x0  }
0x80: {  	[sflag:s12] =	ssyncadd.s32 $0xFFFFE000  }
0x81: {  	[spmem:s26] =	stream.linear.scatter [tilespmem:s31], [sflag:$0x2], $0x1C00, $0x38;
	[tilespmem:$0x1EC00] =	vst v63  }
0x82: {  	_ =	swait.ge [sflag:s12], $0x1C00  }
0x83: {  	[sflag:s12] =	ssyncset.done $0x0  }
0x84: {  	[sflag:s12] =	ssyncadd.s32 $0xFFFFE400  }
.Ltmp3:
0x85: {  	s7 =	simm.s32 $0x0;
	[bflag:$0x0] =	sbarrier.arrive $0xFFFF;
	(pc) =	sbr.rel .LBB2_4-.Ltmp3, $4  }
0x86: {  	[tilespmem:s7], [sflag:$0x2] =	stream.linear.gather [hbm4b:s29+s7], $0x5000, $0x38;
	[tilespmem:$0x1EC00] =	vst v63  }
0x87: {  	_ =	swait.ge [sflag:s12], $0x5000  }
0x88: {  	[sflag:s12] =	ssyncset.done $0x0  }
0x89: {  	[sflag:s12] =	ssyncadd.s32 $0xFFFFB000  }
.LBB2_8:
0x8a: {  	s7 =	sadd.s32 $0x1, s7  }
0x8b: {  	p0 =	sne.s32 s7, $0xA0  }
.Ltmp4:
0x8c: {  	_ = 	snop;
	(pc) =	sbr.rel @!p0 .LBB2_9-.Ltmp4, $1  }
0x8d: {  	_ =	sdelay $0x3  }
.LBB2_4:
0x8e: {  	s9 =	sadd.s32 s28, s7  }
0x8f: {  	p0 =	sgt.u32 s9, $0x1387  }
.Ltmp5:
0x90: {  	_ = 	snop;
	(pc) =	sbr.rel @p0 .LBB2_8-.Ltmp5, $1  }
0x91: {  	_ =	sdelay $0x3  }
0x92: {  	s8 =	sshll.u32 s7, $0x7  }
0x93: {  	s9 =	sshll.u32 s9, $0xA;
	s8 =	sand.u32 $0x3FFFFF80, s8  }
0x94: {  	[tilespmem:s31], [sflag:$0x1] =	stream.indirect.gather [hbm4b:s0+s1], $0x80, s8, s1, $0xb8;
	[tilespmem:$0x1EC00] =	vst v63  }
0x95: {  	s14 =	simm.s32 $0x0;
	s10 =	sadd.s32 s16, s9  }
0x96: {  	[tilespmem:s3], [sflag:$0x3] =	stream.linear.gather [hbm4b:s10+s14], $0x2000, $0x38;
	[tilespmem:$0x1EC00] =	vst v63  }
0x97: {  	_ =	swait.ge [sflag:s4], $0x2000  }
0x98: {  	[sflag:s4] =	ssyncset.done $0x0  }
0x99: {  	s9 =	sadd.s32 s11, s9;
	[sflag:s4] =	ssyncadd.s32 $0xFFFFE000  }
0x9a: {  	[tilespmem:s5], [sflag:$0x3] =	stream.linear.gather [hbm4b:s9+s14], $0x2000, $0x38;
	[tilespmem:$0x1EC00] =	vst v63  }
0x9b: {  	_ =	swait.ge [sflag:s4], $0x2000  }
0x9c: {  	[sflag:s4] =	ssyncset.done $0x0  }
0x9d: {  	[sflag:s4] =	ssyncadd.s32 $0xFFFFE000  }
0x9e: {  	_ =	swait.ge [sflag:s6], $0x2000  }
0x9f: {  	[sflag:s6] =	ssyncset.done $0x0  }
0xa0: {  	s9 =	simm.s32 $0x0;
	[sflag:s6] =	ssyncadd.s32 $0xFFFFE000  }
0xa1: {  	v1 =	vld [tilespmem:s9+$0x7050]  }
0xa2: {  	v2 =	vld [tilespmem:s9+$0x5050]  }
0xa3: {  	v3 =	vld [tilespmem:s9+$0x7040]  }
0xa4: {  	v4 =	vld [tilespmem:s9+$0x7030]  }
0xa5: {  	v6 =	vld [tilespmem:s9+$0x7010]  }
0xa6: {  	v7 =	vld [tilespmem:s9+$0x5030]  }
0xa7: {  	v8 =	vld [tilespmem:s9+$0x5010];
	v1 =	vadd.f32 v1, v2  }
0xa8: {  	v2 =	vld [tilespmem:s9+$0x5040]  }
0xa9: {  	v9 =	vld [tilespmem:s9+$0x7070];
	v1 =	vsub.f32 $0.0e+00, v1  }
0xaa: {  	v10 =	vld [tilespmem:s9+$0x5070]  }
0xab: {  	v5 =	vld [tilespmem:s9+$0x7000];
	v1 =	vmul.f32 $1.442695020e+00, v1  }
0xac: {  	v11 =	vld [tilespmem:s9+$0x5000]  }
0xad: {  	(erf) = vpow2.f32 v1;
	v1 =	vadd.f32 v3, v2  }
0xae: {  	v2 =	vadd.f32 v4, v7;
	v4 =	vadd.f32 v6, v8  }
0xaf: {  	v3 =	vld [tilespmem:s9+$0x7060];
	v7 =	vadd.f32 v9, v10;
	v1 =	vsub.f32 $0.0e+00, v1  }
0xb0: {  	v6 =	vld [tilespmem:s9+$0x5060];
	v2 =	vsub.f32 $0.0e+00, v2;
	v4 =	vsub.f32 $0.0e+00, v4  }
0xb1: {  	v5 =	vadd.f32 v5, v11;
	v8 =	vld [tilespmem:s9+$0x7020];
	v1 =	vmul.f32 $1.442695020e+00, v1  }
0xb2: {  	v9 =	vld [tilespmem:s9+$0x5020];
	v7 =	vsub.f32 $0.0e+00, v7;
	v2 =	vmul.f32 $1.442695020e+00, v2;
	v4 =	vmul.f32 $1.442695020e+00, v4  }
0xb3: {  	(erf) = vpow2.f32 v1;
	v1 =	vsub.f32 $0.0e+00, v5  }
0xb4: {  	(erf) = vpow2.f32 v2;
	v2 =	vmul.f32 $1.442695020e+00, v7  }
0xb5: {  	v3 =	vadd.f32 v3, v6;
	(erf) = vpow2.f32 v4;
	v1 =	vmul.f32 $1.442695020e+00, v1  }
0xb6: {  	v4 =	vpop (erf);
	(erf) = vpow2.f32 v2  }
0xb7: {  	v3 =	vsub.f32 $0.0e+00, v3;
	(erf) = vpow2.f32 v1;
	v1 =	vadd.f32 v8, v9  }
0xb8: {  	v4 =	vadd.f32 $1.000000000e+00, v4  }
0xb9: {  	v2 =	vmul.f32 $1.442695020e+00, v3;
	v1 =	vsub.f32 $0.0e+00, v1  }
0xba: {  	(erf) = vrcp.f32 v4  }
0xbb: {  	(erf) = vpow2.f32 v2;
	v1 =	vmul.f32 $1.442695020e+00, v1  }
0xbc: {  	v3 =	vpop (erf)  }
0xbd: {  	v4 =	vpop (erf);
	(erf) = vpow2.f32 v1  }
0xbe: {  	v5 =	vld [tilespmem:s9+$0x9050]  }
0xbf: {  	v2 =	vld [tilespmem:s9+$0x9040];
	v3 =	vadd.f32 $1.000000000e+00, v3  }
0xc0: {  	v1 =	vld [tilespmem:s9+$0x9020];
	v4 =	vadd.f32 $1.000000000e+00, v4;
	v6 =	vpop (erf)  }
0xc1: {  	v6 =	vadd.f32 $1.000000000e+00, v6;
	(erf) = vrcp.f32 v3;
	v3 =	vld [tilespmem:s9+$0x9060];
	v7 =	vpop (erf)  }
0xc2: {  	(erf) = vrcp.f32 v4;
	v4 =	vld [tilespmem:s9+$0x9000];
	v10 =	vadd.f32 $1.000000000e+00, v7;
	v7 =	vpop (erf)  }
0xc3: {  	(erf) = vrcp.f32 v6;
	v6 =	vld [tilespmem:s9+$0x9010];
	v8 =	vpop (erf)  }
0xc4: {  	s10 =	simm.s32 $0x400;
	s14 =	simm.s32 $0x200;
	v7 =	vadd.f32 $1.000000000e+00, v7;
	(erf) = vrcp.f32 v10;
	v8 =	vmul.f32 v8, v5;
	v5 =	vld [tilespmem:s9+$0x9070];
	v9 =	vpop (erf)  }
.LBB2_6:
0xc5: {  	p0 =	sne.s32 s10, $0x7E00  }
0xc6: {  	s15 =	sshra.s32 s14, $0x2;
	v10 =	vld [tilespmem:s9+$0x9030];
	v9 =	vadd.f32 $1.000000000e+00, v9;
	(erf) = vrcp.f32 v7;
	v7 =	vpop (erf);
	s14 =	smov.u32 s10;
	s10 =	sadd.s32 $0x200, s10  }
0xc7: {  	v11 =	vld [tilespmem:s15+$0x7050];
	v7 =	vadd.f32 $1.000000000e+00, v7;
	[tilespmem:s9+$0x5050] =	vst v8  }
0xc8: {  	v8 =	vld [tilespmem:s15+$0x5050];
	(erf) = vrcp.f32 v9  }
0xc9: {  	v9 =	vld [tilespmem:s15+$0x7040];
	(erf) = vrcp.f32 v7  }
0xca: {  	v7 =	vld [tilespmem:s15+$0x7020];
	v12 =	vpop (erf)  }
0xcb: {  	v13 =	vld [tilespmem:s15+$0x7030];
	v2 =	vmul.f32 v12, v2;
	v12 =	vpop (erf)  }
0xcc: {  	v14 =	vld [tilespmem:s15+$0x7000];
	v16 =	vmul.f32 v12, v10;
	v12 =	vpop (erf)  }
0xcd: {  	v15 =	vld [tilespmem:s15+$0x7010];
	v8 =	vadd.f32 v11, v8;
	v12 =	vmul.f32 v12, v6;
	[tilespmem:s9+$0x5040] =	vst v2  }
0xce: {  	v2 =	vld [tilespmem:s15+$0x5040];
	[tilespmem:s9+$0x5030] =	vst v16;
	v10 =	vpop (erf)  }
0xcf: {  	v11 =	vld [tilespmem:s15+$0x5030];
	v8 =	vsub.f32 $0.0e+00, v8;
	[tilespmem:s9+$0x5010] =	vst v12;
	v12 =	vmul.f32 v10, v5;
	v6 =	vpop (erf)  }
0xd0: {  	v10 =	vld [tilespmem:s15+$0x5010];
	v16 =	vmul.f32 v6, v4  }
0xd1: {  	v6 =	vmul.f32 $1.442695020e+00, v8;
	v8 =	vld [tilespmem:s15+$0x7070];
	[tilespmem:s9+$0x5070] =	vst v12;
	v5 =	vpop (erf)  }
0xd2: {  	v12 =	vld [tilespmem:s15+$0x5070];
	[tilespmem:s9+$0x5000] =	vst v16;
	v3 =	vmul.f32 v5, v3;
	v4 =	vpop (erf)  }
0xd3: {  	v5 =	vld [tilespmem:s15+$0x5000];
	v2 =	vadd.f32 v9, v2;
	(erf) = vpow2.f32 v6;
	v1 =	vmul.f32 v4, v1  }
0xd4: {  	v4 =	vadd.f32 v13, v11;
	v6 =	vld [tilespmem:s15+$0x7060];
	[tilespmem:s9+$0x5060] =	vst v3  }
0xd5: {  	v3 =	vadd.f32 v15, v10;
	v2 =	vsub.f32 $0.0e+00, v2;
	v9 =	vld [tilespmem:s15+$0x5060];
	[tilespmem:s9+$0x5020] =	vst v1;
	s9 =	smov.u32 s15  }
0xd6: {  	v1 =	vld [tilespmem:s9+$0x5020];
	v4 =	vsub.f32 $0.0e+00, v4  }
0xd7: {  	v3 =	vsub.f32 $0.0e+00, v3;
	v10 =	vmul.f32 $1.442695020e+00, v2;
	v2 =	vld [tilespmem:s9+$0x9040];
	v8 =	vadd.f32 v8, v12  }
0xd8: {  	v5 =	vadd.f32 v14, v5;
	v4 =	vmul.f32 $1.442695020e+00, v4  }
0xd9: {  	v3 =	vmul.f32 $1.442695020e+00, v3;
	v8 =	vsub.f32 $0.0e+00, v8;
	(erf) = vpow2.f32 v10  }
0xda: {  	v5 =	vsub.f32 $0.0e+00, v5;
	v9 =	vadd.f32 v6, v9;
	(erf) = vpow2.f32 v4  }
0xdb: {  	v1 =	vadd.f32 v7, v1;
	v4 =	vmul.f32 $1.442695020e+00, v8;
	(erf) = vpow2.f32 v3  }
0xdc: {  	v3 =	vmul.f32 $1.442695020e+00, v5;
	v5 =	vsub.f32 $0.0e+00, v9;
	v6 =	vpop (erf)  }
0xdd: {  	v1 =	vsub.f32 $0.0e+00, v1;
	v6 =	vadd.f32 $1.000000000e+00, v6;
	(erf) = vpow2.f32 v4  }
0xde: {  	v4 =	vmul.f32 $1.442695020e+00, v5;
	(erf) = vpow2.f32 v3  }
0xdf: {  	v3 =	vmul.f32 $1.442695020e+00, v1;
	(erf) = vrcp.f32 v6  }
0xe0: {  	(erf) = vpow2.f32 v4  }
0xe1: {  	(erf) = vpow2.f32 v3  }
0xe2: {  	v1 =	vpop (erf)  }
0xe3: {  	v3 =	vadd.f32 $1.000000000e+00, v1;
	v5 =	vld [tilespmem:s9+$0x9050];
	v1 =	vpop (erf)  }
0xe4: {  	v4 =	vadd.f32 $1.000000000e+00, v1;
	v1 =	vpop (erf)  }
.Ltmp6:
0xe5: {  	v6 =	vadd.f32 $1.000000000e+00, v1;
	v1 =	vld [tilespmem:s9+$0x9020];
	(erf) = vrcp.f32 v3;
	(pc) =	sbr.rel @p0 .LBB2_6-.Ltmp6, $4  }
0xe6: {  	v3 =	vld [tilespmem:s9+$0x9060];
	(erf) = vrcp.f32 v4;
	v7 =	vpop (erf)  }
0xe7: {  	v4 =	vld [tilespmem:s9+$0x9000];
	v10 =	vadd.f32 $1.000000000e+00, v7;
	v7 =	vpop (erf);
	(erf) = vrcp.f32 v6  }
0xe8: {  	v7 =	vadd.f32 $1.000000000e+00, v7;
	v6 =	vld [tilespmem:s9+$0x9010];
	v8 =	vpop (erf)  }
0xe9: {  	v8 =	vmul.f32 v8, v5;
	v5 =	vld [tilespmem:s9+$0x9070];
	v9 =	vpop (erf);
	(erf) = vrcp.f32 v10  }
0xea: {  	_ =	sdelay $0x1  }
0xeb: {  	s10 =	sshra.s32 s14, $0x2;
	v10 =	vld [tilespmem:s9+$0x9030]  }
0xec: {  	v13 =	vpop (erf);
	v11 =	vld [tilespmem:s10+$0x7050];
	[tilespmem:s9+$0x5050] =	vst v8  }
0xed: {  	(erf) = vrcp.f32 v7;
	v9 =	vadd.f32 $1.000000000e+00, v9;
	v8 =	vld [tilespmem:s10+$0x5050];
	v38 =	vpop (erf)  }
0xee: {  	v40 =	vadd.f32 $1.000000000e+00, v13;
	v12 =	vld [tilespmem:s10+$0x7040];
	v2 =	vmul.f32 v38, v2  }
0xef: {  	v14 =	vld [tilespmem:s10+$0x7020];
	(erf) = vrcp.f32 v9  }
0xf0: {  	v15 =	vld [tilespmem:s10+$0x7030];
	(erf) = vrcp.f32 v40  }
0xf1: {  	v39 =	vld [tilespmem:s10+$0x7000];
	v16 =	vpop (erf)  }
0xf2: {  	v17 =	vld [tilespmem:s10+$0x7010];
	v10 =	vmul.f32 v16, v10;
	[tilespmem:s9+$0x5040] =	vst v2;
	v2 =	vpop (erf)  }
0xf3: {  	v2 =	vmul.f32 v2, v6  }
0xf4: {  	v41 =	vld [tilespmem:s10+$0x5040];
	[tilespmem:s9+$0x5030] =	vst v10;
	v43 =	vpop (erf)  }
0xf5: {  	v8 =	vadd.f32 v11, v8;
	v42 =	vld [tilespmem:s10+$0x5030];
	[tilespmem:s9+$0x5010] =	vst v2;
	v2 =	vmul.f32 v43, v5  }
0xf6: {  	v45 =	vpop (erf);
	v44 =	vld [tilespmem:s10+$0x5010]  }
0xf7: {  	v4 =	vmul.f32 v45, v4;
	v10 =	vld [tilespmem:s10+$0x7070];
	[tilespmem:s9+$0x5070] =	vst v2;
	v2 =	vsub.f32 $0.0e+00, v8  }
0xf8: {  	v47 =	vpop (erf)  }
0xf9: {  	v3 =	vmul.f32 v47, v3;
	v48 =	vpop (erf);
	v46 =	vld [tilespmem:s10+$0x5070];
	[tilespmem:s9+$0x5000] =	vst v4;
	v2 =	vmul.f32 $1.442695020e+00, v2  }
0xfa: {  	v1 =	vmul.f32 v48, v1;
	v4 =	vld [tilespmem:s10+$0x5000]  }
0xfb: {  	v49 =	vld [tilespmem:s10+$0x7060];
	[tilespmem:s9+$0x5060] =	vst v3;
	(erf) = vpow2.f32 v2;
	v2 =	vadd.f32 v12, v41  }
0xfc: {  	v3 =	vadd.f32 v15, v42;
	v50 =	vld [tilespmem:s10+$0x5060];
	[tilespmem:s9+$0x5020] =	vst v1;
	v5 =	vadd.f32 v17, v44  }
0xfd: {  	v1 =	vsub.f32 $0.0e+00, v2;
	v2 =	vld [tilespmem:s10+$0x5020]  }
0xfe: {  	v3 =	vsub.f32 $0.0e+00, v3;
	v5 =	vsub.f32 $0.0e+00, v5  }
0xff: {  	v8 =	vadd.f32 v10, v46;
	v1 =	vmul.f32 $1.442695020e+00, v1  }
0x100: {  	v3 =	vmul.f32 $1.442695020e+00, v3;
	v4 =	vadd.f32 v39, v4;
	v5 =	vmul.f32 $1.442695020e+00, v5  }
0x101: {  	v51 =	vsub.f32 $0.0e+00, v8;
	v52 =	vadd.f32 v49, v50;
	(erf) = vpow2.f32 v1  }
0x102: {  	v1 =	vsub.f32 $0.0e+00, v4;
	(erf) = vpow2.f32 v3;
	v2 =	vadd.f32 v14, v2  }
0x103: {  	v4 =	vsub.f32 $0.0e+00, v52;
	v3 =	vmul.f32 $1.442695020e+00, v51;
	(erf) = vpow2.f32 v5  }
0x104: {  	v1 =	vmul.f32 $1.442695020e+00, v1;
	v53 =	vpop (erf);
	v2 =	vsub.f32 $0.0e+00, v2  }
0x105: {  	(erf) = vpow2.f32 v3;
	v3 =	vmul.f32 $1.442695020e+00, v4;
	v5 =	vadd.f32 $1.000000000e+00, v53  }
0x106: {  	(erf) = vpow2.f32 v1;
	v1 =	vmul.f32 $1.442695020e+00, v2  }
0x107: {  	(erf) = vrcp.f32 v5  }
0x108: {  	(erf) = vpow2.f32 v3  }
0x109: {  	(erf) = vpow2.f32 v1  }
0x10a: {  	v1 =	vpop (erf)  }
0x10b: {  	v2 =	vpop (erf);
	v1 =	vadd.f32 $1.000000000e+00, v1  }
0x10c: {  	v3 =	vpop (erf)  }
0x10d: {  	v3 =	vadd.f32 $1.000000000e+00, v3  }
0x10e: {  	v2 =	vadd.f32 $1.000000000e+00, v2;
	v54 =	vpop (erf);
	(erf) = vrcp.f32 v1  }
0x10f: {  	v1 =	vpop (erf)  }
0x110: {  	(erf) = vrcp.f32 v2;
	v2 =	vadd.f32 $1.000000000e+00, v54;
	v55 =	vpop (erf)  }
0x111: {  	(erf) = vrcp.f32 v3;
	v1 =	vadd.f32 $1.000000000e+00, v1;
	v3 =	vpop (erf)  }
0x112: {  	(erf) = vrcp.f32 v2;
	v2 =	vadd.f32 $1.000000000e+00, v3;
	v3 =	vpop (erf)  }
0x113: {  	(erf) = vrcp.f32 v1;
	v1 =	vadd.f32 $1.000000000e+00, v3;
	v3 =	vld [tilespmem:s10+$0x9040]  }
0x114: {  	v56 =	vld [tilespmem:s10+$0x9050]  }
0x115: {  	(erf) = vrcp.f32 v2  }
0x116: {  	v2 =	vld [tilespmem:s10+$0x9030];
	(erf) = vrcp.f32 v1  }
0x117: {  	v1 =	vld [tilespmem:s10+$0x9010];
	v59 =	vpop (erf)  }
0x118: {  	v57 =	vld [tilespmem:s10+$0x9070];
	v3 =	vmul.f32 v59, v3  }
0x119: {  	v58 =	vld [tilespmem:s10+$0x9000];
	v4 =	vmul.f32 v55, v56  }
0x11a: {  	v60 =	vld [tilespmem:s10+$0x9060];
	v61 =	vpop (erf)  }
0x11b: {  	v62 =	vld [tilespmem:s10+$0x9020];
	[tilespmem:s10+$0x5050] =	vst v4;
	v63 =	vpop (erf);
	v2 =	vmul.f32 v61, v2  }
0x11c: {  	v1 =	vmul.f32 v63, v1;
	[tilespmem:s10+$0x5040] =	vst v3;
	v3 =	vpop (erf)  }
0x11d: {  	[tilespmem:s10+$0x5030] =	vst v2;
	v2 =	vmul.f32 v3, v57;
	v3 =	vpop (erf)  }
0x11e: {  	[tilespmem:s10+$0x5010] =	vst v1;
	v1 =	vmul.f32 v3, v58;
	v3 =	vpop (erf)  }
0x11f: {  	[tilespmem:s10+$0x5070] =	vst v2;
	v2 =	vmul.f32 v3, v60;
	v3 =	vpop (erf)  }
0x120: {  	[tilespmem:s10+$0x5000] =	vst v1;
	v1 =	vmul.f32 v3, v62  }
0x121: {  	[tilespmem:s10+$0x5060] =	vst v2  }
.Ltmp7:
0x122: {  	[tilespmem:s10+$0x5020] =	vst v1;
	(pc) =	sbr.rel .LBB2_8-.Ltmp7, $4  }
0x123: {  	[spmem:s13] =	stream.indirect.scatter.add.f32 [tilespmem:s31], [sflag:$0x2], $0x80, s8, s1, $0xb8;
	[tilespmem:$0x1EC00] =	vst v63  }
0x124: {  	_ =	swait.ge [sflag:s12], $0x2000  }
0x125: {  	[sflag:s12] =	ssyncset.done $0x0  }
0x126: {  	[sflag:s12] =	ssyncadd.s32 $0xFFFFE000  }
.LBB2_10:
0x127: {  	_ =	sfence.sel $0x180000  }
0x128: {  	[bflag:$0x0] =	sbarrier.arrive $0xFFFF  }
0x129: {  	_ =	strace $0x90000047  }
0x12a: {  	s0 =	stileid.u32;
	[bflag:$0x2] =	sbarrier.arrive $0xFFFF  }
0x12b: {  	p0 =	sne.s32 s0, $0x0;
	s0 =	rddreg [dreg:$0x4]  }
0x12c: {  	s0 =	sadd.s32 @!p0 $0x100000, s0  }
0x12d: {  	[sflag:s0] =	ssyncadd.tile.s32 @!p0 $0x1;
	_ =	shalt  }
.Lfunc_end2:
_tile_overlayer_lowered:
.L_overlay_start_2:
0x12e: {  	(tag) =	ssettag $0x2  }
0x12f: {  	s0 =	rddreg [dreg:$0x0];
	s2 =	stileid.u32  }
0x130: {  	s1 =	rddreg [dreg:$0x1];
	p0 =	sne.s32 s2, $0x0  }
0x131: {  	s3 =	rddreg [dreg:$0x2];
	[bflag:$0x3] =	sbarrier.arrive $0xFFFF;
	s2 =	simm.s32 @!p0 $0x1C02  }
0x132: {  	[timem:s3], [sflag:s2] =	dma.local @!p0 [hbm:s0], s1  }
0x133: {  	s0 =	simm.s32 @!p0 $0x2  }
0x134: {  	_ =	swait.ge @!p0 [sflag:s0], s1  }
0x135: {  	s1 =	ssub.s32 @!p0 $0x0, s1;
	[sflag:s0] =	ssyncset.done @!p0 $0x0  }
0x136: {  	[sflag:s0] =	ssyncadd.s32 @!p0 s1  }
0x137: {  	[bflag:$0x3] =	sbarrier.arrive $0xFFFF  }
0x138: {  	_ =	shalt  }

// kernel: kernel.7.cloned.1.call-start
scs
__scs_entry_jumppad:
0x0: {  	(pc) =	sbr.rel $0x88, $3  }
0x1: {  	(tag) =	ssettag $0x0;
	lr =	simm.s32 $0x1  }
0x2: {  	[smem:$0x3F9A] =	sst lr;
	_ =	strace $0xD0000000  }
0x3: {  	_ = 	snop  }
0x4: {  	_ = 	snop  }
0x5: {  	_ = 	snop  }
0x6: {  	_ = 	snop  }
0x7: {  	_ = 	snop  }
__scs_overlays_trampoline_lowered:
0x8: {  	[smem:$0x3FA9] =	sst s0  }
0x9: {  	[smem:$0x3FAA] =	sst s1  }
0xa: {  	[smem:$0x3FAB] =	sst s2  }
0xb: {  	[smem:$0x3FAC] =	sst s3  }
0xc: {  	[smem:$0x3FAD] =	sst s4  }
0xd: {  	[smem:$0x3FAE] =	sst s5  }
0xe: {  	[smem:$0x3FAF] =	sst s6  }
0xf: {  	[smem:$0x3FB0] =	sst s7  }
0x10: {  	[smem:$0x3FB1] =	sst s8  }
0x11: {  	[smem:$0x3FB2] =	sst s9;
	s0 =	simm.s32 @!p0 $0x0  }
0x12: {  	s1 =	sld [smem:$0x3F98];
	s0 =	simm.s32 @p0 $0x1  }
0x13: {  	[smem:$0x3FB3] =	sst s0;
	s0 =	simm.s32 @!p1 $0x0  }
0x14: {  	s2 =	sld [smem:$0x3F97];
	s0 =	simm.s32 @p1 $0x1  }
0x15: {  	[smem:$0x3FB4] =	sst s0;
	s0 =	simm.s32 @!p2 $0x0  }
0x16: {  	s3 =	sld [smem:$0x3FDB];
	s0 =	simm.s32 @p2 $0x1  }
0x17: {  	s4 =	simm.s32 $0x1BF5;
	[smem:$0x3FB6] =	sst s0  }
0x18: {  	s0 =	sld [smem:$0x3F99];
	_ =	swait.ge [sflag:s4], $0x0  }
0x19: {  	s7 =	sld [smem:$0x3F9A]  }
0x1a: {  	s8 =	sadd.s32 $0xFFFFE003, lr  }
0x1b: {  	s9 =	sadd.s32 $0xFFFFFEF7, lr;
	s5 =	simm.s32 $0xFFFFFFFF;
	p2 =	slt.u32 s8, $0xFFFFF086  }
0x1c: {  	p1 =	slt.u32 s9, $0xF7A;
	s5 =	simm.s32 @!p2 $0x0  }
0x1d: {  	s5 =	simm.s32 @p1 $0x1;
	p0 =	seq.s32 s7, s2  }
0x1e: {  	s7 =	smul.u32 @!p0 $0xF7A, s2;
	p2 =	seq.s32 @!p0 s5, $0x0  }
0x1f: {  	s9 =	smul.u32 $0xF7A, s1;
	s8 =	simm.s32 @!p0 $0x1BF5;
	p2 =	por !p2, p0  }
0x20: {  	[sflag:s8] =	ssyncset.s32 @!p0 $0xFFFFF086;
	s6 =	sadd.s32 @!p0 s3, s7;
	s7 =	simm.s32 @!p0 $0x108  }
0x21: {  	s3 =	sadd.s32 s3, s9;
	s6 =	sadd.s32 @!p0 $0x88, s6;
	s7 =	simm.s32 @p2 $0x1082  }
0x22: {  	[simem:s7], [sflag:s8] =	dma.local @!p0 [hbm:s6], $0xF7A  }
0x23: {  	s9 =	sor.u32 $0xD0000000, s2;
	s6 =	simm.s32 $0x108;
	_ =	swait.ge @!p0 [sflag:s8], $0x0  }
0x24: {  	s3 =	sadd.s32 $0x88, s3;
	s6 =	simm.s32 @!p1 $0x1082;
	[sflag:s4] =	ssyncset.s32 $0xFFFFF086  }
0x25: {  	[simem:s6], [sflag:s4] =	dma.local [hbm:s3], $0xF7A  }
0x26: {  	[smem:$0x3F9A] =	sst s1;
	(tag) =	ssettag s2;
	_ =	strace s9  }
0x27: {  	s1 =	sld [smem:$0x3FAA]  }
0x28: {  	s2 =	sld [smem:$0x3FAB]  }
0x29: {  	s4 =	sld [smem:$0x3FAD]  }
0x2a: {  	p0 =	seq.s32 s5, $0x0;
	s5 =	sld [smem:$0x3FAE]  }
0x2b: {  	s6 =	sld [smem:$0x3FAF]  }
0x2c: {  	s7 =	sld [smem:$0x3FB0]  }
0x2d: {  	s3 =	simm.s32 $0x108;
	s8 =	sld [smem:$0x3FB1]  }
0x2e: {  	s3 =	simm.s32 @!p0 $0x1082;
	s9 =	sld [smem:$0x3FB2]  }
0x2f: {  	lr =	sadd.s32 s0, s3;
	s0 =	sld [smem:$0x3FA9]  }
0x30: {  	s3 =	sld [smem:$0x3FAC]  }
0x31: {  	[smem:$0x3FB5] =	sst s10  }
0x32: {  	s10 =	sld [smem:$0x3FB3];
	_ =	sdelay $0x3  }
0x33: {  	p0 =	seq.s32 s10, $0x1;
	s10 =	sld [smem:$0x3FB5];
	_ =	sdelay $0x3  }
0x34: {  	[smem:$0x3FB5] =	sst s10  }
0x35: {  	s10 =	sld [smem:$0x3FB4];
	_ =	sdelay $0x3  }
0x36: {  	p1 =	seq.s32 s10, $0x1;
	s10 =	sld [smem:$0x3FB5];
	_ =	sdelay $0x3  }
0x37: {  	[smem:$0x3FB5] =	sst s10  }
0x38: {  	s10 =	sld [smem:$0x3FB6]  }
0x39: {  	_ = 	snop;
	(pc) =	sbr.ind lr, $3  }
0x3a: {  	_ = 	snop  }
0x3b: {  	_ = 	snop  }
0x3c: {  	p2 =	seq.s32 s10, $0x1;
	s10 =	sld [smem:$0x3FB5]  }
0x3d: {  	_ =	shalt  }
0x3e: {  	_ =	shalt  }
0x3f: {  	_ =	shalt  }
0x40: {  	_ =	shalt  }
0x41: {  	_ =	shalt  }
0x42: {  	_ =	shalt  }
0x43: {  	_ =	shalt  }
0x44: {  	_ =	shalt  }
0x45: {  	_ =	shalt  }
0x46: {  	_ =	shalt  }
0x47: {  	_ =	shalt  }
0x48: {  	_ =	shalt  }
0x49: {  	_ =	shalt  }
0x4a: {  	_ =	shalt  }
0x4b: {  	_ =	shalt  }
0x4c: {  	_ =	shalt  }
0x4d: {  	_ =	shalt  }
0x4e: {  	_ =	shalt  }
0x4f: {  	_ =	shalt  }
0x50: {  	_ =	shalt  }
0x51: {  	_ =	shalt  }
0x52: {  	_ =	shalt  }
0x53: {  	_ =	shalt  }
0x54: {  	_ =	shalt  }
0x55: {  	_ =	shalt  }
0x56: {  	_ =	shalt  }
0x57: {  	_ =	shalt  }
0x58: {  	_ =	shalt  }
0x59: {  	_ =	shalt  }
0x5a: {  	_ =	shalt  }
0x5b: {  	_ =	shalt  }
0x5c: {  	_ =	shalt  }
0x5d: {  	_ =	shalt  }
0x5e: {  	_ =	shalt  }
0x5f: {  	_ =	shalt  }
0x60: {  	_ =	shalt  }
0x61: {  	_ =	shalt  }
0x62: {  	_ =	shalt  }
0x63: {  	_ =	shalt  }
0x64: {  	_ =	shalt  }
0x65: {  	_ =	shalt  }
0x66: {  	_ =	shalt  }
0x67: {  	_ =	shalt  }
0x68: {  	_ =	shalt  }
0x69: {  	_ =	shalt  }
0x6a: {  	_ =	shalt  }
0x6b: {  	_ =	shalt  }
0x6c: {  	_ =	shalt  }
0x6d: {  	_ =	shalt  }
0x6e: {  	_ =	shalt  }
0x6f: {  	_ =	shalt  }
0x70: {  	_ =	shalt  }
0x71: {  	_ =	shalt  }
0x72: {  	_ =	shalt  }
0x73: {  	_ =	shalt  }
0x74: {  	_ =	shalt  }
0x75: {  	_ =	shalt  }
0x76: {  	_ =	shalt  }
0x77: {  	_ =	shalt  }
0x78: {  	_ =	shalt  }
0x79: {  	_ =	shalt  }
0x7a: {  	_ =	shalt  }
0x7b: {  	_ =	shalt  }
0x7c: {  	_ =	shalt  }
0x7d: {  	_ =	shalt  }
0x7e: {  	_ =	shalt  }
0x7f: {  	_ =	shalt  }
0x80: {  	_ =	shalt  }
0x81: {  	_ =	shalt  }
0x82: {  	_ =	shalt  }
0x83: {  	_ =	shalt  }
0x84: {  	_ =	shalt  }
0x85: {  	_ =	shalt  }
0x86: {  	_ =	shalt  }
0x87: {  	_ =	shalt  }
.Lfunc_end0:
.L_simem_size_0:
called_computation_lowered:
.L_overlay_start_0:
0x88: {  	s2 =	sld [smem:$0x3FD9]  }
0x89: {  	s3 =	sld [smem:$0x3FFE];
	_ =	sdelay $0x1  }
0x8a: {  	s1 =	srdreg.scid  }
0x8b: {  	s0 =	sand.u32 $0x1, s1  }
0x8c: {  	s17 =	sshll.u32 s0, $0xA;
	s2 =	sadd.s32 s3, s2  }
0x8d: {  	s2 =	sadd.s32 s2, s17  }
0x8e: {  	[smem:$0x3FC1] =	sst s2  }
0x8f: {  	_ = 	snop  }
0x90: {  	s18 =	sld [smem:$0x3FC8];
	(tm) =	ssettm $0x1  }
0x91: {  	s19 =	sld [smem:$0x3FFB];
	_ =	sdelay $0x3  }
0x92: {  	_ =	strace s19  }
0x93: {  	s2 =	sld [smem:$0x3FFC];
	_ =	sdelay $0x3  }
0x94: {  	_ =	strace s2  }
0x95: {  	s2 =	sld [smem:$0x3FFD];
	_ =	sdelay $0x3  }
0x96: {  	_ =	strace s2  }
0x97: {  	_ =	strace $0x8FFFFFFF  }
0x98: {  	s20 =	sld [smem:$0x3FDB];
	_ =	sdelay $0x1  }
0x99: {  	s4 =	simm.s32 $_scs_section_size  }
0x9a: {  	s5 =	simm.s32 $_size__tile_overlayer_lowered;
	s6 =	simm.s32 $_tile_overlayer_lowered  }
0x9b: {  	s7 =	simm.s32 $0x1BFF;
	s21 =	sshll.u32 s6, $0x1;
	s4 =	sadd.s32 s4, s20  }
0x9c: {  	s22 =	simm.s32 $0x0;
	s5 =	sshll.u32 s5, $0x1;
	s6 =	sadd.s32 s21, s4  }
0x9d: {  	[timem:s22], [sflag:s7] =	dma.local [hbm:s6], s5  }
0x9e: {  	_ =	swait.ge [sflag:s7], s5  }
0x9f: {  	s5 =	ssub.s32 $0x0, s5;
	[sflag:s7] =	ssyncset.done $0x0  }
0xa0: {  	[sflag:s7] =	ssyncadd.s32 s5;
	_ =	sdelay $0x1  }
0xa1: {  	s23 =	simm.s32 $0x1B8B  }
0xa2: {  	_ =	swait.ge [sflag:s23], $0x1  }
0xa3: {  	[sflag:s23] =	ssyncset.done $0x0  }
0xa4: {  	[sflag:s23] =	ssyncadd.s32 $0xFFFFFFFF  }
0xa5: {  	s5 =	sld [smem:$0x0]  }
0xa6: {  	s6 =	sand.u32 $0xFFFFFFFE, s1  }
0xa7: {  	p0 =	sne.s32 s1, s6  }
0xa8: {  	s6 =	sshll.u32 @p0 s6, $0xE  }
0xa9: {  	s6 =	sadd.s32 @p0 $0x11B8D, s6;
	s7 =	sshll.u32 @p0 s5, $0x11  }
0xaa: {  	s6 =	sor.u32 @p0 s7, s6  }
0xab: {  	[sflag:s6] =	ssyncadd.remote.s32 @p0 $0x1;
	_ =	sdelay $0x1  }
0xac: {  	s6 =	simm.s32 @p0 $0x1B8D  }
0xad: {  	_ =	swait.eq @p0 [sflag:s6], $0x1  }
0xae: {  	[sflag:s6] =	ssyncadd.s32 @p0 $0xFFFFFFFF  }
0xaf: {  	s7 =	sshll.u32 @!p0 s1, $0xE  }
0xb0: {  	s7 =	sor.u32 @!p0 $0x4000, s7;
	s6 =	simm.s32 @!p0 $0x1B8D  }
0xb1: {  	s5 =	sshll.u32 @!p0 s5, $0x11;
	s7 =	sadd.s32 @!p0 $0x11B8D, s7;
	_ =	swait.eq @!p0 [sflag:s6], $0x1  }
0xb2: {  	s5 =	sor.u32 @!p0 s5, s7;
	[sflag:s6] =	ssyncadd.s32 @!p0 $0xFFFFFFFF  }
0xb3: {  	s25 =	simm.s32 $0x1B8E;
	s24 =	sld [smem:$0x3FFE];
	[sflag:s5] =	ssyncadd.remote.s32 @!p0 $0x1  }
0xb4: {  	s26 =	simm.s32 $execute0_lowered;
	[smem:$0x3FD2] =	sst s25  }
0xb5: {  	s6 =	sshll.u32 s26, $0x1;
	_ =	strace $0x80000049;
	[dreg:$0x1] =	wrdreg $0xFFFFFFFF  }
0xb6: {  	s28 =	simm.s32 $_size_execute0_lowered;
	s4 =	sadd.s32 s4, s6;
	[dreg:$0x0] =	wrdreg $0x0  }
0xb7: {  	s6 =	sshll.u32 s28, $0x1;
	[dreg:$0x2] =	wrdreg s4  }
0xb8: {  	[dreg:$0x3] =	wrdreg s6  }
0xb9: {  	[dreg:$0x4] =	wrdreg $0xC0  }
0xba: {  	_ =	task [dreg:s22], $0x5FFFF  }
0xbb: {  	[dreg:$0x1] =	wrdreg $0xFFFFFFFF  }
0xbc: {  	[dreg:$0x0] =	wrdreg $0x60  }
0xbd: {  	[dreg:$0x2] =	wrdreg s18  }
0xbe: {  	[dreg:$0x3] =	wrdreg s24  }
0xbf: {  	[dreg:$0x4] =	wrdreg $0x70000  }
0xc0: {  	[dreg:$0x5] =	wrdreg $0x9  }
0xc1: {  	_ =	task.clear_ibuf [dreg:s22], $0x6FFFF;
	_ =	strace $0x90000049  }
0xc2: {  	s29 =	simm.s32 $0x9;
	_ =	strace $0x8000004B  }
0xc3: {  	_ =	swait.ge [sflag:s29], $0x1  }
0xc4: {  	[sflag:s29] =	ssyncadd.s32 $0xFFFFFFFF  }
0xc5: {  	_ =	strace $0x9000004B  }
0xc6: {  	_ =	sfence  }
0xc7: {  	s30 =	sld [smem:$0x0];
	_ =	sdelay $0x2  }
0xc8: {  	s31 =	sshll.u32 s1, $0xD;
	s1 =	sshrl.u32 s1, $0x2  }
0xc9: {  	s4 =	sand.u32 $0x4000, s31;
	s1 =	sadd.s32 s1, s30  }
0xca: {  	s0 =	sor.u32 s4, s0;
	s1 =	sshll.u32 s1, $0x11  }
0xcb: {  	s0 =	sor.u32 s1, s0  }
0xcc: {  	s0 =	sadd.s32 $0x8F2B, s0  }
0xcd: {  	[sflag:s0] =	ssyncadd.remote.s32 $0x1  }
0xce: {  	_ =	sfence.sel $0xFFFF  }
0xcf: {  	[dreg:$0x0] =	wrdreg $0xFFFFFFFF;
	(pc) =	sbr.abs _section_cstart, $3  }
0xd0: {  	[dreg:$0x1] =	wrdreg $0xFFFFFFFF  }
0xd1: {  	_ =	task.clear_ibuf [dreg:s22], $0x2FFFF;
	_ =	strace $0x9FFFFFFF  }
0xd2: {  	(tm) =	ssettm $0x7FFFFFFF  }
0xd3: {  	_ =	shalt  }
tec
execute0_lowered:
.L_overlay_start_1:
0x0: {  	(tag) =	ssettag $0x1  }
0x1: {  	s0 =	srdreg.scid;
	s2 =	rddreg [dreg:$0x0]  }
0x2: {  	s15 =	stileid.u32;
	s4 =	rddreg [dreg:$0x1];
	s29 =	simm.s32 $0x5000  }
0x3: {  	s30 =	simm.s32 $0x1;
	s0 =	sand.u32 $0x1, s0;
	s5 =	smul.u32 $0x13C00, s15  }
0x4: {  	s11 =	sadd.s32 $0x595200, s4;
	s16 =	smul.u32 $0x4F000, s15;
	s1 =	sshll.u32 s0, $0x4  }
0x5: {  	s6 =	ssub.s32 $0x2, s0;
	s10 =	smul.u32 $0x13C000, s0;
	s3 =	sor.u32 s15, s1  }
0x6: {  	s1 =	simm.s32 $0x0;
	s7 =	sshrl.u32 s6, $0x1;
	s17 =	sadd.s32 $0x2000, s5  }
0x7: {  	s18 =	sadd.s32 $0x4000, s5;
	s19 =	sadd.s32 $0x6000, s5;
	s20 =	sadd.s32 $0x8000, s5  }
0x8: {  	s21 =	sadd.s32 $0xA000, s5;
	s22 =	sadd.s32 $0xC000, s5;
	s23 =	sadd.s32 $0xE000, s5  }
0x9: {  	s24 =	sadd.s32 $0x10000, s5;
	s25 =	sadd.s32 $0x12000, s5;
	s3 =	smul.u32 $0xA00, s3  }
0xa: {  	[smem:$0x7FF] =	sst s1;
	s28 =	ssub.s32 s6, s7;
	s8 =	sadd.s32 s5, s10  }
0xb: {  	s9 =	sadd.s32 s10, s17;
	s12 =	sadd.s32 s10, s18;
	s13 =	sadd.s32 s10, s19  }
0xc: {  	s6 =	sadd.s32 s10, s20;
	s7 =	sadd.s32 s10, s21;
	s5 =	sshrl.u32 s13, $0x3  }
0xd: {  	s6 =	sshrl.u32 s6, $0x3;
	s7 =	sshrl.u32 s7, $0x3;
	s13 =	sadd.s32 s10, s25  }
0xe: {  	s28 =	smax.u32 s28, $0x1;
	s26 =	sadd.s32 s3, s4;
	s3 =	sshrl.u32 s8, $0x3  }
0xf: {  	s4 =	sshrl.u32 s12, $0x3;
	s31 =	sadd.s32 s11, s5;
	s8 =	smul.u32 $0x280000, s0  }
0x10: {  	s12 =	sadd.s32 s10, s23;
	s7 =	sadd.s32 s11, s7;
	s0 =	smul.u32 $0xA00, s0  }
0x11: {  	s13 =	sshrl.u32 s13, $0x3;
	s3 =	sadd.s32 s11, s3;
	s14 =	sadd.s32 s11, s4  }
0x12: {  	[dreg:$0x7] =	wrdreg s31;
	s4 =	sadd.s32 s11, s6;
	s5 =	sshrl.u32 s12, $0x3  }
0x13: {  	s6 =	sadd.s32 s10, s24;
	s31 =	sshrl.u32 s16, $0x2;
	[dreg:$0x4] =	wrdreg s3  }
0x14: {  	s26 =	sadd.s32 $0x50200, s26;
	s3 =	sshrl.u32 s9, $0x3;
	[dreg:$0x6] =	wrdreg s14  }
0x15: {  	[dreg:$0x8] =	wrdreg s4;
	s9 =	sadd.s32 s10, s22;
	s14 =	smul.u32 $0x28000, s15  }
0x16: {  	s2 =	sadd.s32 s8, s2;
	s12 =	sshrl.u32 s6, $0x3;
	s15 =	smul.u32 $0xA0, s15  }
0x17: {  	s3 =	sadd.s32 s11, s3;
	s9 =	sshrl.u32 s9, $0x3;
	s10 =	sadd.s32 s11, s12  }
0x18: {  	s12 =	sadd.s32 s11, s13;
	[dreg:$0x5] =	wrdreg s3;
	s8 =	sadd.s32 s11, s9  }
0x19: {  	s9 =	sadd.s32 s11, s5;
	s13 =	sadd.s32 s14, s2;
	s14 =	rddreg [dreg:$0x2]  }
0x1a: {  	s15 =	sadd.s32 s15, s0;
	_ =	strace $0x8000004A;
	s16 =	sadd.s32 s31, s14  }
0x1b: {  	s17 =	sadd.s32 s17, s14;
	s18 =	sadd.s32 s18, s14;
	s19 =	sadd.s32 s19, s14  }
0x1c: {  	s20 =	sadd.s32 s20, s14;
	s21 =	sadd.s32 s21, s14;
	s22 =	sadd.s32 s22, s14  }
0x1d: {  	v0 =	vimm.f32 $0.0e+00;
	s23 =	sadd.s32 s23, s14;
	s24 =	sadd.s32 s24, s14;
	s25 =	sadd.s32 s25, s14  }
.LBB2_1:
0x1e: {  	s0 =	simm.s32 $0x0;
	s2 =	simm.s32 $0x200  }
.LBB2_2:
0x1f: {  	p0 =	sne.s32 s2, $0x7E00;
	[tilespmem:s0+$0x5070] =	vst v0  }
0x20: {  	[tilespmem:s0+$0x5000] =	vst v0  }
0x21: {  	[tilespmem:s0+$0x5010] =	vst v0  }
.Ltmp0:
0x22: {  	[tilespmem:s0+$0x5020] =	vst v0;
	(pc) =	sbr.rel @p0 .LBB2_2-.Ltmp0, $4  }
0x23: {  	[tilespmem:s0+$0x5030] =	vst v0  }
0x24: {  	[tilespmem:s0+$0x5040] =	vst v0  }
0x25: {  	[tilespmem:s0+$0x5050] =	vst v0  }
0x26: {  	[tilespmem:s0+$0x5060] =	vst v0;
	s0 =	sshra.s32 s2, $0x2;
	s2 =	sadd.s32 $0x200, s2  }
0x27: {  	[tilespmem:s0+$0x5070] =	vst v0  }
0x28: {  	[tilespmem:s0+$0x5000] =	vst v0  }
0x29: {  	[tilespmem:s0+$0x5010] =	vst v0  }
0x2a: {  	[tilespmem:s0+$0x5020] =	vst v0  }
0x2b: {  	[tilespmem:s0+$0x5030] =	vst v0  }
0x2c: {  	[tilespmem:s0+$0x5040] =	vst v0  }
0x2d: {  	[tilespmem:s0+$0x5050] =	vst v0  }
0x2e: {  	[tilespmem:s0+$0x5060] =	vst v0  }
0x2f: {  	[spmem:s16] =	stream.linear.scatter [tilespmem:s29], [sflag:$0x1], $0x2000, $0x38;
	[tilespmem:$0x1AC00] =	vst v63  }
0x30: {  	_ =	swait.ge [sflag:s30], $0x2000  }
0x31: {  	[sflag:s30] =	ssyncset.done $0x0  }
0x32: {  	[sflag:s30] =	ssyncadd.s32 $0xFFFFE000  }
0x33: {  	[spmem:s17] =	stream.linear.scatter [tilespmem:s29], [sflag:$0x1], $0x2000, $0x38;
	[tilespmem:$0x1AC00] =	vst v63  }
0x34: {  	_ =	swait.ge [sflag:s30], $0x2000  }
0x35: {  	[sflag:s30] =	ssyncset.done $0x0  }
0x36: {  	[sflag:s30] =	ssyncadd.s32 $0xFFFFE000  }
0x37: {  	[spmem:s18] =	stream.linear.scatter [tilespmem:s29], [sflag:$0x1], $0x2000, $0x38;
	[tilespmem:$0x1AC00] =	vst v63  }
0x38: {  	_ =	swait.ge [sflag:s30], $0x2000  }
0x39: {  	[sflag:s30] =	ssyncset.done $0x0  }
0x3a: {  	[sflag:s30] =	ssyncadd.s32 $0xFFFFE000  }
0x3b: {  	[spmem:s19] =	stream.linear.scatter [tilespmem:s29], [sflag:$0x1], $0x2000, $0x38;
	[tilespmem:$0x1AC00] =	vst v63  }
0x3c: {  	_ =	swait.ge [sflag:s30], $0x2000  }
0x3d: {  	[sflag:s30] =	ssyncset.done $0x0  }
0x3e: {  	[sflag:s30] =	ssyncadd.s32 $0xFFFFE000  }
0x3f: {  	[spmem:s20] =	stream.linear.scatter [tilespmem:s29], [sflag:$0x1], $0x2000, $0x38;
	[tilespmem:$0x1AC00] =	vst v63  }
0x40: {  	_ =	swait.ge [sflag:s30], $0x2000  }
0x41: {  	[sflag:s30] =	ssyncset.done $0x0  }
0x42: {  	[sflag:s30] =	ssyncadd.s32 $0xFFFFE000  }
0x43: {  	[spmem:s21] =	stream.linear.scatter [tilespmem:s29], [sflag:$0x1], $0x2000, $0x38;
	[tilespmem:$0x1AC00] =	vst v63  }
0x44: {  	_ =	swait.ge [sflag:s30], $0x2000  }
0x45: {  	[sflag:s30] =	ssyncset.done $0x0  }
0x46: {  	[sflag:s30] =	ssyncadd.s32 $0xFFFFE000  }
0x47: {  	[spmem:s22] =	stream.linear.scatter [tilespmem:s29], [sflag:$0x1], $0x2000, $0x38;
	[tilespmem:$0x1AC00] =	vst v63  }
0x48: {  	_ =	swait.ge [sflag:s30], $0x2000  }
0x49: {  	[sflag:s30] =	ssyncset.done $0x0  }
0x4a: {  	[sflag:s30] =	ssyncadd.s32 $0xFFFFE000  }
0x4b: {  	[spmem:s23] =	stream.linear.scatter [tilespmem:s29], [sflag:$0x1], $0x2000, $0x38;
	[tilespmem:$0x1AC00] =	vst v63  }
0x4c: {  	_ =	swait.ge [sflag:s30], $0x2000  }
0x4d: {  	[sflag:s30] =	ssyncset.done $0x0  }
0x4e: {  	[sflag:s30] =	ssyncadd.s32 $0xFFFFE000  }
0x4f: {  	[spmem:s24] =	stream.linear.scatter [tilespmem:s29], [sflag:$0x1], $0x2000, $0x38;
	[tilespmem:$0x1AC00] =	vst v63  }
0x50: {  	_ =	swait.ge [sflag:s30], $0x2000  }
0x51: {  	[sflag:s30] =	ssyncset.done $0x0  }
0x52: {  	[sflag:s30] =	ssyncadd.s32 $0xFFFFE000  }
0x53: {  	[spmem:s25] =	stream.linear.scatter [tilespmem:s29], [sflag:$0x1], $0x1C00, $0x38;
	[tilespmem:$0x1AC00] =	vst v63  }
0x54: {  	_ =	swait.ge [sflag:s30], $0x1C00  }
0x55: {  	[sflag:s30] =	ssyncset.done $0x0  }
0x56: {  	[sflag:s30] =	ssyncadd.s32 $0xFFFFE400  }
0x57: {  	s2 =	simm.s32 $0x0;
	s11 =	sadd.s32 $0x0, s15;
	[bflag:$0x0] =	sbarrier.arrive $0xFFFF  }
0x58: {  	[tilespmem:s2], [sflag:$0x1] =	stream.linear.gather [hbm4b:s26+s2], $0x5000, $0x38;
	[tilespmem:$0x1AC00] =	vst v63  }
0x59: {  	p1 =	sgt.u32 s11, $0x1387;
	_ =	swait.ge [sflag:s30], $0x5000  }
0x5a: {  	p0 =	por p1, p1;
	s0 =	simm.s32 @!p1 $0x0;
	[sflag:s30] =	ssyncset.done $0x0  }
0x5b: {  	s11 =	simm.s32 @!p1 $0x5000;
	s31 =	simm.s32 @!p0 $0x2;
	[sflag:s30] =	ssyncadd.s32 $0xFFFFB000  }
0x5c: {  	[tilespmem:s11], [sflag:$0x2] =	stream.linear.gather @!p0 [hbm4b:s13+s0], $0x2000, $0x38;
	[tilespmem:$0x1AC00] =	vst v63  }
0x5d: {  	_ =	swait.ge @!p0 [sflag:s31], $0x2000  }
0x5e: {  	[sflag:s31] =	ssyncset.done @!p0 $0x0  }
0x5f: {  	s0 =	simm.s32 $0x2;
	[sflag:s31] =	ssyncadd.s32 @!p0 $0xFFFFE000;
	s31 =	simm.s32 @!p0 $0x40  }
0x60: {  	[spmem:s14] =	stream.indirect.scatter.add.f32 @!p0 [tilespmem:s11], [sflag:$0x1], $0x80, s2, s31, $0xb8;
	[tilespmem:$0x1AC00] =	vst v63  }
0x61: {  	s2 =	simm.s32 @!p0 $0x1;
	s11 =	sadd.s32 $0x400, s13;
	s31 =	sadd.s32 $0x1, s15  }
0x62: {  	p1 =	sgt.u32 s31, $0x1387;
	_ =	swait.ge @!p0 [sflag:s2], $0x2000;
	s31 =	simm.s32 $0x80  }
.LBB2_4:
0x63: {  	s3 =	simm.s32 @!p1 $0x0  }
0x64: {  	s4 =	simm.s32 @!p1 $0x5000;
	[sflag:s2] =	ssyncset.done @!p0 $0x0;
	s5 =	smov.u32 s0  }
0x65: {  	p2 =	por p0, p0;
	p0 =	por p1, p1;
	s0 =	sadd.s32 $0x1, s0  }
0x66: {  	s6 =	simm.s32 @!p0 $0x2;
	[sflag:s2] =	ssyncadd.s32 @!p2 $0xFFFFE000;
	p2 =	sne.s32 s0, $0xA0  }
0x67: {  	[tilespmem:s4], [sflag:$0x2] =	stream.linear.gather @!p0 [hbm4b:s11+s3], $0x2000, $0x38;
	[tilespmem:$0x1AC00] =	vst v63  }
.Ltmp1:
0x68: {  	_ =	swait.ge @!p0 [sflag:s6], $0x2000;
	(pc) =	sbr.rel @p2 .LBB2_4-.Ltmp1, $4  }
0x69: {  	s2 =	simm.s32 @!p0 $0x1;
	s11 =	sadd.s32 $0x400, s11;
	[sflag:s6] =	ssyncset.done @!p0 $0x0  }
0x6a: {  	s3 =	sadd.s32 s5, s15;
	s5 =	simm.s32 @!p0 $0x40;
	[sflag:s6] =	ssyncadd.s32 @!p0 $0xFFFFE000  }
0x6b: {  	[spmem:s14] =	stream.indirect.scatter.add.f32 @!p0 [tilespmem:s4], [sflag:$0x1], $0x80, s31, s5, $0xb8;
	[tilespmem:$0x1AC00] =	vst v63  }
0x6c: {  	p1 =	sgt.u32 s3, $0x1387;
	s31 =	sadd.s32 $0x80, s31;
	_ =	swait.ge @!p0 [sflag:s2], $0x2000  }
0x6d: {  	s0 =	simm.s32 @!p1 $0x0;
	[sflag:s2] =	ssyncset.done @!p0 $0x0;
	p0 =	por p0, p0  }
0x6e: {  	[sflag:s2] =	ssyncadd.s32 @!p0 $0xFFFFE000;
	s2 =	simm.s32 @!p1 $0x5000;
	p0 =	por p1, p1  }
0x6f: {  	[tilespmem:s2], [sflag:$0x2] =	stream.linear.gather @!p0 [hbm4b:s11+s0], $0x2000, $0x38;
	[tilespmem:$0x1AC00] =	vst v63  }
0x70: {  	s0 =	simm.s32 @!p0 $0x2  }
0x71: {  	_ =	swait.ge @!p0 [sflag:s0], $0x2000  }
0x72: {  	[sflag:s0] =	ssyncset.done @!p0 $0x0  }
0x73: {  	[sflag:s0] =	ssyncadd.s32 @!p0 $0xFFFFE000;
	s0 =	simm.s32 @!p0 $0x40  }
0x74: {  	[spmem:s14] =	stream.indirect.scatter.add.f32 @!p0 [tilespmem:s2], [sflag:$0x1], $0x80, s31, s0, $0xb8;
	[tilespmem:$0x1AC00] =	vst v63  }
0x75: {  	s0 =	simm.s32 @!p0 $0x1  }
0x76: {  	_ =	swait.ge @!p0 [sflag:s0], $0x2000  }
0x77: {  	[sflag:s0] =	ssyncset.done @!p0 $0x0;
	p0 =	por p0, p0  }
0x78: {  	s5 =	stileid.u32;
	[sflag:s0] =	ssyncadd.s32 @!p0 $0xFFFFE000  }
0x79: {  	s0 =	sshll.u32 s5, $0x6;
	[bflag:$0x0] =	sbarrier.arrive $0xFFFF  }
0x7a: {  	s6 =	sshrl.u32 s16, $0x3;
	s0 =	sor.u32 $0x1C01, s0;
	s3 =	rddreg [dreg:$0x4]  }
0x7b: {  	[hbm:s3], [sflag:s0] =	dma.local [spmem:s6], $0x400  }
0x7c: {  	_ =	swait.ge [sflag:s30], $0x400  }
0x7d: {  	[sflag:s30] =	ssyncset.done $0x0  }
0x7e: {  	s11 =	sshrl.u32 s17, $0x3;
	s31 =	rddreg [dreg:$0x5];
	[sflag:s30] =	ssyncadd.s32 $0xFFFFFC00  }
0x7f: {  	[hbm:s31], [sflag:s0] =	dma.local [spmem:s11], $0x400  }
0x80: {  	_ =	swait.ge [sflag:s30], $0x400  }
0x81: {  	[sflag:s30] =	ssyncset.done $0x0  }
0x82: {  	s3 =	sshrl.u32 s18, $0x3;
	s4 =	rddreg [dreg:$0x6];
	[sflag:s30] =	ssyncadd.s32 $0xFFFFFC00  }
0x83: {  	[hbm:s4], [sflag:s0] =	dma.local [spmem:s3], $0x400  }
0x84: {  	_ =	swait.ge [sflag:s30], $0x400  }
0x85: {  	[sflag:s30] =	ssyncset.done $0x0  }
0x86: {  	s5 =	sshrl.u32 s19, $0x3;
	s6 =	rddreg [dreg:$0x7];
	[sflag:s30] =	ssyncadd.s32 $0xFFFFFC00  }
0x87: {  	[hbm:s6], [sflag:s0] =	dma.local [spmem:s5], $0x400  }
0x88: {  	_ =	swait.ge [sflag:s30], $0x400  }
0x89: {  	[sflag:s30] =	ssyncset.done $0x0  }
0x8a: {  	s11 =	sshrl.u32 s20, $0x3;
	s31 =	rddreg [dreg:$0x8];
	[sflag:s30] =	ssyncadd.s32 $0xFFFFFC00  }
0x8b: {  	[hbm:s31], [sflag:s0] =	dma.local [spmem:s11], $0x400  }
0x8c: {  	_ =	swait.ge [sflag:s30], $0x400  }
0x8d: {  	[sflag:s30] =	ssyncset.done $0x0  }
0x8e: {  	s4 =	sshrl.u32 s21, $0x3;
	[sflag:s30] =	ssyncadd.s32 $0xFFFFFC00  }
0x8f: {  	[hbm:s7], [sflag:s0] =	dma.local [spmem:s4], $0x400  }
0x90: {  	_ =	swait.ge [sflag:s30], $0x400  }
0x91: {  	[sflag:s30] =	ssyncset.done $0x0  }
0x92: {  	s5 =	sshrl.u32 s22, $0x3;
	[sflag:s30] =	ssyncadd.s32 $0xFFFFFC00  }
0x93: {  	[hbm:s8], [sflag:s0] =	dma.local [spmem:s5], $0x400  }
0x94: {  	_ =	swait.ge [sflag:s30], $0x400  }
0x95: {  	[sflag:s30] =	ssyncset.done $0x0  }
0x96: {  	s6 =	sshrl.u32 s23, $0x3;
	[sflag:s30] =	ssyncadd.s32 $0xFFFFFC00  }
0x97: {  	[hbm:s9], [sflag:s0] =	dma.local [spmem:s6], $0x400  }
0x98: {  	_ =	swait.ge [sflag:s30], $0x400  }
0x99: {  	[sflag:s30] =	ssyncset.done $0x0  }
0x9a: {  	s11 =	sshrl.u32 s24, $0x3;
	[sflag:s30] =	ssyncadd.s32 $0xFFFFFC00  }
0x9b: {  	[hbm:s10], [sflag:s0] =	dma.local [spmem:s11], $0x400  }
0x9c: {  	s1 =	sadd.s32 $0x1, s1;
	_ =	swait.ge [sflag:s30], $0x400  }
0x9d: {  	p0 =	sne.s32 s1, s28;
	[sflag:s30] =	ssyncset.done $0x0  }
.Ltmp2:
0x9e: {  	s31 =	sshrl.u32 s25, $0x3;
	[sflag:s30] =	ssyncadd.s32 $0xFFFFFC00;
	(pc) =	sbr.rel @p0 .LBB2_1-.Ltmp2, $4  }
0x9f: {  	[hbm:s12], [sflag:s0] =	dma.local [spmem:s31], $0x380  }
0xa0: {  	_ =	swait.ge [sflag:s30], $0x380  }
0xa1: {  	[sflag:s30] =	ssyncset.done $0x0  }
0xa2: {  	[sflag:s30] =	ssyncadd.s32 $0xFFFFFC80  }
0xa3: {  	_ =	sfence.sel $0x180000  }
0xa4: {  	[bflag:$0x0] =	sbarrier.arrive $0xFFFF  }
0xa5: {  	_ =	strace $0x9000004A  }
0xa6: {  	s0 =	stileid.u32;
	[bflag:$0x2] =	sbarrier.arrive $0xFFFF  }
0xa7: {  	p0 =	sne.s32 s0, $0x0;
	s0 =	rddreg [dreg:$0x3]  }
0xa8: {  	s0 =	sadd.s32 @!p0 $0x100000, s0  }
0xa9: {  	[sflag:s0] =	ssyncadd.tile.s32 @!p0 $0x1;
	_ =	shalt  }
.Lfunc_end2:
_tile_overlayer_lowered:
.L_overlay_start_2:
0xaa: {  	(tag) =	ssettag $0x2  }
0xab: {  	s0 =	rddreg [dreg:$0x0];
	s2 =	stileid.u32  }
0xac: {  	s1 =	rddreg [dreg:$0x1];
	p0 =	sne.s32 s2, $0x0  }
0xad: {  	s3 =	rddreg [dreg:$0x2];
	[bflag:$0x3] =	sbarrier.arrive $0xFFFF;
	s2 =	simm.s32 @!p0 $0x1C01  }
0xae: {  	[timem:s3], [sflag:s2] =	dma.local @!p0 [hbm:s0], s1  }
0xaf: {  	s0 =	simm.s32 @!p0 $0x1  }
0xb0: {  	_ =	swait.ge @!p0 [sflag:s0], s1  }
0xb1: {  	s1 =	ssub.s32 @!p0 $0x0, s1;
	[sflag:s0] =	ssyncset.done @!p0 $0x0  }
0xb2: {  	[sflag:s0] =	ssyncadd.s32 @!p0 s1  }
0xb3: {  	[bflag:$0x3] =	sbarrier.arrive $0xFFFF  }
0xb4: {  	_ =	shalt  }

</sc_bundles>
